<compile_context>
chip_gen: v7x
topology: tpu7x:2x2x1
jax: 0.10.2.dev20260603
libtpu: 0.0.44.dev20260713+nightly
codegen_flags: <defaults>
</compile_context>

<pallas_src>
import functools

import jax
import jax.numpy as jnp
from jax import lax
from jax.experimental import pallas as pl
from jax.experimental.pallas import tpu as pltpu
from jax.experimental.pallas import tpu_sc as plsc

N = 9996
E = 319872
NG = 147
NN = 68
H = 128
C = 16
EPS = 1e-15

NP = 10240
PADROW = NP - 1
NW = 32
K = 128
EW = (E + NW * K - 1) // (NW * K) * K
NCH = EW // K
ZR = NP // 16

DH = 64
NW2 = 16
NPASS = 2
EW2 = (E + NW2 * NPASS * K - 1) // (NW2 * NPASS * K) * K
NCH2H = EW2 // K
NCH2 = NPASS * NCH2H


def _sc_segsum16(D):
    mesh = plsc.VectorSubcoreMesh(core_axis_name="c", subcore_axis_name="s")

    @functools.partial(
        pl.kernel,
        out_type=jax.ShapeDtypeStruct((2, NP, D), jnp.float32),
        mesh=mesh,
        compiler_params=pltpu.CompilerParams(use_tc_tiling_on_sc=False),
        scratch_types=[
            pltpu.VMEM((NCH, K), jnp.int32),
            pltpu.VMEM((NCH, K), jnp.int32),
            pltpu.VMEM((3, K, D), jnp.float32),
            pltpu.VMEM_SHARED((NP, D), jnp.float32),
            pltpu.SemaphoreType.DMA,
        ],
    )
    def k(h_hbm, srcr_hbm, dstr_hbm, zeros_hbm, out_hbm,
          sidx, didx, rows_v, acc_sh, gsem):
        c = lax.axis_index("c")
        sid = lax.axis_index("s")
        w = sid * 2 + c
        pltpu.sync_copy(srcr_hbm.at[w], sidx)
        pltpu.sync_copy(dstr_hbm.at[w], didx)
        pltpu.sync_copy(zeros_hbm.at[pl.ds(sid * ZR, ZR)],
                        acc_sh.at[pl.ds(sid * ZR, ZR)])
        plsc.subcore_barrier()

        pltpu.async_copy(h_hbm.at[sidx.at[0]], rows_v.at[0], gsem)
        pltpu.async_copy(h_hbm.at[sidx.at[1]], rows_v.at[1], gsem)

        @pl.loop(0, NCH - 2)
        def _(j):
            pltpu.make_async_copy(h_hbm.at[sidx.at[j]],
                                  rows_v.at[j % 3], gsem).wait()
            pltpu.async_copy(h_hbm.at[sidx.at[j + 2]],
                             rows_v.at[(j + 2) % 3], gsem)
            pltpu.sync_copy(rows_v.at[j % 3], acc_sh.at[didx.at[j]],
                            add=True)

        @pl.loop(NCH - 2, NCH)
        def _(j):
            pltpu.make_async_copy(h_hbm.at[sidx.at[j]],
                                  rows_v.at[j % 3], gsem).wait()
            pltpu.sync_copy(rows_v.at[j % 3], acc_sh.at[didx.at[j]],
                            add=True)

        plsc.subcore_barrier()
        pltpu.sync_copy(acc_sh.at[pl.ds(sid * ZR, ZR)],
                        out_hbm.at[c, pl.ds(sid * ZR, ZR)])

    return k


def _sc_segsum_colsplit():
    mesh = plsc.VectorSubcoreMesh(core_axis_name="c", subcore_axis_name="s")

    @functools.partial(
        pl.kernel,
        out_type=jax.ShapeDtypeStruct((2, NP, DH), jnp.float32),
        mesh=mesh,
        compiler_params=pltpu.CompilerParams(use_tc_tiling_on_sc=False),
        scratch_types=[
            pltpu.VMEM((NCH2H, K), jnp.int32),
            pltpu.VMEM((NCH2H, K), jnp.int32),
            pltpu.VMEM((3, K, DH), jnp.float32),
            pltpu.VMEM_SHARED((NP, DH), jnp.float32),
            pltpu.VMEM_SHARED((NP, DH), jnp.float32),
            pltpu.SemaphoreType.DMA,
        ],
    )
    def k(h2_hbm, srcr_hbm, dstr_hbm, zeros_hbm, out_hbm,
          sidx, didx, rows_v, h_sh, acc_sh, gsem):
        c = lax.axis_index("c")
        sid = lax.axis_index("s")
        pltpu.sync_copy(zeros_hbm.at[pl.ds(sid * ZR, ZR)],
                        acc_sh.at[pl.ds(sid * ZR, ZR)])
        pltpu.sync_copy(h2_hbm.at[c, pl.ds(sid * ZR, ZR)],
                        h_sh.at[pl.ds(sid * ZR, ZR)])
        plsc.subcore_barrier()

        for p in range(NPASS):
            t = sid * NPASS + p
            pltpu.sync_copy(srcr_hbm.at[t], sidx)
            pltpu.sync_copy(dstr_hbm.at[t], didx)
            pltpu.async_copy(h_sh.at[sidx.at[0]], rows_v.at[0], gsem)
            pltpu.async_copy(h_sh.at[sidx.at[1]], rows_v.at[1], gsem)

            @pl.loop(0, NCH2H - 2)
            def _(j):
                pltpu.make_async_copy(h_sh.at[sidx.at[j]],
                                      rows_v.at[j % 3], gsem).wait()
                pltpu.async_copy(h_sh.at[sidx.at[j + 2]],
                                 rows_v.at[(j + 2) % 3], gsem)
                pltpu.sync_copy(rows_v.at[j % 3], acc_sh.at[didx.at[j]],
                                add=True)

            @pl.loop(NCH2H - 2, NCH2H)
            def _(j):
                pltpu.make_async_copy(h_sh.at[sidx.at[j]],
                                      rows_v.at[j % 3], gsem).wait()
                pltpu.sync_copy(rows_v.at[j % 3], acc_sh.at[didx.at[j]],
                                add=True)

        plsc.subcore_barrier()
        pltpu.sync_copy(acc_sh.at[pl.ds(sid * ZR, ZR)],
                        out_hbm.at[c, pl.ds(sid * ZR, ZR)])

    return k


BRW = 512


def _tc_layer1(p, x16, A, Br, bias):

    def body(p_ref, h_ref, a_ref, b_ref, bias_ref, o_ref):
        agg = p_ref[0] + p_ref[1]
        acc = jnp.dot(agg, a_ref[...], preferred_element_type=jnp.float32)
        acc = acc + jnp.dot(h_ref[...], b_ref[...],
                            preferred_element_type=jnp.float32)
        acc = acc + bias_ref[...]
        i = pl.program_id(0)
        rows = i * BRW + lax.broadcasted_iota(jnp.int32, (BRW, 1), 0)
        res = jnp.where(rows < N, jnp.maximum(acc, 0.0), 0.0)
        o_ref[0] = res[:, :DH]
        o_ref[1] = res[:, DH:]

    return pl.pallas_call(
        body,
        grid=(NP // BRW,),
        in_specs=[
            pl.BlockSpec((2, BRW, 16), lambda i: (0, i, 0)),
            pl.BlockSpec((BRW, 16), lambda i: (i, 0)),
            pl.BlockSpec((16, H), lambda i: (0, 0)),
            pl.BlockSpec((16, H), lambda i: (0, 0)),
            pl.BlockSpec((1, H), lambda i: (0, 0)),
        ],
        out_specs=pl.BlockSpec((2, BRW, DH), lambda i: (0, i, 0)),
        out_shape=jax.ShapeDtypeStruct((2, NP, DH), jnp.float32),
    )(p, x16, A, Br, bias)


def _tc_layer(p, h_prev, A, Br, bias, split_out):

    def body(p_ref, h_ref, a_ref, b_ref, bias_ref, o_ref):
        agg = jnp.concatenate([p_ref[0], p_ref[1]], axis=1)
        hp = jnp.concatenate([h_ref[0], h_ref[1]], axis=1)
        acc = jnp.dot(agg, a_ref[...], preferred_element_type=jnp.float32)
        acc = acc + jnp.dot(hp, b_ref[...],
                            preferred_element_type=jnp.float32)
        acc = acc + bias_ref[...]
        i = pl.program_id(0)
        rows = i * BRW + lax.broadcasted_iota(jnp.int32, (BRW, 1), 0)
        res = jnp.where(rows < N, jnp.maximum(acc, 0.0), 0.0)
        if split_out:
            o_ref[0] = res[:, :DH]
            o_ref[1] = res[:, DH:]
        else:
            o_ref[...] = res

    if split_out:
        out_spec = pl.BlockSpec((2, BRW, DH), lambda i: (0, i, 0))
        out_shape = jax.ShapeDtypeStruct((2, NP, DH), jnp.float32)
    else:
        out_spec = pl.BlockSpec((BRW, H), lambda i: (i, 0))
        out_shape = jax.ShapeDtypeStruct((NP, H), jnp.float32)

    return pl.pallas_call(
        body,
        grid=(NP // BRW,),
        in_specs=[
            pl.BlockSpec((2, BRW, DH), lambda i: (0, i, 0)),
            pl.BlockSpec((2, BRW, DH), lambda i: (0, i, 0)),
            pl.BlockSpec((H, H), lambda i: (0, 0)),
            pl.BlockSpec((H, H), lambda i: (0, 0)),
            pl.BlockSpec((1, H), lambda i: (0, 0)),
        ],
        out_specs=out_spec,
        out_shape=out_shape,
    )(p, h_prev, A, Br, bias)


BG = 7


def _tc_pool(h3, adj, s):

    def body(xr_ref, adj_ref, s_ref, out_ref, oadj_ref, acc_ref):
        g = pl.program_id(0)

        @pl.when(g == 0)
        def _():
            acc_ref[0, 0] = 0.0
            acc_ref[0, 1] = 0.0

        link_tot = jnp.float32(0.0)
        ent_tot = jnp.float32(0.0)
        for t in range(BG):
            sg = s_ref[t]
            m = jnp.exp(sg - jnp.max(sg, axis=-1, keepdims=True))
            ssm = m / jnp.sum(m, axis=-1, keepdims=True)
            xg = xr_ref[t]
            ag = adj_ref[t]
            out_ref[t] = lax.dot_general(
                ssm, xg, (((0,), (0,)), ((), ())),
                preferred_element_type=jnp.float32)
            ta = lax.dot_general(
                ssm, ag, (((0,), (0,)), ((), ())),
                preferred_element_type=jnp.float32)
            oadj_ref[t] = lax.dot_general(
                ta, ssm, (((1,), (0,)), ((), ())),
                preferred_element_type=jnp.float32)
            link = ag - lax.dot_general(
                ssm, ssm, (((1,), (1,)), ((), ())),
                preferred_element_type=jnp.float32)
            link_tot = link_tot + jnp.sum(link * link)
            ent_tot = ent_tot + jnp.sum(-ssm * jnp.log(ssm + EPS))
        acc_ref[0, 0] += link_tot
        acc_ref[0, 1] += ent_tot

    return pl.pallas_call(
        body,
        grid=(NG // BG,),
        in_specs=[
            pl.BlockSpec((BG, NN, H), lambda g: (g, 0, 0)),
            pl.BlockSpec((BG, NN, NN), lambda g: (g, 0, 0)),
            pl.BlockSpec((BG, NN, C), lambda g: (g, 0, 0)),
        ],
        out_specs=[
            pl.BlockSpec((BG, C, H), lambda g: (g, 0, 0)),
            pl.BlockSpec((BG, C, C), lambda g: (g, 0, 0)),
            pl.BlockSpec(memory_space=pltpu.SMEM),
        ],
        out_shape=[
            jax.ShapeDtypeStruct((NG, C, H), jnp.float32),
            jax.ShapeDtypeStruct((NG, C, C), jnp.float32),
            jax.ShapeDtypeStruct((1, 2), jnp.float32),
        ],
    )(h3, adj, s)


def _reshape_idx(v, nw, nch):
    padn = nw * nch * K - E
    return jnp.concatenate(
        [v, jnp.full((padn,), PADROW, jnp.int32)]).reshape(nw, nch, K)


def kernel(x, edge_index, adj, s, pos,
           W_rel1, b_rel1, W_root1,
           W_rel2, b_rel2, W_root2,
           W_rel3, b_rel3, W_root3):
    src = edge_index[0]
    dst = edge_index[1]

    srcr = _reshape_idx(src, NW, NCH)
    dstr = _reshape_idx(dst, NW, NCH)

    x16 = jnp.zeros((NP, 16), jnp.float32).at[:N, :2].set(x)
    z16 = jnp.zeros((NP, 16), jnp.float32)
    z64 = jnp.zeros((NP, DH), jnp.float32)

    A1 = jnp.zeros((16, H), jnp.float32).at[:2, :].set(W_rel1.T)
    B1 = jnp.zeros((16, H), jnp.float32).at[:2, :].set(W_root1.T)

    seg16 = _sc_segsum16(16)
    seg64 = _sc_segsum_colsplit()

    p1 = seg16(x16, srcr, dstr, z16)
    h1 = _tc_layer1(p1, x16, A1, B1, b_rel1.reshape(1, H))

    p2 = seg64(h1, srcr, dstr, z64)
    h2 = _tc_layer(p2, h1, W_rel2.T, W_root2.T, b_rel2.reshape(1, H),
                   split_out=True)

    p3 = seg64(h2, srcr, dstr, z64)
    h3 = _tc_layer(p3, h2, W_rel3.T, W_root3.T, b_rel3.reshape(1, H),
                   split_out=False)

    xr = h3[:N].reshape(NG, NN, H)
    out, out_adj, acc = _tc_pool(xr, adj, s)
    link_loss = jnp.sqrt(acc[0, 0]) / (NG * NN * NN)
    ent_loss = acc[0, 1] / (NG * NN)
    return out, out_adj, link_loss, ent_loss, pos

# --- scband reference (transcript-rebuilt; emitter-appended) ---
"""Pipeline reference for scband-lmrk-encoder-h-8443905704056 (READ-ONLY COPY).

The authoritative reference and input builder live on the scoring server;
editing this copy changes nothing except your own understanding.
"""

import jax, jax.numpy as jnp
import numpy as np

N = 9996
E = 319872
NG = 147
NN = 68
F_IN = 2
H = 128
C = 16
EPS = 1e-15


def _graph_conv(x, src, dst, W_rel, b_rel, W_root):
    # PyG GraphConv (aggr='add'): out_i = W_rel @ sum_{j->i} x_j + b_rel + W_root @ x_i
    agg = jax.ops.segment_sum(x[src], dst, num_segments=x.shape[0])
    return agg @ W_rel.T + b_rel + x @ W_root.T


def setup_inputs(seed: int = 0) -> dict:
    key = jax.random.key(seed)
    ks = jax.random.split(key, 12)
    inp = {}
    inp["x"] = jax.random.normal(ks[0], (N, F_IN), dtype=jnp.float32)
    inp["edge_index"] = jax.random.randint(ks[1], (2, E), 0, N, dtype=jnp.int32)
    inp["adj"] = jax.random.uniform(ks[2], (NG, NN, NN), dtype=jnp.float32)
    inp["s"] = jax.random.normal(ks[3], (NG, NN, C), dtype=jnp.float32)
    inp["pos"] = jax.random.normal(ks[4], (N, F_IN), dtype=jnp.float32)
    sc1 = 0.5
    sc = 0.08
    inp["W_rel1"] = jax.random.normal(ks[5], (H, F_IN), dtype=jnp.float32) * sc1
    inp["b_rel1"] = jnp.zeros((H,), jnp.float32)
    inp["W_root1"] = jax.random.normal(ks[6], (H, F_IN), dtype=jnp.float32) * sc1
    inp["W_rel2"] = jax.random.normal(ks[7], (H, H), dtype=jnp.float32) * sc
    inp["b_rel2"] = jnp.zeros((H,), jnp.float32)
    inp["W_root2"] = jax.random.normal(ks[8], (H, H), dtype=jnp.float32) * sc
    inp["W_rel3"] = jax.random.normal(ks[9], (H, H), dtype=jnp.float32) * sc
    inp["b_rel3"] = jnp.zeros((H,), jnp.float32)
    inp["W_root3"] = jax.random.normal(ks[10], (H, H), dtype=jnp.float32) * sc
    return inp


def reference(x, edge_index, adj, s, pos, W_rel1, b_rel1, W_root1, W_rel2, b_rel2, W_root2, W_rel3, b_rel3, W_root3):
    src = edge_index[0]
    dst = edge_index[1]
    h = jax.nn.relu(_graph_conv(x, src, dst, W_rel1, b_rel1, W_root1))
    h = jax.nn.relu(_graph_conv(h, src, dst, W_rel2, b_rel2, W_root2))
    h = jax.nn.relu(_graph_conv(h, src, dst, W_rel3, b_rel3, W_root3))
    xr = h.reshape(NG, NN, H).astype(jnp.float32)
    # dense_diff_pool (PyG semantics)
    s_sm = jax.nn.softmax(s, axis=-1)
    st = jnp.swapaxes(s_sm, 1, 2)
    out = jnp.matmul(st, xr)
    out_adj = jnp.matmul(jnp.matmul(st, adj), s_sm)
    link = adj - jnp.matmul(s_sm, st)
    link_loss = jnp.sqrt(jnp.sum(link ** 2)) / adj.size
    ent_loss = jnp.mean(jnp.sum(-s_sm * jnp.log(s_sm + EPS), axis=-1))
    return out, out_adj, link_loss, ent_loss, pos

if __name__ == "__main__":
    import jax
    _d = setup_inputs()
    print(jax.jit(kernel)(*tuple(_d.values())))

</pallas_src>

<mosaic_0001>
#map = affine_map<(d0, d1) -> (0, 0)>
#map1 = affine_map<(d0, d1) -> (0, 0, 0)>
module attributes {stable_mosaic.version = 14 : i64} {
  func.func @k(%arg0: i32, %arg1: i32, %arg2: memref<10240x16xf32, #tpu.memory_space<hbm>>, %arg3: memref<32x79x128xi32, #tpu.memory_space<hbm>>, %arg4: memref<32x79x128xi32, #tpu.memory_space<hbm>>, %arg5: memref<10240x16xf32, #tpu.memory_space<hbm>>, %arg6: memref<2x10240x16xf32, #tpu.memory_space<hbm>>, %arg7: memref<79x128xi32, #tpu.memory_space<vmem>>, %arg8: memref<79x128xi32, #tpu.memory_space<vmem>>, %arg9: memref<3x128x16xf32, #tpu.memory_space<vmem>>, %arg10: memref<10240x16xf32, #tpu.memory_space<vmem_shared>>, %arg11: memref<!tpu.dma_semaphore, #tpu.memory_space<semaphore_mem>>) attributes {dimension_semantics = [#tpu.dimension_semantics<core_parallel>, #tpu.dimension_semantics<subcore_parallel>], iteration_bounds = array<i64: 2, 16>, scalar_prefetch = 0 : i64, scratch_operands = 5 : i64, tpu.core_type = #tpu.core_type<sc_vector_subcore>, window_params = [{transform_indices = #map}, {transform_indices = #map1}, {transform_indices = #map1}, {transform_indices = #map}, {transform_indices = #map1}]} {
    %mul3A = arith.constant 2 : i32
    %mul3A_0 = arith.muli %arg1, %mul3A : i32
    %add3A = arith.addi %mul3A_0, %arg0 : i32
    "tpu.region"() ({
      %run_scoped3A = tpu.sem_alloc : memref<!tpu.dma_semaphore, #tpu.memory_space<semaphore_mem>>
      %dma_start3A_42 = arith.constant 0 : i32
      %dma_start3A_43 = arith.constant 0 : i32
      %dma_start3A_44 = tpu.memref_slice %arg3[%add3A, %dma_start3A_42, %dma_start3A_43] : memref<32x79x128xi32, #tpu.memory_space<hbm>> -> memref<1x79x128xi32, #tpu.memory_space<hbm>>
      %dma_start3A_45 = tpu.memref_squeeze %dma_start3A_44 : memref<1x79x128xi32, #tpu.memory_space<hbm>> -> memref<79x128xi32, #tpu.memory_space<hbm>>
      %dma_start3A_46 = arith.constant 0 : i32
      %dma_start3A_47 = arith.constant 0 : i32
      %dma_start3A_48 = tpu.memref_slice %arg3[%add3A, %dma_start3A_46, %dma_start3A_47] : memref<32x79x128xi32, #tpu.memory_space<hbm>> -> memref<1x79x128xi32, #tpu.memory_space<hbm>>
      %dma_start3A_49 = tpu.memref_squeeze %dma_start3A_48 : memref<1x79x128xi32, #tpu.memory_space<hbm>> -> memref<79x128xi32, #tpu.memory_space<hbm>>
      tpu.enqueue_dma source(%dma_start3A_49 : memref<79x128xi32, #tpu.memory_space<hbm>>) target(%arg7 : memref<79x128xi32, #tpu.memory_space<vmem>>) target_semaphore(%run_scoped3A : memref<!tpu.dma_semaphore, #tpu.memory_space<semaphore_mem>>)
      %dma_wait3A = arith.constant 0 : i32
      %dma_wait3A_50 = arith.constant 0 : i32
      %dma_wait3A_51 = tpu.memref_slice %arg3[%add3A, %dma_wait3A, %dma_wait3A_50] : memref<32x79x128xi32, #tpu.memory_space<hbm>> -> memref<1x79x128xi32, #tpu.memory_space<hbm>>
      %dma_wait3A_52 = tpu.memref_squeeze %dma_wait3A_51 : memref<1x79x128xi32, #tpu.memory_space<hbm>> -> memref<79x128xi32, #tpu.memory_space<hbm>>
      %dma_wait3A_53 = arith.constant 0 : i32
      %dma_wait3A_54 = arith.constant 0 : i32
      %dma_wait3A_55 = tpu.memref_slice %arg3[%add3A, %dma_wait3A_53, %dma_wait3A_54] : memref<32x79x128xi32, #tpu.memory_space<hbm>> -> memref<1x79x128xi32, #tpu.memory_space<hbm>>
      %dma_wait3A_56 = tpu.memref_squeeze %dma_wait3A_55 : memref<1x79x128xi32, #tpu.memory_space<hbm>> -> memref<79x128xi32, #tpu.memory_space<hbm>>
      tpu.wait_dma2 semaphore(%run_scoped3A : memref<!tpu.dma_semaphore, #tpu.memory_space<semaphore_mem>>) src(%dma_wait3A_56 : memref<79x128xi32, #tpu.memory_space<hbm>>) dst(%arg7 : memref<79x128xi32, #tpu.memory_space<vmem>>)
      tpu.yield
    }) : () -> ()
    "tpu.region"() ({
      %run_scoped3A = tpu.sem_alloc : memref<!tpu.dma_semaphore, #tpu.memory_space<semaphore_mem>>
      %dma_start3A_42 = arith.constant 0 : i32
      %dma_start3A_43 = arith.constant 0 : i32
      %dma_start3A_44 = tpu.memref_slice %arg4[%add3A, %dma_start3A_42, %dma_start3A_43] : memref<32x79x128xi32, #tpu.memory_space<hbm>> -> memref<1x79x128xi32, #tpu.memory_space<hbm>>
      %dma_start3A_45 = tpu.memref_squeeze %dma_start3A_44 : memref<1x79x128xi32, #tpu.memory_space<hbm>> -> memref<79x128xi32, #tpu.memory_space<hbm>>
      %dma_start3A_46 = arith.constant 0 : i32
      %dma_start3A_47 = arith.constant 0 : i32
      %dma_start3A_48 = tpu.memref_slice %arg4[%add3A, %dma_start3A_46, %dma_start3A_47] : memref<32x79x128xi32, #tpu.memory_space<hbm>> -> memref<1x79x128xi32, #tpu.memory_space<hbm>>
      %dma_start3A_49 = tpu.memref_squeeze %dma_start3A_48 : memref<1x79x128xi32, #tpu.memory_space<hbm>> -> memref<79x128xi32, #tpu.memory_space<hbm>>
      tpu.enqueue_dma source(%dma_start3A_49 : memref<79x128xi32, #tpu.memory_space<hbm>>) target(%arg8 : memref<79x128xi32, #tpu.memory_space<vmem>>) target_semaphore(%run_scoped3A : memref<!tpu.dma_semaphore, #tpu.memory_space<semaphore_mem>>)
      %dma_wait3A = arith.constant 0 : i32
      %dma_wait3A_50 = arith.constant 0 : i32
      %dma_wait3A_51 = tpu.memref_slice %arg4[%add3A, %dma_wait3A, %dma_wait3A_50] : memref<32x79x128xi32, #tpu.memory_space<hbm>> -> memref<1x79x128xi32, #tpu.memory_space<hbm>>
      %dma_wait3A_52 = tpu.memref_squeeze %dma_wait3A_51 : memref<1x79x128xi32, #tpu.memory_space<hbm>> -> memref<79x128xi32, #tpu.memory_space<hbm>>
      %dma_wait3A_53 = arith.constant 0 : i32
      %dma_wait3A_54 = arith.constant 0 : i32
      %dma_wait3A_55 = tpu.memref_slice %arg4[%add3A, %dma_wait3A_53, %dma_wait3A_54] : memref<32x79x128xi32, #tpu.memory_space<hbm>> -> memref<1x79x128xi32, #tpu.memory_space<hbm>>
      %dma_wait3A_56 = tpu.memref_squeeze %dma_wait3A_55 : memref<1x79x128xi32, #tpu.memory_space<hbm>> -> memref<79x128xi32, #tpu.memory_space<hbm>>
      tpu.wait_dma2 semaphore(%run_scoped3A : memref<!tpu.dma_semaphore, #tpu.memory_space<semaphore_mem>>) src(%dma_wait3A_56 : memref<79x128xi32, #tpu.memory_space<hbm>>) dst(%arg8 : memref<79x128xi32, #tpu.memory_space<vmem>>)
      tpu.yield
    }) : () -> ()
    %mul3A_1 = arith.constant 640 : i32
    %mul3A_2 = arith.muli %arg1, %mul3A_1 : i32
    %mul3A_3 = arith.constant 640 : i32
    %mul3A_4 = arith.muli %arg1, %mul3A_3 : i32
    "tpu.region"() ({
      %run_scoped3A = tpu.sem_alloc : memref<!tpu.dma_semaphore, #tpu.memory_space<semaphore_mem>>
      %dma_start3A_42 = arith.constant 0 : i32
      %dma_start3A_43 = tpu.memref_slice %arg10[%mul3A_4, %dma_start3A_42] : memref<10240x16xf32, #tpu.memory_space<vmem_shared>> -> memref<640x16xf32, #tpu.memory_space<vmem_shared>>
      %dma_start3A_44 = arith.constant 0 : i32
      %dma_start3A_45 = tpu.memref_slice %arg5[%mul3A_2, %dma_start3A_44] : memref<10240x16xf32, #tpu.memory_space<hbm>> -> memref<640x16xf32, #tpu.memory_space<hbm>>
      tpu.enqueue_dma source(%dma_start3A_45 : memref<640x16xf32, #tpu.memory_space<hbm>>) target(%dma_start3A_43 : memref<640x16xf32, #tpu.memory_space<vmem_shared>>) target_semaphore(%run_scoped3A : memref<!tpu.dma_semaphore, #tpu.memory_space<semaphore_mem>>)
      %dma_wait3A = arith.constant 0 : i32
      %dma_wait3A_46 = tpu.memref_slice %arg10[%mul3A_4, %dma_wait3A] : memref<10240x16xf32, #tpu.memory_space<vmem_shared>> -> memref<640x16xf32, #tpu.memory_space<vmem_shared>>
      %dma_wait3A_47 = arith.constant 0 : i32
      %dma_wait3A_48 = tpu.memref_slice %arg5[%mul3A_2, %dma_wait3A_47] : memref<10240x16xf32, #tpu.memory_space<hbm>> -> memref<640x16xf32, #tpu.memory_space<hbm>>
      tpu.wait_dma2 semaphore(%run_scoped3A : memref<!tpu.dma_semaphore, #tpu.memory_space<semaphore_mem>>) src(%dma_wait3A_48 : memref<640x16xf32, #tpu.memory_space<hbm>>) dst(%dma_wait3A_46 : memref<640x16xf32, #tpu.memory_space<vmem_shared>>)
      tpu.yield
    }) : () -> ()
    %barrier3A = arith.constant 0 : index
    tpu.barrier barrier_id(%barrier3A)
    %dma_start3A = arith.constant 0 : i32
    %dma_start3A_5 = arith.constant 0 : i32
    %dma_start3A_6 = arith.constant 0 : i32
    %dma_start3A_7 = arith.constant 0 : i32
    %dma_start3A_8 = tpu.memref_slice %arg9[%dma_start3A_5, %dma_start3A_6, %dma_start3A_7] : memref<3x128x16xf32, #tpu.memory_space<vmem>> -> memref<1x128x16xf32, #tpu.memory_space<vmem>>
    %dma_start3A_9 = tpu.memref_squeeze %dma_start3A_8 : memref<1x128x16xf32, #tpu.memory_space<vmem>> -> memref<128x16xf32, #tpu.memory_space<vmem>>
    %dma_start3A_10 = arith.constant 0 : i32
    %dma_start3A_11 = tpu.memref_slice %arg7[%dma_start3A, %dma_start3A_10] : memref<79x128xi32, #tpu.memory_space<vmem>> -> memref<1x128xi32, #tpu.memory_space<vmem>>
    %dma_start3A_12 = tpu.memref_squeeze %dma_start3A_11 : memref<1x128xi32, #tpu.memory_space<vmem>> -> memref<128xi32, #tpu.memory_space<vmem>>
    %dma_start3A_13 = arith.constant 0 : i32
    %dma_start3A_14 = arith.constant 0 : i32
    %dma_start3A_15 = tpu.memref_slice %arg2[%dma_start3A_13, %dma_start3A_14] : memref<10240x16xf32, #tpu.memory_space<hbm>> -> memref<10240x16xf32, #tpu.memory_space<hbm>>
    tpu.enqueue_indirect_dma source(%dma_start3A_15 : memref<10240x16xf32, #tpu.memory_space<hbm>>) target(%dma_start3A_9 : memref<128x16xf32, #tpu.memory_space<vmem>>) offsets(%dma_start3A_12 : memref<128xi32, #tpu.memory_space<vmem>>) semaphore(%arg11 : memref<!tpu.dma_semaphore, #tpu.memory_space<semaphore_mem>>)
    %dma_start3A_16 = arith.constant 1 : i32
    %dma_start3A_17 = arith.constant 1 : i32
    %dma_start3A_18 = arith.constant 0 : i32
    %dma_start3A_19 = arith.constant 0 : i32
    %dma_start3A_20 = tpu.memref_slice %arg9[%dma_start3A_17, %dma_start3A_18, %dma_start3A_19] : memref<3x128x16xf32, #tpu.memory_space<vmem>> -> memref<1x128x16xf32, #tpu.memory_space<vmem>>
    %dma_start3A_21 = tpu.memref_squeeze %dma_start3A_20 : memref<1x128x16xf32, #tpu.memory_space<vmem>> -> memref<128x16xf32, #tpu.memory_space<vmem>>
    %dma_start3A_22 = arith.constant 0 : i32
    %dma_start3A_23 = tpu.memref_slice %arg7[%dma_start3A_16, %dma_start3A_22] : memref<79x128xi32, #tpu.memory_space<vmem>> -> memref<1x128xi32, #tpu.memory_space<vmem>>
    %dma_start3A_24 = tpu.memref_squeeze %dma_start3A_23 : memref<1x128xi32, #tpu.memory_space<vmem>> -> memref<128xi32, #tpu.memory_space<vmem>>
    %dma_start3A_25 = arith.constant 0 : i32
    %dma_start3A_26 = arith.constant 0 : i32
    %dma_start3A_27 = tpu.memref_slice %arg2[%dma_start3A_25, %dma_start3A_26] : memref<10240x16xf32, #tpu.memory_space<hbm>> -> memref<10240x16xf32, #tpu.memory_space<hbm>>
    tpu.enqueue_indirect_dma source(%dma_start3A_27 : memref<10240x16xf32, #tpu.memory_space<hbm>>) target(%dma_start3A_21 : memref<128x16xf32, #tpu.memory_space<vmem>>) offsets(%dma_start3A_24 : memref<128xi32, #tpu.memory_space<vmem>>) semaphore(%arg11 : memref<!tpu.dma_semaphore, #tpu.memory_space<semaphore_mem>>)
    %scan3A = arith.constant 0 : i32
    %scan3A_28 = arith.constant 77 : i32
    %scan3A_29 = arith.addi %scan3A, %scan3A_28 : i32
    %scan3A_30 = arith.constant 1 : i32
    scf.for %scan3A_42 = %scan3A to %scan3A_29 step %scan3A_30  : i32 {
      %mul3A_43 = arith.constant 1 : i32
      %mul3A_44 = arith.muli %scan3A_42, %mul3A_43 : i32
      %add3A_45 = arith.constant 0 : i32
      %add3A_46 = arith.addi %add3A_45, %mul3A_44 : i32
      %jit3A = arith.constant 3 : i32
      %eq3A = arith.constant 0 : i32
      %eq3A_47 = arith.cmpi eq, %jit3A, %eq3A : i32
      %jit3A_48 = arith.constant 1 : i32
      %select_n3A = arith.select %eq3A_47, %jit3A_48, %jit3A : i32
      %rem3A = arith.remsi %add3A_46, %select_n3A : i32
      %ne3A = arith.constant 0 : i32
      %ne3A_49 = arith.cmpi ne, %rem3A, %ne3A : i32
      %lt3A = arith.constant 0 : i32
      %lt3A_50 = arith.cmpi slt, %rem3A, %lt3A : i32
      %lt3A_51 = arith.constant 0 : i32
      %lt3A_52 = arith.cmpi slt, %select_n3A, %lt3A_51 : i32
      %ne3A_53 = arith.xori %lt3A_50, %lt3A_52 : i1
      %and3A = arith.andi %ne3A_53, %ne3A_49 : i1
      %add3A_54 = arith.addi %rem3A, %select_n3A : i32
      %select_n3A_55 = arith.select %and3A, %add3A_54, %rem3A : i32
      %dma_wait3A = arith.constant 0 : i32
      %dma_wait3A_56 = arith.constant 0 : i32
      %dma_wait3A_57 = tpu.memref_slice %arg9[%select_n3A_55, %dma_wait3A, %dma_wait3A_56] : memref<3x128x16xf32, #tpu.memory_space<vmem>> -> memref<1x128x16xf32, #tpu.memory_space<vmem>>
      %dma_wait3A_58 = tpu.memref_squeeze %dma_wait3A_57 : memref<1x128x16xf32, #tpu.memory_space<vmem>> -> memref<128x16xf32, #tpu.memory_space<vmem>>
      %dma_wait3A_59 = arith.constant 0 : i32
      %dma_wait3A_60 = tpu.memref_slice %arg7[%add3A_46, %dma_wait3A_59] : memref<79x128xi32, #tpu.memory_space<vmem>> -> memref<1x128xi32, #tpu.memory_space<vmem>>
      %dma_wait3A_61 = tpu.memref_squeeze %dma_wait3A_60 : memref<1x128xi32, #tpu.memory_space<vmem>> -> memref<128xi32, #tpu.memory_space<vmem>>
      %dma_wait3A_62 = arith.constant 0 : i32
      %dma_wait3A_63 = arith.constant 0 : i32
      %dma_wait3A_64 = tpu.memref_slice %arg2[%dma_wait3A_62, %dma_wait3A_63] : memref<10240x16xf32, #tpu.memory_space<hbm>> -> memref<10240x16xf32, #tpu.memory_space<hbm>>
      tpu.wait_indirect_dma semaphore(%arg11 : memref<!tpu.dma_semaphore, #tpu.memory_space<semaphore_mem>>) src(%dma_wait3A_64 : memref<10240x16xf32, #tpu.memory_space<hbm>>) dst(%dma_wait3A_58 : memref<128x16xf32, #tpu.memory_space<vmem>>)
      %add3A_65 = arith.constant 2 : i32
      %add3A_66 = arith.addi %add3A_46, %add3A_65 : i32
      %add3A_67 = arith.constant 2 : i32
      %add3A_68 = arith.addi %add3A_46, %add3A_67 : i32
      %jit3A_69 = arith.constant 3 : i32
      %eq3A_70 = arith.constant 0 : i32
      %eq3A_71 = arith.cmpi eq, %jit3A_69, %eq3A_70 : i32
      %jit3A_72 = arith.constant 1 : i32
      %select_n3A_73 = arith.select %eq3A_71, %jit3A_72, %jit3A_69 : i32
      %rem3A_74 = arith.remsi %add3A_68, %select_n3A_73 : i32
      %ne3A_75 = arith.constant 0 : i32
      %ne3A_76 = arith.cmpi ne, %rem3A_74, %ne3A_75 : i32
      %lt3A_77 = arith.constant 0 : i32
      %lt3A_78 = arith.cmpi slt, %rem3A_74, %lt3A_77 : i32
      %lt3A_79 = arith.constant 0 : i32
      %lt3A_80 = arith.cmpi slt, %select_n3A_73, %lt3A_79 : i32
      %ne3A_81 = arith.xori %lt3A_78, %lt3A_80 : i1
      %and3A_82 = arith.andi %ne3A_81, %ne3A_76 : i1
      %add3A_83 = arith.addi %rem3A_74, %select_n3A_73 : i32
      %select_n3A_84 = arith.select %and3A_82, %add3A_83, %rem3A_74 : i32
      %dma_start3A_85 = arith.constant 0 : i32
      %dma_start3A_86 = arith.constant 0 : i32
      %dma_start3A_87 = tpu.memref_slice %arg9[%select_n3A_84, %dma_start3A_85, %dma_start3A_86] : memref<3x128x16xf32, #tpu.memory_space<vmem>> -> memref<1x128x16xf32, #tpu.memory_space<vmem>>
      %dma_start3A_88 = tpu.memref_squeeze %dma_start3A_87 : memref<1x128x16xf32, #tpu.memory_space<vmem>> -> memref<128x16xf32, #tpu.memory_space<vmem>>
      %dma_start3A_89 = arith.constant 0 : i32
      %dma_start3A_90 = tpu.memref_slice %arg7[%add3A_66, %dma_start3A_89] : memref<79x128xi32, #tpu.memory_space<vmem>> -> memref<1x128xi32, #tpu.memory_space<vmem>>
      %dma_start3A_91 = tpu.memref_squeeze %dma_start3A_90 : memref<1x128xi32, #tpu.memory_space<vmem>> -> memref<128xi32, #tpu.memory_space<vmem>>
      %dma_start3A_92 = arith.constant 0 : i32
      %dma_start3A_93 = arith.constant 0 : i32
      %dma_start3A_94 = tpu.memref_slice %arg2[%dma_start3A_92, %dma_start3A_93] : memref<10240x16xf32, #tpu.memory_space<hbm>> -> memref<10240x16xf32, #tpu.memory_space<hbm>>
      tpu.enqueue_indirect_dma source(%dma_start3A_94 : memref<10240x16xf32, #tpu.memory_space<hbm>>) target(%dma_start3A_88 : memref<128x16xf32, #tpu.memory_space<vmem>>) offsets(%dma_start3A_91 : memref<128xi32, #tpu.memory_space<vmem>>) semaphore(%arg11 : memref<!tpu.dma_semaphore, #tpu.memory_space<semaphore_mem>>)
      %jit3A_95 = arith.constant 3 : i32
      %eq3A_96 = arith.constant 0 : i32
      %eq3A_97 = arith.cmpi eq, %jit3A_95, %eq3A_96 : i32
      %jit3A_98 = arith.constant 1 : i32
      %select_n3A_99 = arith.select %eq3A_97, %jit3A_98, %jit3A_95 : i32
      %rem3A_100 = arith.remsi %add3A_46, %select_n3A_99 : i32
      %ne3A_101 = arith.constant 0 : i32
      %ne3A_102 = arith.cmpi ne, %rem3A_100, %ne3A_101 : i32
      %lt3A_103 = arith.constant 0 : i32
      %lt3A_104 = arith.cmpi slt, %rem3A_100, %lt3A_103 : i32
      %lt3A_105 = arith.constant 0 : i32
      %lt3A_106 = arith.cmpi slt, %select_n3A_99, %lt3A_105 : i32
      %ne3A_107 = arith.xori %lt3A_104, %lt3A_106 : i1
      %and3A_108 = arith.andi %ne3A_107, %ne3A_102 : i1
      %add3A_109 = arith.addi %rem3A_100, %select_n3A_99 : i32
      %select_n3A_110 = arith.select %and3A_108, %add3A_109, %rem3A_100 : i32
      "tpu.region"() ({
        %run_scoped3A = tpu.sem_alloc : memref<!tpu.dma_semaphore, #tpu.memory_space<semaphore_mem>>
        %dma_start3A_111 = arith.constant 0 : i32
        %dma_start3A_112 = arith.constant 0 : i32
        %dma_start3A_113 = tpu.memref_slice %arg9[%select_n3A_110, %dma_start3A_111, %dma_start3A_112] : memref<3x128x16xf32, #tpu.memory_space<vmem>> -> memref<1x128x16xf32, #tpu.memory_space<vmem>>
        %dma_start3A_114 = tpu.memref_squeeze %dma_start3A_113 : memref<1x128x16xf32, #tpu.memory_space<vmem>> -> memref<128x16xf32, #tpu.memory_space<vmem>>
        %dma_start3A_115 = arith.constant 0 : i32
        %dma_start3A_116 = tpu.memref_slice %arg8[%add3A_46, %dma_start3A_115] : memref<79x128xi32, #tpu.memory_space<vmem>> -> memref<1x128xi32, #tpu.memory_space<vmem>>
        %dma_start3A_117 = tpu.memref_squeeze %dma_start3A_116 : memref<1x128xi32, #tpu.memory_space<vmem>> -> memref<128xi32, #tpu.memory_space<vmem>>
        %dma_start3A_118 = arith.constant 0 : i32
        %dma_start3A_119 = arith.constant 0 : i32
        %dma_start3A_120 = tpu.memref_slice %arg10[%dma_start3A_118, %dma_start3A_119] : memref<10240x16xf32, #tpu.memory_space<vmem_shared>> -> memref<10240x16xf32, #tpu.memory_space<vmem_shared>>
        tpu.enqueue_indirect_dma source(%dma_start3A_114 : memref<128x16xf32, #tpu.memory_space<vmem>>) target(%dma_start3A_120 : memref<10240x16xf32, #tpu.memory_space<vmem_shared>>) offsets(%dma_start3A_117 : memref<128xi32, #tpu.memory_space<vmem>>) semaphore(%run_scoped3A : memref<!tpu.dma_semaphore, #tpu.memory_space<semaphore_mem>>) {add = true}
        %dma_wait3A_121 = arith.constant 0 : i32
        %dma_wait3A_122 = arith.constant 0 : i32
        %dma_wait3A_123 = tpu.memref_slice %arg9[%select_n3A_110, %dma_wait3A_121, %dma_wait3A_122] : memref<3x128x16xf32, #tpu.memory_space<vmem>> -> memref<1x128x16xf32, #tpu.memory_space<vmem>>
        %dma_wait3A_124 = tpu.memref_squeeze %dma_wait3A_123 : memref<1x128x16xf32, #tpu.memory_space<vmem>> -> memref<128x16xf32, #tpu.memory_space<vmem>>
        %dma_wait3A_125 = arith.constant 0 : i32
        %dma_wait3A_126 = tpu.memref_slice %arg8[%add3A_46, %dma_wait3A_125] : memref<79x128xi32, #tpu.memory_space<vmem>> -> memref<1x128xi32, #tpu.memory_space<vmem>>
        %dma_wait3A_127 = tpu.memref_squeeze %dma_wait3A_126 : memref<1x128xi32, #tpu.memory_space<vmem>> -> memref<128xi32, #tpu.memory_space<vmem>>
        %dma_wait3A_128 = arith.constant 0 : i32
        %dma_wait3A_129 = arith.constant 0 : i32
        %dma_wait3A_130 = tpu.memref_slice %arg10[%dma_wait3A_128, %dma_wait3A_129] : memref<10240x16xf32, #tpu.memory_space<vmem_shared>> -> memref<10240x16xf32, #tpu.memory_space<vmem_shared>>
        tpu.wait_indirect_dma semaphore(%run_scoped3A : memref<!tpu.dma_semaphore, #tpu.memory_space<semaphore_mem>>) src(%dma_wait3A_124 : memref<128x16xf32, #tpu.memory_space<vmem>>) dst(%dma_wait3A_130 : memref<10240x16xf32, #tpu.memory_space<vmem_shared>>)
        tpu.yield
      }) : () -> ()
    }
    %scan3A_31 = arith.constant 77 : i32
    %scan3A_32 = arith.constant 0 : i32
    %scan3A_33 = arith.constant 2 : i32
    %scan3A_34 = arith.addi %scan3A_32, %scan3A_33 : i32
    %scan3A_35 = arith.constant 1 : i32
    scf.for %scan3A_42 = %scan3A_32 to %scan3A_34 step %scan3A_35  : i32 {
      %mul3A_43 = arith.constant 1 : i32
      %mul3A_44 = arith.muli %scan3A_42, %mul3A_43 : i32
      %add3A_45 = arith.constant 77 : i32
      %add3A_46 = arith.addi %add3A_45, %mul3A_44 : i32
      %jit3A = arith.constant 3 : i32
      %eq3A = arith.constant 0 : i32
      %eq3A_47 = arith.cmpi eq, %jit3A, %eq3A : i32
      %jit3A_48 = arith.constant 1 : i32
      %select_n3A = arith.select %eq3A_47, %jit3A_48, %jit3A : i32
      %rem3A = arith.remsi %add3A_46, %select_n3A : i32
      %ne3A = arith.constant 0 : i32
      %ne3A_49 = arith.cmpi ne, %rem3A, %ne3A : i32
      %lt3A = arith.constant 0 : i32
      %lt3A_50 = arith.cmpi slt, %rem3A, %lt3A : i32
      %lt3A_51 = arith.constant 0 : i32
      %lt3A_52 = arith.cmpi slt, %select_n3A, %lt3A_51 : i32
      %ne3A_53 = arith.xori %lt3A_50, %lt3A_52 : i1
      %and3A = arith.andi %ne3A_53, %ne3A_49 : i1
      %add3A_54 = arith.addi %rem3A, %select_n3A : i32
      %select_n3A_55 = arith.select %and3A, %add3A_54, %rem3A : i32
      %dma_wait3A = arith.constant 0 : i32
      %dma_wait3A_56 = arith.constant 0 : i32
      %dma_wait3A_57 = tpu.memref_slice %arg9[%select_n3A_55, %dma_wait3A, %dma_wait3A_56] : memref<3x128x16xf32, #tpu.memory_space<vmem>> -> memref<1x128x16xf32, #tpu.memory_space<vmem>>
      %dma_wait3A_58 = tpu.memref_squeeze %dma_wait3A_57 : memref<1x128x16xf32, #tpu.memory_space<vmem>> -> memref<128x16xf32, #tpu.memory_space<vmem>>
      %dma_wait3A_59 = arith.constant 0 : i32
      %dma_wait3A_60 = tpu.memref_slice %arg7[%add3A_46, %dma_wait3A_59] : memref<79x128xi32, #tpu.memory_space<vmem>> -> memref<1x128xi32, #tpu.memory_space<vmem>>
      %dma_wait3A_61 = tpu.memref_squeeze %dma_wait3A_60 : memref<1x128xi32, #tpu.memory_space<vmem>> -> memref<128xi32, #tpu.memory_space<vmem>>
      %dma_wait3A_62 = arith.constant 0 : i32
      %dma_wait3A_63 = arith.constant 0 : i32
      %dma_wait3A_64 = tpu.memref_slice %arg2[%dma_wait3A_62, %dma_wait3A_63] : memref<10240x16xf32, #tpu.memory_space<hbm>> -> memref<10240x16xf32, #tpu.memory_space<hbm>>
      tpu.wait_indirect_dma semaphore(%arg11 : memref<!tpu.dma_semaphore, #tpu.memory_space<semaphore_mem>>) src(%dma_wait3A_64 : memref<10240x16xf32, #tpu.memory_space<hbm>>) dst(%dma_wait3A_58 : memref<128x16xf32, #tpu.memory_space<vmem>>)
      %jit3A_65 = arith.constant 3 : i32
      %eq3A_66 = arith.constant 0 : i32
      %eq3A_67 = arith.cmpi eq, %jit3A_65, %eq3A_66 : i32
      %jit3A_68 = arith.constant 1 : i32
      %select_n3A_69 = arith.select %eq3A_67, %jit3A_68, %jit3A_65 : i32
      %rem3A_70 = arith.remsi %add3A_46, %select_n3A_69 : i32
      %ne3A_71 = arith.constant 0 : i32
      %ne3A_72 = arith.cmpi ne, %rem3A_70, %ne3A_71 : i32
      %lt3A_73 = arith.constant 0 : i32
      %lt3A_74 = arith.cmpi slt, %rem3A_70, %lt3A_73 : i32
      %lt3A_75 = arith.constant 0 : i32
      %lt3A_76 = arith.cmpi slt, %select_n3A_69, %lt3A_75 : i32
      %ne3A_77 = arith.xori %lt3A_74, %lt3A_76 : i1
      %and3A_78 = arith.andi %ne3A_77, %ne3A_72 : i1
      %add3A_79 = arith.addi %rem3A_70, %select_n3A_69 : i32
      %select_n3A_80 = arith.select %and3A_78, %add3A_79, %rem3A_70 : i32
      "tpu.region"() ({
        %run_scoped3A = tpu.sem_alloc : memref<!tpu.dma_semaphore, #tpu.memory_space<semaphore_mem>>
        %dma_start3A_81 = arith.constant 0 : i32
        %dma_start3A_82 = arith.constant 0 : i32
        %dma_start3A_83 = tpu.memref_slice %arg9[%select_n3A_80, %dma_start3A_81, %dma_start3A_82] : memref<3x128x16xf32, #tpu.memory_space<vmem>> -> memref<1x128x16xf32, #tpu.memory_space<vmem>>
        %dma_start3A_84 = tpu.memref_squeeze %dma_start3A_83 : memref<1x128x16xf32, #tpu.memory_space<vmem>> -> memref<128x16xf32, #tpu.memory_space<vmem>>
        %dma_start3A_85 = arith.constant 0 : i32
        %dma_start3A_86 = tpu.memref_slice %arg8[%add3A_46, %dma_start3A_85] : memref<79x128xi32, #tpu.memory_space<vmem>> -> memref<1x128xi32, #tpu.memory_space<vmem>>
        %dma_start3A_87 = tpu.memref_squeeze %dma_start3A_86 : memref<1x128xi32, #tpu.memory_space<vmem>> -> memref<128xi32, #tpu.memory_space<vmem>>
        %dma_start3A_88 = arith.constant 0 : i32
        %dma_start3A_89 = arith.constant 0 : i32
        %dma_start3A_90 = tpu.memref_slice %arg10[%dma_start3A_88, %dma_start3A_89] : memref<10240x16xf32, #tpu.memory_space<vmem_shared>> -> memref<10240x16xf32, #tpu.memory_space<vmem_shared>>
        tpu.enqueue_indirect_dma source(%dma_start3A_84 : memref<128x16xf32, #tpu.memory_space<vmem>>) target(%dma_start3A_90 : memref<10240x16xf32, #tpu.memory_space<vmem_shared>>) offsets(%dma_start3A_87 : memref<128xi32, #tpu.memory_space<vmem>>) semaphore(%run_scoped3A : memref<!tpu.dma_semaphore, #tpu.memory_space<semaphore_mem>>) {add = true}
        %dma_wait3A_91 = arith.constant 0 : i32
        %dma_wait3A_92 = arith.constant 0 : i32
        %dma_wait3A_93 = tpu.memref_slice %arg9[%select_n3A_80, %dma_wait3A_91, %dma_wait3A_92] : memref<3x128x16xf32, #tpu.memory_space<vmem>> -> memref<1x128x16xf32, #tpu.memory_space<vmem>>
        %dma_wait3A_94 = tpu.memref_squeeze %dma_wait3A_93 : memref<1x128x16xf32, #tpu.memory_space<vmem>> -> memref<128x16xf32, #tpu.memory_space<vmem>>
        %dma_wait3A_95 = arith.constant 0 : i32
        %dma_wait3A_96 = tpu.memref_slice %arg8[%add3A_46, %dma_wait3A_95] : memref<79x128xi32, #tpu.memory_space<vmem>> -> memref<1x128xi32, #tpu.memory_space<vmem>>
        %dma_wait3A_97 = tpu.memref_squeeze %dma_wait3A_96 : memref<1x128xi32, #tpu.memory_space<vmem>> -> memref<128xi32, #tpu.memory_space<vmem>>
        %dma_wait3A_98 = arith.constant 0 : i32
        %dma_wait3A_99 = arith.constant 0 : i32
        %dma_wait3A_100 = tpu.memref_slice %arg10[%dma_wait3A_98, %dma_wait3A_99] : memref<10240x16xf32, #tpu.memory_space<vmem_shared>> -> memref<10240x16xf32, #tpu.memory_space<vmem_shared>>
        tpu.wait_indirect_dma semaphore(%run_scoped3A : memref<!tpu.dma_semaphore, #tpu.memory_space<semaphore_mem>>) src(%dma_wait3A_94 : memref<128x16xf32, #tpu.memory_space<vmem>>) dst(%dma_wait3A_100 : memref<10240x16xf32, #tpu.memory_space<vmem_shared>>)
        tpu.yield
      }) : () -> ()
    }
    %scan3A_36 = arith.constant 2 : i32
    %barrier3A_37 = arith.constant 0 : index
    tpu.barrier barrier_id(%barrier3A_37)
    %mul3A_38 = arith.constant 640 : i32
    %mul3A_39 = arith.muli %arg1, %mul3A_38 : i32
    %mul3A_40 = arith.constant 640 : i32
    %mul3A_41 = arith.muli %arg1, %mul3A_40 : i32
    "tpu.region"() ({
      %run_scoped3A = tpu.sem_alloc : memref<!tpu.dma_semaphore, #tpu.memory_space<semaphore_mem>>
      %dma_start3A_42 = arith.constant 0 : i32
      %dma_start3A_43 = tpu.memref_slice %arg6[%arg0, %mul3A_41, %dma_start3A_42] : memref<2x10240x16xf32, #tpu.memory_space<hbm>> -> memref<1x640x16xf32, #tpu.memory_space<hbm>>
      %dma_start3A_44 = tpu.memref_squeeze %dma_start3A_43 : memref<1x640x16xf32, #tpu.memory_space<hbm>> -> memref<640x16xf32, #tpu.memory_space<hbm>>
      %dma_start3A_45 = arith.constant 0 : i32
      %dma_start3A_46 = tpu.memref_slice %arg10[%mul3A_39, %dma_start3A_45] : memref<10240x16xf32, #tpu.memory_space<vmem_shared>> -> memref<640x16xf32, #tpu.memory_space<vmem_shared>>
      tpu.enqueue_dma source(%dma_start3A_46 : memref<640x16xf32, #tpu.memory_space<vmem_shared>>) target(%dma_start3A_44 : memref<640x16xf32, #tpu.memory_space<hbm>>) target_semaphore(%run_scoped3A : memref<!tpu.dma_semaphore, #tpu.memory_space<semaphore_mem>>)
      %dma_wait3A = arith.constant 0 : i32
      %dma_wait3A_47 = tpu.memref_slice %arg6[%arg0, %mul3A_41, %dma_wait3A] : memref<2x10240x16xf32, #tpu.memory_space<hbm>> -> memref<1x640x16xf32, #tpu.memory_space<hbm>>
      %dma_wait3A_48 = tpu.memref_squeeze %dma_wait3A_47 : memref<1x640x16xf32, #tpu.memory_space<hbm>> -> memref<640x16xf32, #tpu.memory_space<hbm>>
      %dma_wait3A_49 = arith.constant 0 : i32
      %dma_wait3A_50 = tpu.memref_slice %arg10[%mul3A_39, %dma_wait3A_49] : memref<10240x16xf32, #tpu.memory_space<vmem_shared>> -> memref<640x16xf32, #tpu.memory_space<vmem_shared>>
      tpu.wait_dma2 semaphore(%run_scoped3A : memref<!tpu.dma_semaphore, #tpu.memory_space<semaphore_mem>>) src(%dma_wait3A_50 : memref<640x16xf32, #tpu.memory_space<vmem_shared>>) dst(%dma_wait3A_48 : memref<640x16xf32, #tpu.memory_space<hbm>>)
      tpu.yield
    }) : () -> ()
    return
  }
}

#map = affine_map<(d0, d1) -> (0, 0, 0)>
#map1 = affine_map<(d0, d1) -> (0, 0)>
module attributes {stable_mosaic.version = 14 : i64} {
  func.func @k(%arg0: i32, %arg1: i32, %arg2: memref<2x10240x64xf32, #tpu.memory_space<hbm>>, %arg3: memref<32x79x128xi32, #tpu.memory_space<hbm>>, %arg4: memref<32x79x128xi32, #tpu.memory_space<hbm>>, %arg5: memref<10240x64xf32, #tpu.memory_space<hbm>>, %arg6: memref<2x10240x64xf32, #tpu.memory_space<hbm>>, %arg7: memref<79x128xi32, #tpu.memory_space<vmem>>, %arg8: memref<79x128xi32, #tpu.memory_space<vmem>>, %arg9: memref<3x128x64xf32, #tpu.memory_space<vmem>>, %arg10: memref<10240x64xf32, #tpu.memory_space<vmem_shared>>, %arg11: memref<10240x64xf32, #tpu.memory_space<vmem_shared>>, %arg12: memref<!tpu.dma_semaphore, #tpu.memory_space<semaphore_mem>>) attributes {dimension_semantics = [#tpu.dimension_semantics<core_parallel>, #tpu.dimension_semantics<subcore_parallel>], iteration_bounds = array<i64: 2, 16>, scalar_prefetch = 0 : i64, scratch_operands = 6 : i64, tpu.core_type = #tpu.core_type<sc_vector_subcore>, window_params = [{transform_indices = #map}, {transform_indices = #map}, {transform_indices = #map}, {transform_indices = #map1}, {transform_indices = #map}]} {
    %mul3A = arith.constant 640 : i32
    %mul3A_0 = arith.muli %arg1, %mul3A : i32
    %mul3A_1 = arith.constant 640 : i32
    %mul3A_2 = arith.muli %arg1, %mul3A_1 : i32
    "tpu.region"() ({
      %run_scoped3A = tpu.sem_alloc : memref<!tpu.dma_semaphore, #tpu.memory_space<semaphore_mem>>
      %dma_start3A_85 = arith.constant 0 : i32
      %dma_start3A_86 = tpu.memref_slice %arg11[%mul3A_2, %dma_start3A_85] : memref<10240x64xf32, #tpu.memory_space<vmem_shared>> -> memref<640x64xf32, #tpu.memory_space<vmem_shared>>
      %dma_start3A_87 = arith.constant 0 : i32
      %dma_start3A_88 = tpu.memref_slice %arg5[%mul3A_0, %dma_start3A_87] : memref<10240x64xf32, #tpu.memory_space<hbm>> -> memref<640x64xf32, #tpu.memory_space<hbm>>
      tpu.enqueue_dma source(%dma_start3A_88 : memref<640x64xf32, #tpu.memory_space<hbm>>) target(%dma_start3A_86 : memref<640x64xf32, #tpu.memory_space<vmem_shared>>) target_semaphore(%run_scoped3A : memref<!tpu.dma_semaphore, #tpu.memory_space<semaphore_mem>>)
      %dma_wait3A = arith.constant 0 : i32
      %dma_wait3A_89 = tpu.memref_slice %arg11[%mul3A_2, %dma_wait3A] : memref<10240x64xf32, #tpu.memory_space<vmem_shared>> -> memref<640x64xf32, #tpu.memory_space<vmem_shared>>
      %dma_wait3A_90 = arith.constant 0 : i32
      %dma_wait3A_91 = tpu.memref_slice %arg5[%mul3A_0, %dma_wait3A_90] : memref<10240x64xf32, #tpu.memory_space<hbm>> -> memref<640x64xf32, #tpu.memory_space<hbm>>
      tpu.wait_dma2 semaphore(%run_scoped3A : memref<!tpu.dma_semaphore, #tpu.memory_space<semaphore_mem>>) src(%dma_wait3A_91 : memref<640x64xf32, #tpu.memory_space<hbm>>) dst(%dma_wait3A_89 : memref<640x64xf32, #tpu.memory_space<vmem_shared>>)
      tpu.yield
    }) : () -> ()
    %mul3A_3 = arith.constant 640 : i32
    %mul3A_4 = arith.muli %arg1, %mul3A_3 : i32
    %mul3A_5 = arith.constant 640 : i32
    %mul3A_6 = arith.muli %arg1, %mul3A_5 : i32
    "tpu.region"() ({
      %run_scoped3A = tpu.sem_alloc : memref<!tpu.dma_semaphore, #tpu.memory_space<semaphore_mem>>
      %dma_start3A_85 = arith.constant 0 : i32
      %dma_start3A_86 = tpu.memref_slice %arg10[%mul3A_6, %dma_start3A_85] : memref<10240x64xf32, #tpu.memory_space<vmem_shared>> -> memref<640x64xf32, #tpu.memory_space<vmem_shared>>
      %dma_start3A_87 = arith.constant 0 : i32
      %dma_start3A_88 = tpu.memref_slice %arg2[%arg0, %mul3A_4, %dma_start3A_87] : memref<2x10240x64xf32, #tpu.memory_space<hbm>> -> memref<1x640x64xf32, #tpu.memory_space<hbm>>
      %dma_start3A_89 = tpu.memref_squeeze %dma_start3A_88 : memref<1x640x64xf32, #tpu.memory_space<hbm>> -> memref<640x64xf32, #tpu.memory_space<hbm>>
      tpu.enqueue_dma source(%dma_start3A_89 : memref<640x64xf32, #tpu.memory_space<hbm>>) target(%dma_start3A_86 : memref<640x64xf32, #tpu.memory_space<vmem_shared>>) target_semaphore(%run_scoped3A : memref<!tpu.dma_semaphore, #tpu.memory_space<semaphore_mem>>)
      %dma_wait3A = arith.constant 0 : i32
      %dma_wait3A_90 = tpu.memref_slice %arg10[%mul3A_6, %dma_wait3A] : memref<10240x64xf32, #tpu.memory_space<vmem_shared>> -> memref<640x64xf32, #tpu.memory_space<vmem_shared>>
      %dma_wait3A_91 = arith.constant 0 : i32
      %dma_wait3A_92 = tpu.memref_slice %arg2[%arg0, %mul3A_4, %dma_wait3A_91] : memref<2x10240x64xf32, #tpu.memory_space<hbm>> -> memref<1x640x64xf32, #tpu.memory_space<hbm>>
      %dma_wait3A_93 = tpu.memref_squeeze %dma_wait3A_92 : memref<1x640x64xf32, #tpu.memory_space<hbm>> -> memref<640x64xf32, #tpu.memory_space<hbm>>
      tpu.wait_dma2 semaphore(%run_scoped3A : memref<!tpu.dma_semaphore, #tpu.memory_space<semaphore_mem>>) src(%dma_wait3A_93 : memref<640x64xf32, #tpu.memory_space<hbm>>) dst(%dma_wait3A_90 : memref<640x64xf32, #tpu.memory_space<vmem_shared>>)
      tpu.yield
    }) : () -> ()
    %barrier3A = arith.constant 0 : index
    tpu.barrier barrier_id(%barrier3A)
    %mul3A_7 = arith.constant 2 : i32
    %mul3A_8 = arith.muli %arg1, %mul3A_7 : i32
    %add3A = arith.constant 0 : i32
    %add3A_9 = arith.addi %mul3A_8, %add3A : i32
    "tpu.region"() ({
      %run_scoped3A = tpu.sem_alloc : memref<!tpu.dma_semaphore, #tpu.memory_space<semaphore_mem>>
      %dma_start3A_85 = arith.constant 0 : i32
      %dma_start3A_86 = arith.constant 0 : i32
      %dma_start3A_87 = tpu.memref_slice %arg3[%add3A_9, %dma_start3A_85, %dma_start3A_86] : memref<32x79x128xi32, #tpu.memory_space<hbm>> -> memref<1x79x128xi32, #tpu.memory_space<hbm>>
      %dma_start3A_88 = tpu.memref_squeeze %dma_start3A_87 : memref<1x79x128xi32, #tpu.memory_space<hbm>> -> memref<79x128xi32, #tpu.memory_space<hbm>>
      %dma_start3A_89 = arith.constant 0 : i32
      %dma_start3A_90 = arith.constant 0 : i32
      %dma_start3A_91 = tpu.memref_slice %arg3[%add3A_9, %dma_start3A_89, %dma_start3A_90] : memref<32x79x128xi32, #tpu.memory_space<hbm>> -> memref<1x79x128xi32, #tpu.memory_space<hbm>>
      %dma_start3A_92 = tpu.memref_squeeze %dma_start3A_91 : memref<1x79x128xi32, #tpu.memory_space<hbm>> -> memref<79x128xi32, #tpu.memory_space<hbm>>
      tpu.enqueue_dma source(%dma_start3A_92 : memref<79x128xi32, #tpu.memory_space<hbm>>) target(%arg7 : memref<79x128xi32, #tpu.memory_space<vmem>>) target_semaphore(%run_scoped3A : memref<!tpu.dma_semaphore, #tpu.memory_space<semaphore_mem>>)
      %dma_wait3A = arith.constant 0 : i32
      %dma_wait3A_93 = arith.constant 0 : i32
      %dma_wait3A_94 = tpu.memref_slice %arg3[%add3A_9, %dma_wait3A, %dma_wait3A_93] : memref<32x79x128xi32, #tpu.memory_space<hbm>> -> memref<1x79x128xi32, #tpu.memory_space<hbm>>
      %dma_wait3A_95 = tpu.memref_squeeze %dma_wait3A_94 : memref<1x79x128xi32, #tpu.memory_space<hbm>> -> memref<79x128xi32, #tpu.memory_space<hbm>>
      %dma_wait3A_96 = arith.constant 0 : i32
      %dma_wait3A_97 = arith.constant 0 : i32
      %dma_wait3A_98 = tpu.memref_slice %arg3[%add3A_9, %dma_wait3A_96, %dma_wait3A_97] : memref<32x79x128xi32, #tpu.memory_space<hbm>> -> memref<1x79x128xi32, #tpu.memory_space<hbm>>
      %dma_wait3A_99 = tpu.memref_squeeze %dma_wait3A_98 : memref<1x79x128xi32, #tpu.memory_space<hbm>> -> memref<79x128xi32, #tpu.memory_space<hbm>>
      tpu.wait_dma2 semaphore(%run_scoped3A : memref<!tpu.dma_semaphore, #tpu.memory_space<semaphore_mem>>) src(%dma_wait3A_99 : memref<79x128xi32, #tpu.memory_space<hbm>>) dst(%arg7 : memref<79x128xi32, #tpu.memory_space<vmem>>)
      tpu.yield
    }) : () -> ()
    "tpu.region"() ({
      %run_scoped3A = tpu.sem_alloc : memref<!tpu.dma_semaphore, #tpu.memory_space<semaphore_mem>>
      %dma_start3A_85 = arith.constant 0 : i32
      %dma_start3A_86 = arith.constant 0 : i32
      %dma_start3A_87 = tpu.memref_slice %arg4[%add3A_9, %dma_start3A_85, %dma_start3A_86] : memref<32x79x128xi32, #tpu.memory_space<hbm>> -> memref<1x79x128xi32, #tpu.memory_space<hbm>>
      %dma_start3A_88 = tpu.memref_squeeze %dma_start3A_87 : memref<1x79x128xi32, #tpu.memory_space<hbm>> -> memref<79x128xi32, #tpu.memory_space<hbm>>
      %dma_start3A_89 = arith.constant 0 : i32
      %dma_start3A_90 = arith.constant 0 : i32
      %dma_start3A_91 = tpu.memref_slice %arg4[%add3A_9, %dma_start3A_89, %dma_start3A_90] : memref<32x79x128xi32, #tpu.memory_space<hbm>> -> memref<1x79x128xi32, #tpu.memory_space<hbm>>
      %dma_start3A_92 = tpu.memref_squeeze %dma_start3A_91 : memref<1x79x128xi32, #tpu.memory_space<hbm>> -> memref<79x128xi32, #tpu.memory_space<hbm>>
      tpu.enqueue_dma source(%dma_start3A_92 : memref<79x128xi32, #tpu.memory_space<hbm>>) target(%arg8 : memref<79x128xi32, #tpu.memory_space<vmem>>) target_semaphore(%run_scoped3A : memref<!tpu.dma_semaphore, #tpu.memory_space<semaphore_mem>>)
      %dma_wait3A = arith.constant 0 : i32
      %dma_wait3A_93 = arith.constant 0 : i32
      %dma_wait3A_94 = tpu.memref_slice %arg4[%add3A_9, %dma_wait3A, %dma_wait3A_93] : memref<32x79x128xi32, #tpu.memory_space<hbm>> -> memref<1x79x128xi32, #tpu.memory_space<hbm>>
      %dma_wait3A_95 = tpu.memref_squeeze %dma_wait3A_94 : memref<1x79x128xi32, #tpu.memory_space<hbm>> -> memref<79x128xi32, #tpu.memory_space<hbm>>
      %dma_wait3A_96 = arith.constant 0 : i32
      %dma_wait3A_97 = arith.constant 0 : i32
      %dma_wait3A_98 = tpu.memref_slice %arg4[%add3A_9, %dma_wait3A_96, %dma_wait3A_97] : memref<32x79x128xi32, #tpu.memory_space<hbm>> -> memref<1x79x128xi32, #tpu.memory_space<hbm>>
      %dma_wait3A_99 = tpu.memref_squeeze %dma_wait3A_98 : memref<1x79x128xi32, #tpu.memory_space<hbm>> -> memref<79x128xi32, #tpu.memory_space<hbm>>
      tpu.wait_dma2 semaphore(%run_scoped3A : memref<!tpu.dma_semaphore, #tpu.memory_space<semaphore_mem>>) src(%dma_wait3A_99 : memref<79x128xi32, #tpu.memory_space<hbm>>) dst(%arg8 : memref<79x128xi32, #tpu.memory_space<vmem>>)
      tpu.yield
    }) : () -> ()
    %dma_start3A = arith.constant 0 : i32
    %dma_start3A_10 = arith.constant 0 : i32
    %dma_start3A_11 = arith.constant 0 : i32
    %dma_start3A_12 = arith.constant 0 : i32
    %dma_start3A_13 = tpu.memref_slice %arg9[%dma_start3A_10, %dma_start3A_11, %dma_start3A_12] : memref<3x128x64xf32, #tpu.memory_space<vmem>> -> memref<1x128x64xf32, #tpu.memory_space<vmem>>
    %dma_start3A_14 = tpu.memref_squeeze %dma_start3A_13 : memref<1x128x64xf32, #tpu.memory_space<vmem>> -> memref<128x64xf32, #tpu.memory_space<vmem>>
    %dma_start3A_15 = arith.constant 0 : i32
    %dma_start3A_16 = tpu.memref_slice %arg7[%dma_start3A, %dma_start3A_15] : memref<79x128xi32, #tpu.memory_space<vmem>> -> memref<1x128xi32, #tpu.memory_space<vmem>>
    %dma_start3A_17 = tpu.memref_squeeze %dma_start3A_16 : memref<1x128xi32, #tpu.memory_space<vmem>> -> memref<128xi32, #tpu.memory_space<vmem>>
    %dma_start3A_18 = arith.constant 0 : i32
    %dma_start3A_19 = arith.constant 0 : i32
    %dma_start3A_20 = tpu.memref_slice %arg10[%dma_start3A_18, %dma_start3A_19] : memref<10240x64xf32, #tpu.memory_space<vmem_shared>> -> memref<10240x64xf32, #tpu.memory_space<vmem_shared>>
    tpu.enqueue_indirect_dma source(%dma_start3A_20 : memref<10240x64xf32, #tpu.memory_space<vmem_shared>>) target(%dma_start3A_14 : memref<128x64xf32, #tpu.memory_space<vmem>>) offsets(%dma_start3A_17 : memref<128xi32, #tpu.memory_space<vmem>>) semaphore(%arg12 : memref<!tpu.dma_semaphore, #tpu.memory_space<semaphore_mem>>)
    %dma_start3A_21 = arith.constant 1 : i32
    %dma_start3A_22 = arith.constant 1 : i32
    %dma_start3A_23 = arith.constant 0 : i32
    %dma_start3A_24 = arith.constant 0 : i32
    %dma_start3A_25 = tpu.memref_slice %arg9[%dma_start3A_22, %dma_start3A_23, %dma_start3A_24] : memref<3x128x64xf32, #tpu.memory_space<vmem>> -> memref<1x128x64xf32, #tpu.memory_space<vmem>>
    %dma_start3A_26 = tpu.memref_squeeze %dma_start3A_25 : memref<1x128x64xf32, #tpu.memory_space<vmem>> -> memref<128x64xf32, #tpu.memory_space<vmem>>
    %dma_start3A_27 = arith.constant 0 : i32
    %dma_start3A_28 = tpu.memref_slice %arg7[%dma_start3A_21, %dma_start3A_27] : memref<79x128xi32, #tpu.memory_space<vmem>> -> memref<1x128xi32, #tpu.memory_space<vmem>>
    %dma_start3A_29 = tpu.memref_squeeze %dma_start3A_28 : memref<1x128xi32, #tpu.memory_space<vmem>> -> memref<128xi32, #tpu.memory_space<vmem>>
    %dma_start3A_30 = arith.constant 0 : i32
    %dma_start3A_31 = arith.constant 0 : i32
    %dma_start3A_32 = tpu.memref_slice %arg10[%dma_start3A_30, %dma_start3A_31] : memref<10240x64xf32, #tpu.memory_space<vmem_shared>> -> memref<10240x64xf32, #tpu.memory_space<vmem_shared>>
    tpu.enqueue_indirect_dma source(%dma_start3A_32 : memref<10240x64xf32, #tpu.memory_space<vmem_shared>>) target(%dma_start3A_26 : memref<128x64xf32, #tpu.memory_space<vmem>>) offsets(%dma_start3A_29 : memref<128xi32, #tpu.memory_space<vmem>>) semaphore(%arg12 : memref<!tpu.dma_semaphore, #tpu.memory_space<semaphore_mem>>)
    %scan3A = arith.constant 0 : i32
    %scan3A_33 = arith.constant 77 : i32
    %scan3A_34 = arith.addi %scan3A, %scan3A_33 : i32
    %scan3A_35 = arith.constant 1 : i32
    scf.for %scan3A_85 = %scan3A to %scan3A_34 step %scan3A_35  : i32 {
      %mul3A_86 = arith.constant 1 : i32
      %mul3A_87 = arith.muli %scan3A_85, %mul3A_86 : i32
      %add3A_88 = arith.constant 0 : i32
      %add3A_89 = arith.addi %add3A_88, %mul3A_87 : i32
      %jit3A = arith.constant 3 : i32
      %eq3A = arith.constant 0 : i32
      %eq3A_90 = arith.cmpi eq, %jit3A, %eq3A : i32
      %jit3A_91 = arith.constant 1 : i32
      %select_n3A = arith.select %eq3A_90, %jit3A_91, %jit3A : i32
      %rem3A = arith.remsi %add3A_89, %select_n3A : i32
      %ne3A = arith.constant 0 : i32
      %ne3A_92 = arith.cmpi ne, %rem3A, %ne3A : i32
      %lt3A = arith.constant 0 : i32
      %lt3A_93 = arith.cmpi slt, %rem3A, %lt3A : i32
      %lt3A_94 = arith.constant 0 : i32
      %lt3A_95 = arith.cmpi slt, %select_n3A, %lt3A_94 : i32
      %ne3A_96 = arith.xori %lt3A_93, %lt3A_95 : i1
      %and3A = arith.andi %ne3A_96, %ne3A_92 : i1
      %add3A_97 = arith.addi %rem3A, %select_n3A : i32
      %select_n3A_98 = arith.select %and3A, %add3A_97, %rem3A : i32
      %dma_wait3A = arith.constant 0 : i32
      %dma_wait3A_99 = arith.constant 0 : i32
      %dma_wait3A_100 = tpu.memref_slice %arg9[%select_n3A_98, %dma_wait3A, %dma_wait3A_99] : memref<3x128x64xf32, #tpu.memory_space<vmem>> -> memref<1x128x64xf32, #tpu.memory_space<vmem>>
      %dma_wait3A_101 = tpu.memref_squeeze %dma_wait3A_100 : memref<1x128x64xf32, #tpu.memory_space<vmem>> -> memref<128x64xf32, #tpu.memory_space<vmem>>
      %dma_wait3A_102 = arith.constant 0 : i32
      %dma_wait3A_103 = tpu.memref_slice %arg7[%add3A_89, %dma_wait3A_102] : memref<79x128xi32, #tpu.memory_space<vmem>> -> memref<1x128xi32, #tpu.memory_space<vmem>>
      %dma_wait3A_104 = tpu.memref_squeeze %dma_wait3A_103 : memref<1x128xi32, #tpu.memory_space<vmem>> -> memref<128xi32, #tpu.memory_space<vmem>>
      %dma_wait3A_105 = arith.constant 0 : i32
      %dma_wait3A_106 = arith.constant 0 : i32
      %dma_wait3A_107 = tpu.memref_slice %arg10[%dma_wait3A_105, %dma_wait3A_106] : memref<10240x64xf32, #tpu.memory_space<vmem_shared>> -> memref<10240x64xf32, #tpu.memory_space<vmem_shared>>
      tpu.wait_indirect_dma semaphore(%arg12 : memref<!tpu.dma_semaphore, #tpu.memory_space<semaphore_mem>>) src(%dma_wait3A_107 : memref<10240x64xf32, #tpu.memory_space<vmem_shared>>) dst(%dma_wait3A_101 : memref<128x64xf32, #tpu.memory_space<vmem>>)
      %add3A_108 = arith.constant 2 : i32
      %add3A_109 = arith.addi %add3A_89, %add3A_108 : i32
      %add3A_110 = arith.constant 2 : i32
      %add3A_111 = arith.addi %add3A_89, %add3A_110 : i32
      %jit3A_112 = arith.constant 3 : i32
      %eq3A_113 = arith.constant 0 : i32
      %eq3A_114 = arith.cmpi eq, %jit3A_112, %eq3A_113 : i32
      %jit3A_115 = arith.constant 1 : i32
      %select_n3A_116 = arith.select %eq3A_114, %jit3A_115, %jit3A_112 : i32
      %rem3A_117 = arith.remsi %add3A_111, %select_n3A_116 : i32
      %ne3A_118 = arith.constant 0 : i32
      %ne3A_119 = arith.cmpi ne, %rem3A_117, %ne3A_118 : i32
      %lt3A_120 = arith.constant 0 : i32
      %lt3A_121 = arith.cmpi slt, %rem3A_117, %lt3A_120 : i32
      %lt3A_122 = arith.constant 0 : i32
      %lt3A_123 = arith.cmpi slt, %select_n3A_116, %lt3A_122 : i32
      %ne3A_124 = arith.xori %lt3A_121, %lt3A_123 : i1
      %and3A_125 = arith.andi %ne3A_124, %ne3A_119 : i1
      %add3A_126 = arith.addi %rem3A_117, %select_n3A_116 : i32
      %select_n3A_127 = arith.select %and3A_125, %add3A_126, %rem3A_117 : i32
      %dma_start3A_128 = arith.constant 0 : i32
      %dma_start3A_129 = arith.constant 0 : i32
      %dma_start3A_130 = tpu.memref_slice %arg9[%select_n3A_127, %dma_start3A_128, %dma_start3A_129] : memref<3x128x64xf32, #tpu.memory_space<vmem>> -> memref<1x128x64xf32, #tpu.memory_space<vmem>>
      %dma_start3A_131 = tpu.memref_squeeze %dma_start3A_130 : memref<1x128x64xf32, #tpu.memory_space<vmem>> -> memref<128x64xf32, #tpu.memory_space<vmem>>
      %dma_start3A_132 = arith.constant 0 : i32
      %dma_start3A_133 = tpu.memref_slice %arg7[%add3A_109, %dma_start3A_132] : memref<79x128xi32, #tpu.memory_space<vmem>> -> memref<1x128xi32, #tpu.memory_space<vmem>>
      %dma_start3A_134 = tpu.memref_squeeze %dma_start3A_133 : memref<1x128xi32, #tpu.memory_space<vmem>> -> memref<128xi32, #tpu.memory_space<vmem>>
      %dma_start3A_135 = arith.constant 0 : i32
      %dma_start3A_136 = arith.constant 0 : i32
      %dma_start3A_137 = tpu.memref_slice %arg10[%dma_start3A_135, %dma_start3A_136] : memref<10240x64xf32, #tpu.memory_space<vmem_shared>> -> memref<10240x64xf32, #tpu.memory_space<vmem_shared>>
      tpu.enqueue_indirect_dma source(%dma_start3A_137 : memref<10240x64xf32, #tpu.memory_space<vmem_shared>>) target(%dma_start3A_131 : memref<128x64xf32, #tpu.memory_space<vmem>>) offsets(%dma_start3A_134 : memref<128xi32, #tpu.memory_space<vmem>>) semaphore(%arg12 : memref<!tpu.dma_semaphore, #tpu.memory_space<semaphore_mem>>)
      %jit3A_138 = arith.constant 3 : i32
      %eq3A_139 = arith.constant 0 : i32
      %eq3A_140 = arith.cmpi eq, %jit3A_138, %eq3A_139 : i32
      %jit3A_141 = arith.constant 1 : i32
      %select_n3A_142 = arith.select %eq3A_140, %jit3A_141, %jit3A_138 : i32
      %rem3A_143 = arith.remsi %add3A_89, %select_n3A_142 : i32
      %ne3A_144 = arith.constant 0 : i32
      %ne3A_145 = arith.cmpi ne, %rem3A_143, %ne3A_144 : i32
      %lt3A_146 = arith.constant 0 : i32
      %lt3A_147 = arith.cmpi slt, %rem3A_143, %lt3A_146 : i32
      %lt3A_148 = arith.constant 0 : i32
      %lt3A_149 = arith.cmpi slt, %select_n3A_142, %lt3A_148 : i32
      %ne3A_150 = arith.xori %lt3A_147, %lt3A_149 : i1
      %and3A_151 = arith.andi %ne3A_150, %ne3A_145 : i1
      %add3A_152 = arith.addi %rem3A_143, %select_n3A_142 : i32
      %select_n3A_153 = arith.select %and3A_151, %add3A_152, %rem3A_143 : i32
      "tpu.region"() ({
        %run_scoped3A = tpu.sem_alloc : memref<!tpu.dma_semaphore, #tpu.memory_space<semaphore_mem>>
        %dma_start3A_154 = arith.constant 0 : i32
        %dma_start3A_155 = arith.constant 0 : i32
        %dma_start3A_156 = tpu.memref_slice %arg9[%select_n3A_153, %dma_start3A_154, %dma_start3A_155] : memref<3x128x64xf32, #tpu.memory_space<vmem>> -> memref<1x128x64xf32, #tpu.memory_space<vmem>>
        %dma_start3A_157 = tpu.memref_squeeze %dma_start3A_156 : memref<1x128x64xf32, #tpu.memory_space<vmem>> -> memref<128x64xf32, #tpu.memory_space<vmem>>
        %dma_start3A_158 = arith.constant 0 : i32
        %dma_start3A_159 = tpu.memref_slice %arg8[%add3A_89, %dma_start3A_158] : memref<79x128xi32, #tpu.memory_space<vmem>> -> memref<1x128xi32, #tpu.memory_space<vmem>>
        %dma_start3A_160 = tpu.memref_squeeze %dma_start3A_159 : memref<1x128xi32, #tpu.memory_space<vmem>> -> memref<128xi32, #tpu.memory_space<vmem>>
        %dma_start3A_161 = arith.constant 0 : i32
        %dma_start3A_162 = arith.constant 0 : i32
        %dma_start3A_163 = tpu.memref_slice %arg11[%dma_start3A_161, %dma_start3A_162] : memref<10240x64xf32, #tpu.memory_space<vmem_shared>> -> memref<10240x64xf32, #tpu.memory_space<vmem_shared>>
        tpu.enqueue_indirect_dma source(%dma_start3A_157 : memref<128x64xf32, #tpu.memory_space<vmem>>) target(%dma_start3A_163 : memref<10240x64xf32, #tpu.memory_space<vmem_shared>>) offsets(%dma_start3A_160 : memref<128xi32, #tpu.memory_space<vmem>>) semaphore(%run_scoped3A : memref<!tpu.dma_semaphore, #tpu.memory_space<semaphore_mem>>) {add = true}
        %dma_wait3A_164 = arith.constant 0 : i32
        %dma_wait3A_165 = arith.constant 0 : i32
        %dma_wait3A_166 = tpu.memref_slice %arg9[%select_n3A_153, %dma_wait3A_164, %dma_wait3A_165] : memref<3x128x64xf32, #tpu.memory_space<vmem>> -> memref<1x128x64xf32, #tpu.memory_space<vmem>>
        %dma_wait3A_167 = tpu.memref_squeeze %dma_wait3A_166 : memref<1x128x64xf32, #tpu.memory_space<vmem>> -> memref<128x64xf32, #tpu.memory_space<vmem>>
        %dma_wait3A_168 = arith.constant 0 : i32
        %dma_wait3A_169 = tpu.memref_slice %arg8[%add3A_89, %dma_wait3A_168] : memref<79x128xi32, #tpu.memory_space<vmem>> -> memref<1x128xi32, #tpu.memory_space<vmem>>
        %dma_wait3A_170 = tpu.memref_squeeze %dma_wait3A_169 : memref<1x128xi32, #tpu.memory_space<vmem>> -> memref<128xi32, #tpu.memory_space<vmem>>
        %dma_wait3A_171 = arith.constant 0 : i32
        %dma_wait3A_172 = arith.constant 0 : i32
        %dma_wait3A_173 = tpu.memref_slice %arg11[%dma_wait3A_171, %dma_wait3A_172] : memref<10240x64xf32, #tpu.memory_space<vmem_shared>> -> memref<10240x64xf32, #tpu.memory_space<vmem_shared>>
        tpu.wait_indirect_dma semaphore(%run_scoped3A : memref<!tpu.dma_semaphore, #tpu.memory_space<semaphore_mem>>) src(%dma_wait3A_167 : memref<128x64xf32, #tpu.memory_space<vmem>>) dst(%dma_wait3A_173 : memref<10240x64xf32, #tpu.memory_space<vmem_shared>>)
        tpu.yield
      }) : () -> ()
    }
    %scan3A_36 = arith.constant 77 : i32
    %scan3A_37 = arith.constant 0 : i32
    %scan3A_38 = arith.constant 2 : i32
    %scan3A_39 = arith.addi %scan3A_37, %scan3A_38 : i32
    %scan3A_40 = arith.constant 1 : i32
    scf.for %scan3A_85 = %scan3A_37 to %scan3A_39 step %scan3A_40  : i32 {
      %mul3A_86 = arith.constant 1 : i32
      %mul3A_87 = arith.muli %scan3A_85, %mul3A_86 : i32
      %add3A_88 = arith.constant 77 : i32
      %add3A_89 = arith.addi %add3A_88, %mul3A_87 : i32
      %jit3A = arith.constant 3 : i32
      %eq3A = arith.constant 0 : i32
      %eq3A_90 = arith.cmpi eq, %jit3A, %eq3A : i32
      %jit3A_91 = arith.constant 1 : i32
      %select_n3A = arith.select %eq3A_90, %jit3A_91, %jit3A : i32
      %rem3A = arith.remsi %add3A_89, %select_n3A : i32
      %ne3A = arith.constant 0 : i32
      %ne3A_92 = arith.cmpi ne, %rem3A, %ne3A : i32
      %lt3A = arith.constant 0 : i32
      %lt3A_93 = arith.cmpi slt, %rem3A, %lt3A : i32
      %lt3A_94 = arith.constant 0 : i32
      %lt3A_95 = arith.cmpi slt, %select_n3A, %lt3A_94 : i32
      %ne3A_96 = arith.xori %lt3A_93, %lt3A_95 : i1
      %and3A = arith.andi %ne3A_96, %ne3A_92 : i1
      %add3A_97 = arith.addi %rem3A, %select_n3A : i32
      %select_n3A_98 = arith.select %and3A, %add3A_97, %rem3A : i32
      %dma_wait3A = arith.constant 0 : i32
      %dma_wait3A_99 = arith.constant 0 : i32
      %dma_wait3A_100 = tpu.memref_slice %arg9[%select_n3A_98, %dma_wait3A, %dma_wait3A_99] : memref<3x128x64xf32, #tpu.memory_space<vmem>> -> memref<1x128x64xf32, #tpu.memory_space<vmem>>
      %dma_wait3A_101 = tpu.memref_squeeze %dma_wait3A_100 : memref<1x128x64xf32, #tpu.memory_space<vmem>> -> memref<128x64xf32, #tpu.memory_space<vmem>>
      %dma_wait3A_102 = arith.constant 0 : i32
      %dma_wait3A_103 = tpu.memref_slice %arg7[%add3A_89, %dma_wait3A_102] : memref<79x128xi32, #tpu.memory_space<vmem>> -> memref<1x128xi32, #tpu.memory_space<vmem>>
      %dma_wait3A_104 = tpu.memref_squeeze %dma_wait3A_103 : memref<1x128xi32, #tpu.memory_space<vmem>> -> memref<128xi32, #tpu.memory_space<vmem>>
      %dma_wait3A_105 = arith.constant 0 : i32
      %dma_wait3A_106 = arith.constant 0 : i32
      %dma_wait3A_107 = tpu.memref_slice %arg10[%dma_wait3A_105, %dma_wait3A_106] : memref<10240x64xf32, #tpu.memory_space<vmem_shared>> -> memref<10240x64xf32, #tpu.memory_space<vmem_shared>>
      tpu.wait_indirect_dma semaphore(%arg12 : memref<!tpu.dma_semaphore, #tpu.memory_space<semaphore_mem>>) src(%dma_wait3A_107 : memref<10240x64xf32, #tpu.memory_space<vmem_shared>>) dst(%dma_wait3A_101 : memref<128x64xf32, #tpu.memory_space<vmem>>)
      %jit3A_108 = arith.constant 3 : i32
      %eq3A_109 = arith.constant 0 : i32
      %eq3A_110 = arith.cmpi eq, %jit3A_108, %eq3A_109 : i32
      %jit3A_111 = arith.constant 1 : i32
      %select_n3A_112 = arith.select %eq3A_110, %jit3A_111, %jit3A_108 : i32
      %rem3A_113 = arith.remsi %add3A_89, %select_n3A_112 : i32
      %ne3A_114 = arith.constant 0 : i32
      %ne3A_115 = arith.cmpi ne, %rem3A_113, %ne3A_114 : i32
      %lt3A_116 = arith.constant 0 : i32
      %lt3A_117 = arith.cmpi slt, %rem3A_113, %lt3A_116 : i32
      %lt3A_118 = arith.constant 0 : i32
      %lt3A_119 = arith.cmpi slt, %select_n3A_112, %lt3A_118 : i32
      %ne3A_120 = arith.xori %lt3A_117, %lt3A_119 : i1
      %and3A_121 = arith.andi %ne3A_120, %ne3A_115 : i1
      %add3A_122 = arith.addi %rem3A_113, %select_n3A_112 : i32
      %select_n3A_123 = arith.select %and3A_121, %add3A_122, %rem3A_113 : i32
      "tpu.region"() ({
        %run_scoped3A = tpu.sem_alloc : memref<!tpu.dma_semaphore, #tpu.memory_space<semaphore_mem>>
        %dma_start3A_124 = arith.constant 0 : i32
        %dma_start3A_125 = arith.constant 0 : i32
        %dma_start3A_126 = tpu.memref_slice %arg9[%select_n3A_123, %dma_start3A_124, %dma_start3A_125] : memref<3x128x64xf32, #tpu.memory_space<vmem>> -> memref<1x128x64xf32, #tpu.memory_space<vmem>>
        %dma_start3A_127 = tpu.memref_squeeze %dma_start3A_126 : memref<1x128x64xf32, #tpu.memory_space<vmem>> -> memref<128x64xf32, #tpu.memory_space<vmem>>
        %dma_start3A_128 = arith.constant 0 : i32
        %dma_start3A_129 = tpu.memref_slice %arg8[%add3A_89, %dma_start3A_128] : memref<79x128xi32, #tpu.memory_space<vmem>> -> memref<1x128xi32, #tpu.memory_space<vmem>>
        %dma_start3A_130 = tpu.memref_squeeze %dma_start3A_129 : memref<1x128xi32, #tpu.memory_space<vmem>> -> memref<128xi32, #tpu.memory_space<vmem>>
        %dma_start3A_131 = arith.constant 0 : i32
        %dma_start3A_132 = arith.constant 0 : i32
        %dma_start3A_133 = tpu.memref_slice %arg11[%dma_start3A_131, %dma_start3A_132] : memref<10240x64xf32, #tpu.memory_space<vmem_shared>> -> memref<10240x64xf32, #tpu.memory_space<vmem_shared>>
        tpu.enqueue_indirect_dma source(%dma_start3A_127 : memref<128x64xf32, #tpu.memory_space<vmem>>) target(%dma_start3A_133 : memref<10240x64xf32, #tpu.memory_space<vmem_shared>>) offsets(%dma_start3A_130 : memref<128xi32, #tpu.memory_space<vmem>>) semaphore(%run_scoped3A : memref<!tpu.dma_semaphore, #tpu.memory_space<semaphore_mem>>) {add = true}
        %dma_wait3A_134 = arith.constant 0 : i32
        %dma_wait3A_135 = arith.constant 0 : i32
        %dma_wait3A_136 = tpu.memref_slice %arg9[%select_n3A_123, %dma_wait3A_134, %dma_wait3A_135] : memref<3x128x64xf32, #tpu.memory_space<vmem>> -> memref<1x128x64xf32, #tpu.memory_space<vmem>>
        %dma_wait3A_137 = tpu.memref_squeeze %dma_wait3A_136 : memref<1x128x64xf32, #tpu.memory_space<vmem>> -> memref<128x64xf32, #tpu.memory_space<vmem>>
        %dma_wait3A_138 = arith.constant 0 : i32
        %dma_wait3A_139 = tpu.memref_slice %arg8[%add3A_89, %dma_wait3A_138] : memref<79x128xi32, #tpu.memory_space<vmem>> -> memref<1x128xi32, #tpu.memory_space<vmem>>
        %dma_wait3A_140 = tpu.memref_squeeze %dma_wait3A_139 : memref<1x128xi32, #tpu.memory_space<vmem>> -> memref<128xi32, #tpu.memory_space<vmem>>
        %dma_wait3A_141 = arith.constant 0 : i32
        %dma_wait3A_142 = arith.constant 0 : i32
        %dma_wait3A_143 = tpu.memref_slice %arg11[%dma_wait3A_141, %dma_wait3A_142] : memref<10240x64xf32, #tpu.memory_space<vmem_shared>> -> memref<10240x64xf32, #tpu.memory_space<vmem_shared>>
        tpu.wait_indirect_dma semaphore(%run_scoped3A : memref<!tpu.dma_semaphore, #tpu.memory_space<semaphore_mem>>) src(%dma_wait3A_137 : memref<128x64xf32, #tpu.memory_space<vmem>>) dst(%dma_wait3A_143 : memref<10240x64xf32, #tpu.memory_space<vmem_shared>>)
        tpu.yield
      }) : () -> ()
    }
    %scan3A_41 = arith.constant 2 : i32
    %mul3A_42 = arith.constant 2 : i32
    %mul3A_43 = arith.muli %arg1, %mul3A_42 : i32
    %add3A_44 = arith.constant 1 : i32
    %add3A_45 = arith.addi %mul3A_43, %add3A_44 : i32
    "tpu.region"() ({
      %run_scoped3A = tpu.sem_alloc : memref<!tpu.dma_semaphore, #tpu.memory_space<semaphore_mem>>
      %dma_start3A_85 = arith.constant 0 : i32
      %dma_start3A_86 = arith.constant 0 : i32
      %dma_start3A_87 = tpu.memref_slice %arg3[%add3A_45, %dma_start3A_85, %dma_start3A_86] : memref<32x79x128xi32, #tpu.memory_space<hbm>> -> memref<1x79x128xi32, #tpu.memory_space<hbm>>
      %dma_start3A_88 = tpu.memref_squeeze %dma_start3A_87 : memref<1x79x128xi32, #tpu.memory_space<hbm>> -> memref<79x128xi32, #tpu.memory_space<hbm>>
      %dma_start3A_89 = arith.constant 0 : i32
      %dma_start3A_90 = arith.constant 0 : i32
      %dma_start3A_91 = tpu.memref_slice %arg3[%add3A_45, %dma_start3A_89, %dma_start3A_90] : memref<32x79x128xi32, #tpu.memory_space<hbm>> -> memref<1x79x128xi32, #tpu.memory_space<hbm>>
      %dma_start3A_92 = tpu.memref_squeeze %dma_start3A_91 : memref<1x79x128xi32, #tpu.memory_space<hbm>> -> memref<79x128xi32, #tpu.memory_space<hbm>>
      tpu.enqueue_dma source(%dma_start3A_92 : memref<79x128xi32, #tpu.memory_space<hbm>>) target(%arg7 : memref<79x128xi32, #tpu.memory_space<vmem>>) target_semaphore(%run_scoped3A : memref<!tpu.dma_semaphore, #tpu.memory_space<semaphore_mem>>)
      %dma_wait3A = arith.constant 0 : i32
      %dma_wait3A_93 = arith.constant 0 : i32
      %dma_wait3A_94 = tpu.memref_slice %arg3[%add3A_45, %dma_wait3A, %dma_wait3A_93] : memref<32x79x128xi32, #tpu.memory_space<hbm>> -> memref<1x79x128xi32, #tpu.memory_space<hbm>>
      %dma_wait3A_95 = tpu.memref_squeeze %dma_wait3A_94 : memref<1x79x128xi32, #tpu.memory_space<hbm>> -> memref<79x128xi32, #tpu.memory_space<hbm>>
      %dma_wait3A_96 = arith.constant 0 : i32
      %dma_wait3A_97 = arith.constant 0 : i32
      %dma_wait3A_98 = tpu.memref_slice %arg3[%add3A_45, %dma_wait3A_96, %dma_wait3A_97] : memref<32x79x128xi32, #tpu.memory_space<hbm>> -> memref<1x79x128xi32, #tpu.memory_space<hbm>>
      %dma_wait3A_99 = tpu.memref_squeeze %dma_wait3A_98 : memref<1x79x128xi32, #tpu.memory_space<hbm>> -> memref<79x128xi32, #tpu.memory_space<hbm>>
      tpu.wait_dma2 semaphore(%run_scoped3A : memref<!tpu.dma_semaphore, #tpu.memory_space<semaphore_mem>>) src(%dma_wait3A_99 : memref<79x128xi32, #tpu.memory_space<hbm>>) dst(%arg7 : memref<79x128xi32, #tpu.memory_space<vmem>>)
      tpu.yield
    }) : () -> ()
    "tpu.region"() ({
      %run_scoped3A = tpu.sem_alloc : memref<!tpu.dma_semaphore, #tpu.memory_space<semaphore_mem>>
      %dma_start3A_85 = arith.constant 0 : i32
      %dma_start3A_86 = arith.constant 0 : i32
      %dma_start3A_87 = tpu.memref_slice %arg4[%add3A_45, %dma_start3A_85, %dma_start3A_86] : memref<32x79x128xi32, #tpu.memory_space<hbm>> -> memref<1x79x128xi32, #tpu.memory_space<hbm>>
      %dma_start3A_88 = tpu.memref_squeeze %dma_start3A_87 : memref<1x79x128xi32, #tpu.memory_space<hbm>> -> memref<79x128xi32, #tpu.memory_space<hbm>>
      %dma_start3A_89 = arith.constant 0 : i32
      %dma_start3A_90 = arith.constant 0 : i32
      %dma_start3A_91 = tpu.memref_slice %arg4[%add3A_45, %dma_start3A_89, %dma_start3A_90] : memref<32x79x128xi32, #tpu.memory_space<hbm>> -> memref<1x79x128xi32, #tpu.memory_space<hbm>>
      %dma_start3A_92 = tpu.memref_squeeze %dma_start3A_91 : memref<1x79x128xi32, #tpu.memory_space<hbm>> -> memref<79x128xi32, #tpu.memory_space<hbm>>
      tpu.enqueue_dma source(%dma_start3A_92 : memref<79x128xi32, #tpu.memory_space<hbm>>) target(%arg8 : memref<79x128xi32, #tpu.memory_space<vmem>>) target_semaphore(%run_scoped3A : memref<!tpu.dma_semaphore, #tpu.memory_space<semaphore_mem>>)
      %dma_wait3A = arith.constant 0 : i32
      %dma_wait3A_93 = arith.constant 0 : i32
      %dma_wait3A_94 = tpu.memref_slice %arg4[%add3A_45, %dma_wait3A, %dma_wait3A_93] : memref<32x79x128xi32, #tpu.memory_space<hbm>> -> memref<1x79x128xi32, #tpu.memory_space<hbm>>
      %dma_wait3A_95 = tpu.memref_squeeze %dma_wait3A_94 : memref<1x79x128xi32, #tpu.memory_space<hbm>> -> memref<79x128xi32, #tpu.memory_space<hbm>>
      %dma_wait3A_96 = arith.constant 0 : i32
      %dma_wait3A_97 = arith.constant 0 : i32
      %dma_wait3A_98 = tpu.memref_slice %arg4[%add3A_45, %dma_wait3A_96, %dma_wait3A_97] : memref<32x79x128xi32, #tpu.memory_space<hbm>> -> memref<1x79x128xi32, #tpu.memory_space<hbm>>
      %dma_wait3A_99 = tpu.memref_squeeze %dma_wait3A_98 : memref<1x79x128xi32, #tpu.memory_space<hbm>> -> memref<79x128xi32, #tpu.memory_space<hbm>>
      tpu.wait_dma2 semaphore(%run_scoped3A : memref<!tpu.dma_semaphore, #tpu.memory_space<semaphore_mem>>) src(%dma_wait3A_99 : memref<79x128xi32, #tpu.memory_space<hbm>>) dst(%arg8 : memref<79x128xi32, #tpu.memory_space<vmem>>)
      tpu.yield
    }) : () -> ()
    %dma_start3A_46 = arith.constant 0 : i32
    %dma_start3A_47 = arith.constant 0 : i32
    %dma_start3A_48 = arith.constant 0 : i32
    %dma_start3A_49 = arith.constant 0 : i32
    %dma_start3A_50 = tpu.memref_slice %arg9[%dma_start3A_47, %dma_start3A_48, %dma_start3A_49] : memref<3x128x64xf32, #tpu.memory_space<vmem>> -> memref<1x128x64xf32, #tpu.memory_space<vmem>>
    %dma_start3A_51 = tpu.memref_squeeze %dma_start3A_50 : memref<1x128x64xf32, #tpu.memory_space<vmem>> -> memref<128x64xf32, #tpu.memory_space<vmem>>
    %dma_start3A_52 = arith.constant 0 : i32
    %dma_start3A_53 = tpu.memref_slice %arg7[%dma_start3A_46, %dma_start3A_52] : memref<79x128xi32, #tpu.memory_space<vmem>> -> memref<1x128xi32, #tpu.memory_space<vmem>>
    %dma_start3A_54 = tpu.memref_squeeze %dma_start3A_53 : memref<1x128xi32, #tpu.memory_space<vmem>> -> memref<128xi32, #tpu.memory_space<vmem>>
    %dma_start3A_55 = arith.constant 0 : i32
    %dma_start3A_56 = arith.constant 0 : i32
    %dma_start3A_57 = tpu.memref_slice %arg10[%dma_start3A_55, %dma_start3A_56] : memref<10240x64xf32, #tpu.memory_space<vmem_shared>> -> memref<10240x64xf32, #tpu.memory_space<vmem_shared>>
    tpu.enqueue_indirect_dma source(%dma_start3A_57 : memref<10240x64xf32, #tpu.memory_space<vmem_shared>>) target(%dma_start3A_51 : memref<128x64xf32, #tpu.memory_space<vmem>>) offsets(%dma_start3A_54 : memref<128xi32, #tpu.memory_space<vmem>>) semaphore(%arg12 : memref<!tpu.dma_semaphore, #tpu.memory_space<semaphore_mem>>)
    %dma_start3A_58 = arith.constant 1 : i32
    %dma_start3A_59 = arith.constant 1 : i32
    %dma_start3A_60 = arith.constant 0 : i32
    %dma_start3A_61 = arith.constant 0 : i32
    %dma_start3A_62 = tpu.memref_slice %arg9[%dma_start3A_59, %dma_start3A_60, %dma_start3A_61] : memref<3x128x64xf32, #tpu.memory_space<vmem>> -> memref<1x128x64xf32, #tpu.memory_space<vmem>>
    %dma_start3A_63 = tpu.memref_squeeze %dma_start3A_62 : memref<1x128x64xf32, #tpu.memory_space<vmem>> -> memref<128x64xf32, #tpu.memory_space<vmem>>
    %dma_start3A_64 = arith.constant 0 : i32
    %dma_start3A_65 = tpu.memref_slice %arg7[%dma_start3A_58, %dma_start3A_64] : memref<79x128xi32, #tpu.memory_space<vmem>> -> memref<1x128xi32, #tpu.memory_space<vmem>>
    %dma_start3A_66 = tpu.memref_squeeze %dma_start3A_65 : memref<1x128xi32, #tpu.memory_space<vmem>> -> memref<128xi32, #tpu.memory_space<vmem>>
    %dma_start3A_67 = arith.constant 0 : i32
    %dma_start3A_68 = arith.constant 0 : i32
    %dma_start3A_69 = tpu.memref_slice %arg10[%dma_start3A_67, %dma_start3A_68] : memref<10240x64xf32, #tpu.memory_space<vmem_shared>> -> memref<10240x64xf32, #tpu.memory_space<vmem_shared>>
    tpu.enqueue_indirect_dma source(%dma_start3A_69 : memref<10240x64xf32, #tpu.memory_space<vmem_shared>>) target(%dma_start3A_63 : memref<128x64xf32, #tpu.memory_space<vmem>>) offsets(%dma_start3A_66 : memref<128xi32, #tpu.memory_space<vmem>>) semaphore(%arg12 : memref<!tpu.dma_semaphore, #tpu.memory_space<semaphore_mem>>)
    %scan3A_70 = arith.constant 0 : i32
    %scan3A_71 = arith.constant 77 : i32
    %scan3A_72 = arith.addi %scan3A_70, %scan3A_71 : i32
    %scan3A_73 = arith.constant 1 : i32
    scf.for %scan3A_85 = %scan3A_70 to %scan3A_72 step %scan3A_73  : i32 {
      %mul3A_86 = arith.constant 1 : i32
      %mul3A_87 = arith.muli %scan3A_85, %mul3A_86 : i32
      %add3A_88 = arith.constant 0 : i32
      %add3A_89 = arith.addi %add3A_88, %mul3A_87 : i32
      %jit3A = arith.constant 3 : i32
      %eq3A = arith.constant 0 : i32
      %eq3A_90 = arith.cmpi eq, %jit3A, %eq3A : i32
      %jit3A_91 = arith.constant 1 : i32
      %select_n3A = arith.select %eq3A_90, %jit3A_91, %jit3A : i32
      %rem3A = arith.remsi %add3A_89, %select_n3A : i32
      %ne3A = arith.constant 0 : i32
      %ne3A_92 = arith.cmpi ne, %rem3A, %ne3A : i32
      %lt3A = arith.constant 0 : i32
      %lt3A_93 = arith.cmpi slt, %rem3A, %lt3A : i32
      %lt3A_94 = arith.constant 0 : i32
      %lt3A_95 = arith.cmpi slt, %select_n3A, %lt3A_94 : i32
      %ne3A_96 = arith.xori %lt3A_93, %lt3A_95 : i1
      %and3A = arith.andi %ne3A_96, %ne3A_92 : i1
      %add3A_97 = arith.addi %rem3A, %select_n3A : i32
      %select_n3A_98 = arith.select %and3A, %add3A_97, %rem3A : i32
      %dma_wait3A = arith.constant 0 : i32
      %dma_wait3A_99 = arith.constant 0 : i32
      %dma_wait3A_100 = tpu.memref_slice %arg9[%select_n3A_98, %dma_wait3A, %dma_wait3A_99] : memref<3x128x64xf32, #tpu.memory_space<vmem>> -> memref<1x128x64xf32, #tpu.memory_space<vmem>>
      %dma_wait3A_101 = tpu.memref_squeeze %dma_wait3A_100 : memref<1x128x64xf32, #tpu.memory_space<vmem>> -> memref<128x64xf32, #tpu.memory_space<vmem>>
      %dma_wait3A_102 = arith.constant 0 : i32
      %dma_wait3A_103 = tpu.memref_slice %arg7[%add3A_89, %dma_wait3A_102] : memref<79x128xi32, #tpu.memory_space<vmem>> -> memref<1x128xi32, #tpu.memory_space<vmem>>
      %dma_wait3A_104 = tpu.memref_squeeze %dma_wait3A_103 : memref<1x128xi32, #tpu.memory_space<vmem>> -> memref<128xi32, #tpu.memory_space<vmem>>
      %dma_wait3A_105 = arith.constant 0 : i32
      %dma_wait3A_106 = arith.constant 0 : i32
      %dma_wait3A_107 = tpu.memref_slice %arg10[%dma_wait3A_105, %dma_wait3A_106] : memref<10240x64xf32, #tpu.memory_space<vmem_shared>> -> memref<10240x64xf32, #tpu.memory_space<vmem_shared>>
      tpu.wait_indirect_dma semaphore(%arg12 : memref<!tpu.dma_semaphore, #tpu.memory_space<semaphore_mem>>) src(%dma_wait3A_107 : memref<10240x64xf32, #tpu.memory_space<vmem_shared>>) dst(%dma_wait3A_101 : memref<128x64xf32, #tpu.memory_space<vmem>>)
      %add3A_108 = arith.constant 2 : i32
      %add3A_109 = arith.addi %add3A_89, %add3A_108 : i32
      %add3A_110 = arith.constant 2 : i32
      %add3A_111 = arith.addi %add3A_89, %add3A_110 : i32
      %jit3A_112 = arith.constant 3 : i32
      %eq3A_113 = arith.constant 0 : i32
      %eq3A_114 = arith.cmpi eq, %jit3A_112, %eq3A_113 : i32
      %jit3A_115 = arith.constant 1 : i32
      %select_n3A_116 = arith.select %eq3A_114, %jit3A_115, %jit3A_112 : i32
      %rem3A_117 = arith.remsi %add3A_111, %select_n3A_116 : i32
      %ne3A_118 = arith.constant 0 : i32
      %ne3A_119 = arith.cmpi ne, %rem3A_117, %ne3A_118 : i32
      %lt3A_120 = arith.constant 0 : i32
      %lt3A_121 = arith.cmpi slt, %rem3A_117, %lt3A_120 : i32
      %lt3A_122 = arith.constant 0 : i32
      %lt3A_123 = arith.cmpi slt, %select_n3A_116, %lt3A_122 : i32
      %ne3A_124 = arith.xori %lt3A_121, %lt3A_123 : i1
      %and3A_125 = arith.andi %ne3A_124, %ne3A_119 : i1
      %add3A_126 = arith.addi %rem3A_117, %select_n3A_116 : i32
      %select_n3A_127 = arith.select %and3A_125, %add3A_126, %rem3A_117 : i32
      %dma_start3A_128 = arith.constant 0 : i32
      %dma_start3A_129 = arith.constant 0 : i32
      %dma_start3A_130 = tpu.memref_slice %arg9[%select_n3A_127, %dma_start3A_128, %dma_start3A_129] : memref<3x128x64xf32, #tpu.memory_space<vmem>> -> memref<1x128x64xf32, #tpu.memory_space<vmem>>
      %dma_start3A_131 = tpu.memref_squeeze %dma_start3A_130 : memref<1x128x64xf32, #tpu.memory_space<vmem>> -> memref<128x64xf32, #tpu.memory_space<vmem>>
      %dma_start3A_132 = arith.constant 0 : i32
      %dma_start3A_133 = tpu.memref_slice %arg7[%add3A_109, %dma_start3A_132] : memref<79x128xi32, #tpu.memory_space<vmem>> -> memref<1x128xi32, #tpu.memory_space<vmem>>
      %dma_start3A_134 = tpu.memref_squeeze %dma_start3A_133 : memref<1x128xi32, #tpu.memory_space<vmem>> -> memref<128xi32, #tpu.memory_space<vmem>>
      %dma_start3A_135 = arith.constant 0 : i32
      %dma_start3A_136 = arith.constant 0 : i32
      %dma_start3A_137 = tpu.memref_slice %arg10[%dma_start3A_135, %dma_start3A_136] : memref<10240x64xf32, #tpu.memory_space<vmem_shared>> -> memref<10240x64xf32, #tpu.memory_space<vmem_shared>>
      tpu.enqueue_indirect_dma source(%dma_start3A_137 : memref<10240x64xf32, #tpu.memory_space<vmem_shared>>) target(%dma_start3A_131 : memref<128x64xf32, #tpu.memory_space<vmem>>) offsets(%dma_start3A_134 : memref<128xi32, #tpu.memory_space<vmem>>) semaphore(%arg12 : memref<!tpu.dma_semaphore, #tpu.memory_space<semaphore_mem>>)
      %jit3A_138 = arith.constant 3 : i32
      %eq3A_139 = arith.constant 0 : i32
      %eq3A_140 = arith.cmpi eq, %jit3A_138, %eq3A_139 : i32
      %jit3A_141 = arith.constant 1 : i32
      %select_n3A_142 = arith.select %eq3A_140, %jit3A_141, %jit3A_138 : i32
      %rem3A_143 = arith.remsi %add3A_89, %select_n3A_142 : i32
      %ne3A_144 = arith.constant 0 : i32
      %ne3A_145 = arith.cmpi ne, %rem3A_143, %ne3A_144 : i32
      %lt3A_146 = arith.constant 0 : i32
      %lt3A_147 = arith.cmpi slt, %rem3A_143, %lt3A_146 : i32
      %lt3A_148 = arith.constant 0 : i32
      %lt3A_149 = arith.cmpi slt, %select_n3A_142, %lt3A_148 : i32
      %ne3A_150 = arith.xori %lt3A_147, %lt3A_149 : i1
      %and3A_151 = arith.andi %ne3A_150, %ne3A_145 : i1
      %add3A_152 = arith.addi %rem3A_143, %select_n3A_142 : i32
      %select_n3A_153 = arith.select %and3A_151, %add3A_152, %rem3A_143 : i32
      "tpu.region"() ({
        %run_scoped3A = tpu.sem_alloc : memref<!tpu.dma_semaphore, #tpu.memory_space<semaphore_mem>>
        %dma_start3A_154 = arith.constant 0 : i32
        %dma_start3A_155 = arith.constant 0 : i32
        %dma_start3A_156 = tpu.memref_slice %arg9[%select_n3A_153, %dma_start3A_154, %dma_start3A_155] : memref<3x128x64xf32, #tpu.memory_space<vmem>> -> memref<1x128x64xf32, #tpu.memory_space<vmem>>
        %dma_start3A_157 = tpu.memref_squeeze %dma_start3A_156 : memref<1x128x64xf32, #tpu.memory_space<vmem>> -> memref<128x64xf32, #tpu.memory_space<vmem>>
        %dma_start3A_158 = arith.constant 0 : i32
        %dma_start3A_159 = tpu.memref_slice %arg8[%add3A_89, %dma_start3A_158] : memref<79x128xi32, #tpu.memory_space<vmem>> -> memref<1x128xi32, #tpu.memory_space<vmem>>
        %dma_start3A_160 = tpu.memref_squeeze %dma_start3A_159 : memref<1x128xi32, #tpu.memory_space<vmem>> -> memref<128xi32, #tpu.memory_space<vmem>>
        %dma_start3A_161 = arith.constant 0 : i32
        %dma_start3A_162 = arith.constant 0 : i32
        %dma_start3A_163 = tpu.memref_slice %arg11[%dma_start3A_161, %dma_start3A_162] : memref<10240x64xf32, #tpu.memory_space<vmem_shared>> -> memref<10240x64xf32, #tpu.memory_space<vmem_shared>>
        tpu.enqueue_indirect_dma source(%dma_start3A_157 : memref<128x64xf32, #tpu.memory_space<vmem>>) target(%dma_start3A_163 : memref<10240x64xf32, #tpu.memory_space<vmem_shared>>) offsets(%dma_start3A_160 : memref<128xi32, #tpu.memory_space<vmem>>) semaphore(%run_scoped3A : memref<!tpu.dma_semaphore, #tpu.memory_space<semaphore_mem>>) {add = true}
        %dma_wait3A_164 = arith.constant 0 : i32
        %dma_wait3A_165 = arith.constant 0 : i32
        %dma_wait3A_166 = tpu.memref_slice %arg9[%select_n3A_153, %dma_wait3A_164, %dma_wait3A_165] : memref<3x128x64xf32, #tpu.memory_space<vmem>> -> memref<1x128x64xf32, #tpu.memory_space<vmem>>
        %dma_wait3A_167 = tpu.memref_squeeze %dma_wait3A_166 : memref<1x128x64xf32, #tpu.memory_space<vmem>> -> memref<128x64xf32, #tpu.memory_space<vmem>>
        %dma_wait3A_168 = arith.constant 0 : i32
        %dma_wait3A_169 = tpu.memref_slice %arg8[%add3A_89, %dma_wait3A_168] : memref<79x128xi32, #tpu.memory_space<vmem>> -> memref<1x128xi32, #tpu.memory_space<vmem>>
        %dma_wait3A_170 = tpu.memref_squeeze %dma_wait3A_169 : memref<1x128xi32, #tpu.memory_space<vmem>> -> memref<128xi32, #tpu.memory_space<vmem>>
        %dma_wait3A_171 = arith.constant 0 : i32
        %dma_wait3A_172 = arith.constant 0 : i32
        %dma_wait3A_173 = tpu.memref_slice %arg11[%dma_wait3A_171, %dma_wait3A_172] : memref<10240x64xf32, #tpu.memory_space<vmem_shared>> -> memref<10240x64xf32, #tpu.memory_space<vmem_shared>>
        tpu.wait_indirect_dma semaphore(%run_scoped3A : memref<!tpu.dma_semaphore, #tpu.memory_space<semaphore_mem>>) src(%dma_wait3A_167 : memref<128x64xf32, #tpu.memory_space<vmem>>) dst(%dma_wait3A_173 : memref<10240x64xf32, #tpu.memory_space<vmem_shared>>)
        tpu.yield
      }) : () -> ()
    }
    %scan3A_74 = arith.constant 77 : i32
    %scan3A_75 = arith.constant 0 : i32
    %scan3A_76 = arith.constant 2 : i32
    %scan3A_77 = arith.addi %scan3A_75, %scan3A_76 : i32
    %scan3A_78 = arith.constant 1 : i32
    scf.for %scan3A_85 = %scan3A_75 to %scan3A_77 step %scan3A_78  : i32 {
      %mul3A_86 = arith.constant 1 : i32
      %mul3A_87 = arith.muli %scan3A_85, %mul3A_86 : i32
      %add3A_88 = arith.constant 77 : i32
      %add3A_89 = arith.addi %add3A_88, %mul3A_87 : i32
      %jit3A = arith.constant 3 : i32
      %eq3A = arith.constant 0 : i32
      %eq3A_90 = arith.cmpi eq, %jit3A, %eq3A : i32
      %jit3A_91 = arith.constant 1 : i32
      %select_n3A = arith.select %eq3A_90, %jit3A_91, %jit3A : i32
      %rem3A = arith.remsi %add3A_89, %select_n3A : i32
      %ne3A = arith.constant 0 : i32
      %ne3A_92 = arith.cmpi ne, %rem3A, %ne3A : i32
      %lt3A = arith.constant 0 : i32
      %lt3A_93 = arith.cmpi slt, %rem3A, %lt3A : i32
      %lt3A_94 = arith.constant 0 : i32
      %lt3A_95 = arith.cmpi slt, %select_n3A, %lt3A_94 : i32
      %ne3A_96 = arith.xori %lt3A_93, %lt3A_95 : i1
      %and3A = arith.andi %ne3A_96, %ne3A_92 : i1
      %add3A_97 = arith.addi %rem3A, %select_n3A : i32
      %select_n3A_98 = arith.select %and3A, %add3A_97, %rem3A : i32
      %dma_wait3A = arith.constant 0 : i32
      %dma_wait3A_99 = arith.constant 0 : i32
      %dma_wait3A_100 = tpu.memref_slice %arg9[%select_n3A_98, %dma_wait3A, %dma_wait3A_99] : memref<3x128x64xf32, #tpu.memory_space<vmem>> -> memref<1x128x64xf32, #tpu.memory_space<vmem>>
      %dma_wait3A_101 = tpu.memref_squeeze %dma_wait3A_100 : memref<1x128x64xf32, #tpu.memory_space<vmem>> -> memref<128x64xf32, #tpu.memory_space<vmem>>
      %dma_wait3A_102 = arith.constant 0 : i32
      %dma_wait3A_103 = tpu.memref_slice %arg7[%add3A_89, %dma_wait3A_102] : memref<79x128xi32, #tpu.memory_space<vmem>> -> memref<1x128xi32, #tpu.memory_space<vmem>>
      %dma_wait3A_104 = tpu.memref_squeeze %dma_wait3A_103 : memref<1x128xi32, #tpu.memory_space<vmem>> -> memref<128xi32, #tpu.memory_space<vmem>>
      %dma_wait3A_105 = arith.constant 0 : i32
      %dma_wait3A_106 = arith.constant 0 : i32
      %dma_wait3A_107 = tpu.memref_slice %arg10[%dma_wait3A_105, %dma_wait3A_106] : memref<10240x64xf32, #tpu.memory_space<vmem_shared>> -> memref<10240x64xf32, #tpu.memory_space<vmem_shared>>
      tpu.wait_indirect_dma semaphore(%arg12 : memref<!tpu.dma_semaphore, #tpu.memory_space<semaphore_mem>>) src(%dma_wait3A_107 : memref<10240x64xf32, #tpu.memory_space<vmem_shared>>) dst(%dma_wait3A_101 : memref<128x64xf32, #tpu.memory_space<vmem>>)
      %jit3A_108 = arith.constant 3 : i32
      %eq3A_109 = arith.constant 0 : i32
      %eq3A_110 = arith.cmpi eq, %jit3A_108, %eq3A_109 : i32
      %jit3A_111 = arith.constant 1 : i32
      %select_n3A_112 = arith.select %eq3A_110, %jit3A_111, %jit3A_108 : i32
      %rem3A_113 = arith.remsi %add3A_89, %select_n3A_112 : i32
      %ne3A_114 = arith.constant 0 : i32
      %ne3A_115 = arith.cmpi ne, %rem3A_113, %ne3A_114 : i32
      %lt3A_116 = arith.constant 0 : i32
      %lt3A_117 = arith.cmpi slt, %rem3A_113, %lt3A_116 : i32
      %lt3A_118 = arith.constant 0 : i32
      %lt3A_119 = arith.cmpi slt, %select_n3A_112, %lt3A_118 : i32
      %ne3A_120 = arith.xori %lt3A_117, %lt3A_119 : i1
      %and3A_121 = arith.andi %ne3A_120, %ne3A_115 : i1
      %add3A_122 = arith.addi %rem3A_113, %select_n3A_112 : i32
      %select_n3A_123 = arith.select %and3A_121, %add3A_122, %rem3A_113 : i32
      "tpu.region"() ({
        %run_scoped3A = tpu.sem_alloc : memref<!tpu.dma_semaphore, #tpu.memory_space<semaphore_mem>>
        %dma_start3A_124 = arith.constant 0 : i32
        %dma_start3A_125 = arith.constant 0 : i32
        %dma_start3A_126 = tpu.memref_slice %arg9[%select_n3A_123, %dma_start3A_124, %dma_start3A_125] : memref<3x128x64xf32, #tpu.memory_space<vmem>> -> memref<1x128x64xf32, #tpu.memory_space<vmem>>
        %dma_start3A_127 = tpu.memref_squeeze %dma_start3A_126 : memref<1x128x64xf32, #tpu.memory_space<vmem>> -> memref<128x64xf32, #tpu.memory_space<vmem>>
        %dma_start3A_128 = arith.constant 0 : i32
        %dma_start3A_129 = tpu.memref_slice %arg8[%add3A_89, %dma_start3A_128] : memref<79x128xi32, #tpu.memory_space<vmem>> -> memref<1x128xi32, #tpu.memory_space<vmem>>
        %dma_start3A_130 = tpu.memref_squeeze %dma_start3A_129 : memref<1x128xi32, #tpu.memory_space<vmem>> -> memref<128xi32, #tpu.memory_space<vmem>>
        %dma_start3A_131 = arith.constant 0 : i32
        %dma_start3A_132 = arith.constant 0 : i32
        %dma_start3A_133 = tpu.memref_slice %arg11[%dma_start3A_131, %dma_start3A_132] : memref<10240x64xf32, #tpu.memory_space<vmem_shared>> -> memref<10240x64xf32, #tpu.memory_space<vmem_shared>>
        tpu.enqueue_indirect_dma source(%dma_start3A_127 : memref<128x64xf32, #tpu.memory_space<vmem>>) target(%dma_start3A_133 : memref<10240x64xf32, #tpu.memory_space<vmem_shared>>) offsets(%dma_start3A_130 : memref<128xi32, #tpu.memory_space<vmem>>) semaphore(%run_scoped3A : memref<!tpu.dma_semaphore, #tpu.memory_space<semaphore_mem>>) {add = true}
        %dma_wait3A_134 = arith.constant 0 : i32
        %dma_wait3A_135 = arith.constant 0 : i32
        %dma_wait3A_136 = tpu.memref_slice %arg9[%select_n3A_123, %dma_wait3A_134, %dma_wait3A_135] : memref<3x128x64xf32, #tpu.memory_space<vmem>> -> memref<1x128x64xf32, #tpu.memory_space<vmem>>
        %dma_wait3A_137 = tpu.memref_squeeze %dma_wait3A_136 : memref<1x128x64xf32, #tpu.memory_space<vmem>> -> memref<128x64xf32, #tpu.memory_space<vmem>>
        %dma_wait3A_138 = arith.constant 0 : i32
        %dma_wait3A_139 = tpu.memref_slice %arg8[%add3A_89, %dma_wait3A_138] : memref<79x128xi32, #tpu.memory_space<vmem>> -> memref<1x128xi32, #tpu.memory_space<vmem>>
        %dma_wait3A_140 = tpu.memref_squeeze %dma_wait3A_139 : memref<1x128xi32, #tpu.memory_space<vmem>> -> memref<128xi32, #tpu.memory_space<vmem>>
        %dma_wait3A_141 = arith.constant 0 : i32
        %dma_wait3A_142 = arith.constant 0 : i32
        %dma_wait3A_143 = tpu.memref_slice %arg11[%dma_wait3A_141, %dma_wait3A_142] : memref<10240x64xf32, #tpu.memory_space<vmem_shared>> -> memref<10240x64xf32, #tpu.memory_space<vmem_shared>>
        tpu.wait_indirect_dma semaphore(%run_scoped3A : memref<!tpu.dma_semaphore, #tpu.memory_space<semaphore_mem>>) src(%dma_wait3A_137 : memref<128x64xf32, #tpu.memory_space<vmem>>) dst(%dma_wait3A_143 : memref<10240x64xf32, #tpu.memory_space<vmem_shared>>)
        tpu.yield
      }) : () -> ()
    }
    %scan3A_79 = arith.constant 2 : i32
    %barrier3A_80 = arith.constant 0 : index
    tpu.barrier barrier_id(%barrier3A_80)
    %mul3A_81 = arith.constant 640 : i32
    %mul3A_82 = arith.muli %arg1, %mul3A_81 : i32
    %mul3A_83 = arith.constant 640 : i32
    %mul3A_84 = arith.muli %arg1, %mul3A_83 : i32
    "tpu.region"() ({
      %run_scoped3A = tpu.sem_alloc : memref<!tpu.dma_semaphore, #tpu.memory_space<semaphore_mem>>
      %dma_start3A_85 = arith.constant 0 : i32
      %dma_start3A_86 = tpu.memref_slice %arg6[%arg0, %mul3A_84, %dma_start3A_85] : memref<2x10240x64xf32, #tpu.memory_space<hbm>> -> memref<1x640x64xf32, #tpu.memory_space<hbm>>
      %dma_start3A_87 = tpu.memref_squeeze %dma_start3A_86 : memref<1x640x64xf32, #tpu.memory_space<hbm>> -> memref<640x64xf32, #tpu.memory_space<hbm>>
      %dma_start3A_88 = arith.constant 0 : i32
      %dma_start3A_89 = tpu.memref_slice %arg11[%mul3A_82, %dma_start3A_88] : memref<10240x64xf32, #tpu.memory_space<vmem_shared>> -> memref<640x64xf32, #tpu.memory_space<vmem_shared>>
      tpu.enqueue_dma source(%dma_start3A_89 : memref<640x64xf32, #tpu.memory_space<vmem_shared>>) target(%dma_start3A_87 : memref<640x64xf32, #tpu.memory_space<hbm>>) target_semaphore(%run_scoped3A : memref<!tpu.dma_semaphore, #tpu.memory_space<semaphore_mem>>)
      %dma_wait3A = arith.constant 0 : i32
      %dma_wait3A_90 = tpu.memref_slice %arg6[%arg0, %mul3A_84, %dma_wait3A] : memref<2x10240x64xf32, #tpu.memory_space<hbm>> -> memref<1x640x64xf32, #tpu.memory_space<hbm>>
      %dma_wait3A_91 = tpu.memref_squeeze %dma_wait3A_90 : memref<1x640x64xf32, #tpu.memory_space<hbm>> -> memref<640x64xf32, #tpu.memory_space<hbm>>
      %dma_wait3A_92 = arith.constant 0 : i32
      %dma_wait3A_93 = tpu.memref_slice %arg11[%mul3A_82, %dma_wait3A_92] : memref<10240x64xf32, #tpu.memory_space<vmem_shared>> -> memref<640x64xf32, #tpu.memory_space<vmem_shared>>
      tpu.wait_dma2 semaphore(%run_scoped3A : memref<!tpu.dma_semaphore, #tpu.memory_space<semaphore_mem>>) src(%dma_wait3A_93 : memref<640x64xf32, #tpu.memory_space<vmem_shared>>) dst(%dma_wait3A_91 : memref<640x64xf32, #tpu.memory_space<hbm>>)
      tpu.yield
    }) : () -> ()
    return
  }
}

#map = affine_map<(d0, d1) -> (0, 0, 0)>
#map1 = affine_map<(d0, d1) -> (0, 0)>
module attributes {stable_mosaic.version = 14 : i64} {
  func.func @k(%arg0: i32, %arg1: i32, %arg2: memref<2x10240x64xf32, #tpu.memory_space<hbm>>, %arg3: memref<32x79x128xi32, #tpu.memory_space<hbm>>, %arg4: memref<32x79x128xi32, #tpu.memory_space<hbm>>, %arg5: memref<10240x64xf32, #tpu.memory_space<hbm>>, %arg6: memref<2x10240x64xf32, #tpu.memory_space<hbm>>, %arg7: memref<79x128xi32, #tpu.memory_space<vmem>>, %arg8: memref<79x128xi32, #tpu.memory_space<vmem>>, %arg9: memref<3x128x64xf32, #tpu.memory_space<vmem>>, %arg10: memref<10240x64xf32, #tpu.memory_space<vmem_shared>>, %arg11: memref<10240x64xf32, #tpu.memory_space<vmem_shared>>, %arg12: memref<!tpu.dma_semaphore, #tpu.memory_space<semaphore_mem>>) attributes {dimension_semantics = [#tpu.dimension_semantics<core_parallel>, #tpu.dimension_semantics<subcore_parallel>], iteration_bounds = array<i64: 2, 16>, scalar_prefetch = 0 : i64, scratch_operands = 6 : i64, tpu.core_type = #tpu.core_type<sc_vector_subcore>, window_params = [{transform_indices = #map}, {transform_indices = #map}, {transform_indices = #map}, {transform_indices = #map1}, {transform_indices = #map}]} {
    %mul3A = arith.constant 640 : i32
    %mul3A_0 = arith.muli %arg1, %mul3A : i32
    %mul3A_1 = arith.constant 640 : i32
    %mul3A_2 = arith.muli %arg1, %mul3A_1 : i32
    "tpu.region"() ({
      %run_scoped3A = tpu.sem_alloc : memref<!tpu.dma_semaphore, #tpu.memory_space<semaphore_mem>>
      %dma_start3A_85 = arith.constant 0 : i32
      %dma_start3A_86 = tpu.memref_slice %arg11[%mul3A_2, %dma_start3A_85] : memref<10240x64xf32, #tpu.memory_space<vmem_shared>> -> memref<640x64xf32, #tpu.memory_space<vmem_shared>>
      %dma_start3A_87 = arith.constant 0 : i32
      %dma_start3A_88 = tpu.memref_slice %arg5[%mul3A_0, %dma_start3A_87] : memref<10240x64xf32, #tpu.memory_space<hbm>> -> memref<640x64xf32, #tpu.memory_space<hbm>>
      tpu.enqueue_dma source(%dma_start3A_88 : memref<640x64xf32, #tpu.memory_space<hbm>>) target(%dma_start3A_86 : memref<640x64xf32, #tpu.memory_space<vmem_shared>>) target_semaphore(%run_scoped3A : memref<!tpu.dma_semaphore, #tpu.memory_space<semaphore_mem>>)
      %dma_wait3A = arith.constant 0 : i32
      %dma_wait3A_89 = tpu.memref_slice %arg11[%mul3A_2, %dma_wait3A] : memref<10240x64xf32, #tpu.memory_space<vmem_shared>> -> memref<640x64xf32, #tpu.memory_space<vmem_shared>>
      %dma_wait3A_90 = arith.constant 0 : i32
      %dma_wait3A_91 = tpu.memref_slice %arg5[%mul3A_0, %dma_wait3A_90] : memref<10240x64xf32, #tpu.memory_space<hbm>> -> memref<640x64xf32, #tpu.memory_space<hbm>>
      tpu.wait_dma2 semaphore(%run_scoped3A : memref<!tpu.dma_semaphore, #tpu.memory_space<semaphore_mem>>) src(%dma_wait3A_91 : memref<640x64xf32, #tpu.memory_space<hbm>>) dst(%dma_wait3A_89 : memref<640x64xf32, #tpu.memory_space<vmem_shared>>)
      tpu.yield
    }) : () -> ()
    %mul3A_3 = arith.constant 640 : i32
    %mul3A_4 = arith.muli %arg1, %mul3A_3 : i32
    %mul3A_5 = arith.constant 640 : i32
    %mul3A_6 = arith.muli %arg1, %mul3A_5 : i32
    "tpu.region"() ({
      %run_scoped3A = tpu.sem_alloc : memref<!tpu.dma_semaphore, #tpu.memory_space<semaphore_mem>>
      %dma_start3A_85 = arith.constant 0 : i32
      %dma_start3A_86 = tpu.memref_slice %arg10[%mul3A_6, %dma_start3A_85] : memref<10240x64xf32, #tpu.memory_space<vmem_shared>> -> memref<640x64xf32, #tpu.memory_space<vmem_shared>>
      %dma_start3A_87 = arith.constant 0 : i32
      %dma_start3A_88 = tpu.memref_slice %arg2[%arg0, %mul3A_4, %dma_start3A_87] : memref<2x10240x64xf32, #tpu.memory_space<hbm>> -> memref<1x640x64xf32, #tpu.memory_space<hbm>>
      %dma_start3A_89 = tpu.memref_squeeze %dma_start3A_88 : memref<1x640x64xf32, #tpu.memory_space<hbm>> -> memref<640x64xf32, #tpu.memory_space<hbm>>
      tpu.enqueue_dma source(%dma_start3A_89 : memref<640x64xf32, #tpu.memory_space<hbm>>) target(%dma_start3A_86 : memref<640x64xf32, #tpu.memory_space<vmem_shared>>) target_semaphore(%run_scoped3A : memref<!tpu.dma_semaphore, #tpu.memory_space<semaphore_mem>>)
      %dma_wait3A = arith.constant 0 : i32
      %dma_wait3A_90 = tpu.memref_slice %arg10[%mul3A_6, %dma_wait3A] : memref<10240x64xf32, #tpu.memory_space<vmem_shared>> -> memref<640x64xf32, #tpu.memory_space<vmem_shared>>
      %dma_wait3A_91 = arith.constant 0 : i32
      %dma_wait3A_92 = tpu.memref_slice %arg2[%arg0, %mul3A_4, %dma_wait3A_91] : memref<2x10240x64xf32, #tpu.memory_space<hbm>> -> memref<1x640x64xf32, #tpu.memory_space<hbm>>
      %dma_wait3A_93 = tpu.memref_squeeze %dma_wait3A_92 : memref<1x640x64xf32, #tpu.memory_space<hbm>> -> memref<640x64xf32, #tpu.memory_space<hbm>>
      tpu.wait_dma2 semaphore(%run_scoped3A : memref<!tpu.dma_semaphore, #tpu.memory_space<semaphore_mem>>) src(%dma_wait3A_93 : memref<640x64xf32, #tpu.memory_space<hbm>>) dst(%dma_wait3A_90 : memref<640x64xf32, #tpu.memory_space<vmem_shared>>)
      tpu.yield
    }) : () -> ()
    %barrier3A = arith.constant 0 : index
    tpu.barrier barrier_id(%barrier3A)
    %mul3A_7 = arith.constant 2 : i32
    %mul3A_8 = arith.muli %arg1, %mul3A_7 : i32
    %add3A = arith.constant 0 : i32
    %add3A_9 = arith.addi %mul3A_8, %add3A : i32
    "tpu.region"() ({
      %run_scoped3A = tpu.sem_alloc : memref<!tpu.dma_semaphore, #tpu.memory_space<semaphore_mem>>
      %dma_start3A_85 = arith.constant 0 : i32
      %dma_start3A_86 = arith.constant 0 : i32
      %dma_start3A_87 = tpu.memref_slice %arg3[%add3A_9, %dma_start3A_85, %dma_start3A_86] : memref<32x79x128xi32, #tpu.memory_space<hbm>> -> memref<1x79x128xi32, #tpu.memory_space<hbm>>
      %dma_start3A_88 = tpu.memref_squeeze %dma_start3A_87 : memref<1x79x128xi32, #tpu.memory_space<hbm>> -> memref<79x128xi32, #tpu.memory_space<hbm>>
      %dma_start3A_89 = arith.constant 0 : i32
      %dma_start3A_90 = arith.constant 0 : i32
      %dma_start3A_91 = tpu.memref_slice %arg3[%add3A_9, %dma_start3A_89, %dma_start3A_90] : memref<32x79x128xi32, #tpu.memory_space<hbm>> -> memref<1x79x128xi32, #tpu.memory_space<hbm>>
      %dma_start3A_92 = tpu.memref_squeeze %dma_start3A_91 : memref<1x79x128xi32, #tpu.memory_space<hbm>> -> memref<79x128xi32, #tpu.memory_space<hbm>>
      tpu.enqueue_dma source(%dma_start3A_92 : memref<79x128xi32, #tpu.memory_space<hbm>>) target(%arg7 : memref<79x128xi32, #tpu.memory_space<vmem>>) target_semaphore(%run_scoped3A : memref<!tpu.dma_semaphore, #tpu.memory_space<semaphore_mem>>)
      %dma_wait3A = arith.constant 0 : i32
      %dma_wait3A_93 = arith.constant 0 : i32
      %dma_wait3A_94 = tpu.memref_slice %arg3[%add3A_9, %dma_wait3A, %dma_wait3A_93] : memref<32x79x128xi32, #tpu.memory_space<hbm>> -> memref<1x79x128xi32, #tpu.memory_space<hbm>>
      %dma_wait3A_95 = tpu.memref_squeeze %dma_wait3A_94 : memref<1x79x128xi32, #tpu.memory_space<hbm>> -> memref<79x128xi32, #tpu.memory_space<hbm>>
      %dma_wait3A_96 = arith.constant 0 : i32
      %dma_wait3A_97 = arith.constant 0 : i32
      %dma_wait3A_98 = tpu.memref_slice %arg3[%add3A_9, %dma_wait3A_96, %dma_wait3A_97] : memref<32x79x128xi32, #tpu.memory_space<hbm>> -> memref<1x79x128xi32, #tpu.memory_space<hbm>>
      %dma_wait3A_99 = tpu.memref_squeeze %dma_wait3A_98 : memref<1x79x128xi32, #tpu.memory_space<hbm>> -> memref<79x128xi32, #tpu.memory_space<hbm>>
      tpu.wait_dma2 semaphore(%run_scoped3A : memref<!tpu.dma_semaphore, #tpu.memory_space<semaphore_mem>>) src(%dma_wait3A_99 : memref<79x128xi32, #tpu.memory_space<hbm>>) dst(%arg7 : memref<79x128xi32, #tpu.memory_space<vmem>>)
      tpu.yield
    }) : () -> ()
    "tpu.region"() ({
      %run_scoped3A = tpu.sem_alloc : memref<!tpu.dma_semaphore, #tpu.memory_space<semaphore_mem>>
      %dma_start3A_85 = arith.constant 0 : i32
      %dma_start3A_86 = arith.constant 0 : i32
      %dma_start3A_87 = tpu.memref_slice %arg4[%add3A_9, %dma_start3A_85, %dma_start3A_86] : memref<32x79x128xi32, #tpu.memory_space<hbm>> -> memref<1x79x128xi32, #tpu.memory_space<hbm>>
      %dma_start3A_88 = tpu.memref_squeeze %dma_start3A_87 : memref<1x79x128xi32, #tpu.memory_space<hbm>> -> memref<79x128xi32, #tpu.memory_space<hbm>>
      %dma_start3A_89 = arith.constant 0 : i32
      %dma_start3A_90 = arith.constant 0 : i32
      %dma_start3A_91 = tpu.memref_slice %arg4[%add3A_9, %dma_start3A_89, %dma_start3A_90] : memref<32x79x128xi32, #tpu.memory_space<hbm>> -> memref<1x79x128xi32, #tpu.memory_space<hbm>>
      %dma_start3A_92 = tpu.memref_squeeze %dma_start3A_91 : memref<1x79x128xi32, #tpu.memory_space<hbm>> -> memref<79x128xi32, #tpu.memory_space<hbm>>
      tpu.enqueue_dma source(%dma_start3A_92 : memref<79x128xi32, #tpu.memory_space<hbm>>) target(%arg8 : memref<79x128xi32, #tpu.memory_space<vmem>>) target_semaphore(%run_scoped3A : memref<!tpu.dma_semaphore, #tpu.memory_space<semaphore_mem>>)
      %dma_wait3A = arith.constant 0 : i32
      %dma_wait3A_93 = arith.constant 0 : i32
      %dma_wait3A_94 = tpu.memref_slice %arg4[%add3A_9, %dma_wait3A, %dma_wait3A_93] : memref<32x79x128xi32, #tpu.memory_space<hbm>> -> memref<1x79x128xi32, #tpu.memory_space<hbm>>
      %dma_wait3A_95 = tpu.memref_squeeze %dma_wait3A_94 : memref<1x79x128xi32, #tpu.memory_space<hbm>> -> memref<79x128xi32, #tpu.memory_space<hbm>>
      %dma_wait3A_96 = arith.constant 0 : i32
      %dma_wait3A_97 = arith.constant 0 : i32
      %dma_wait3A_98 = tpu.memref_slice %arg4[%add3A_9, %dma_wait3A_96, %dma_wait3A_97] : memref<32x79x128xi32, #tpu.memory_space<hbm>> -> memref<1x79x128xi32, #tpu.memory_space<hbm>>
      %dma_wait3A_99 = tpu.memref_squeeze %dma_wait3A_98 : memref<1x79x128xi32, #tpu.memory_space<hbm>> -> memref<79x128xi32, #tpu.memory_space<hbm>>
      tpu.wait_dma2 semaphore(%run_scoped3A : memref<!tpu.dma_semaphore, #tpu.memory_space<semaphore_mem>>) src(%dma_wait3A_99 : memref<79x128xi32, #tpu.memory_space<hbm>>) dst(%arg8 : memref<79x128xi32, #tpu.memory_space<vmem>>)
      tpu.yield
    }) : () -> ()
    %dma_start3A = arith.constant 0 : i32
    %dma_start3A_10 = arith.constant 0 : i32
    %dma_start3A_11 = arith.constant 0 : i32
    %dma_start3A_12 = arith.constant 0 : i32
    %dma_start3A_13 = tpu.memref_slice %arg9[%dma_start3A_10, %dma_start3A_11, %dma_start3A_12] : memref<3x128x64xf32, #tpu.memory_space<vmem>> -> memref<1x128x64xf32, #tpu.memory_space<vmem>>
    %dma_start3A_14 = tpu.memref_squeeze %dma_start3A_13 : memref<1x128x64xf32, #tpu.memory_space<vmem>> -> memref<128x64xf32, #tpu.memory_space<vmem>>
    %dma_start3A_15 = arith.constant 0 : i32
    %dma_start3A_16 = tpu.memref_slice %arg7[%dma_start3A, %dma_start3A_15] : memref<79x128xi32, #tpu.memory_space<vmem>> -> memref<1x128xi32, #tpu.memory_space<vmem>>
    %dma_start3A_17 = tpu.memref_squeeze %dma_start3A_16 : memref<1x128xi32, #tpu.memory_space<vmem>> -> memref<128xi32, #tpu.memory_space<vmem>>
    %dma_start3A_18 = arith.constant 0 : i32
    %dma_start3A_19 = arith.constant 0 : i32
    %dma_start3A_20 = tpu.memref_slice %arg10[%dma_start3A_18, %dma_start3A_19] : memref<10240x64xf32, #tpu.memory_space<vmem_shared>> -> memref<10240x64xf32, #tpu.memory_space<vmem_shared>>
    tpu.enqueue_indirect_dma source(%dma_start3A_20 : memref<10240x64xf32, #tpu.memory_space<vmem_shared>>) target(%dma_start3A_14 : memref<128x64xf32, #tpu.memory_space<vmem>>) offsets(%dma_start3A_17 : memref<128xi32, #tpu.memory_space<vmem>>) semaphore(%arg12 : memref<!tpu.dma_semaphore, #tpu.memory_space<semaphore_mem>>)
    %dma_start3A_21 = arith.constant 1 : i32
    %dma_start3A_22 = arith.constant 1 : i32
    %dma_start3A_23 = arith.constant 0 : i32
    %dma_start3A_24 = arith.constant 0 : i32
    %dma_start3A_25 = tpu.memref_slice %arg9[%dma_start3A_22, %dma_start3A_23, %dma_start3A_24] : memref<3x128x64xf32, #tpu.memory_space<vmem>> -> memref<1x128x64xf32, #tpu.memory_space<vmem>>
    %dma_start3A_26 = tpu.memref_squeeze %dma_start3A_25 : memref<1x128x64xf32, #tpu.memory_space<vmem>> -> memref<128x64xf32, #tpu.memory_space<vmem>>
    %dma_start3A_27 = arith.constant 0 : i32
    %dma_start3A_28 = tpu.memref_slice %arg7[%dma_start3A_21, %dma_start3A_27] : memref<79x128xi32, #tpu.memory_space<vmem>> -> memref<1x128xi32, #tpu.memory_space<vmem>>
    %dma_start3A_29 = tpu.memref_squeeze %dma_start3A_28 : memref<1x128xi32, #tpu.memory_space<vmem>> -> memref<128xi32, #tpu.memory_space<vmem>>
    %dma_start3A_30 = arith.constant 0 : i32
    %dma_start3A_31 = arith.constant 0 : i32
    %dma_start3A_32 = tpu.memref_slice %arg10[%dma_start3A_30, %dma_start3A_31] : memref<10240x64xf32, #tpu.memory_space<vmem_shared>> -> memref<10240x64xf32, #tpu.memory_space<vmem_shared>>
    tpu.enqueue_indirect_dma source(%dma_start3A_32 : memref<10240x64xf32, #tpu.memory_space<vmem_shared>>) target(%dma_start3A_26 : memref<128x64xf32, #tpu.memory_space<vmem>>) offsets(%dma_start3A_29 : memref<128xi32, #tpu.memory_space<vmem>>) semaphore(%arg12 : memref<!tpu.dma_semaphore, #tpu.memory_space<semaphore_mem>>)
    %scan3A = arith.constant 0 : i32
    %scan3A_33 = arith.constant 77 : i32
    %scan3A_34 = arith.addi %scan3A, %scan3A_33 : i32
    %scan3A_35 = arith.constant 1 : i32
    scf.for %scan3A_85 = %scan3A to %scan3A_34 step %scan3A_35  : i32 {
      %mul3A_86 = arith.constant 1 : i32
      %mul3A_87 = arith.muli %scan3A_85, %mul3A_86 : i32
      %add3A_88 = arith.constant 0 : i32
      %add3A_89 = arith.addi %add3A_88, %mul3A_87 : i32
      %jit3A = arith.constant 3 : i32
      %eq3A = arith.constant 0 : i32
      %eq3A_90 = arith.cmpi eq, %jit3A, %eq3A : i32
      %jit3A_91 = arith.constant 1 : i32
      %select_n3A = arith.select %eq3A_90, %jit3A_91, %jit3A : i32
      %rem3A = arith.remsi %add3A_89, %select_n3A : i32
      %ne3A = arith.constant 0 : i32
      %ne3A_92 = arith.cmpi ne, %rem3A, %ne3A : i32
      %lt3A = arith.constant 0 : i32
      %lt3A_93 = arith.cmpi slt, %rem3A, %lt3A : i32
      %lt3A_94 = arith.constant 0 : i32
      %lt3A_95 = arith.cmpi slt, %select_n3A, %lt3A_94 : i32
      %ne3A_96 = arith.xori %lt3A_93, %lt3A_95 : i1
      %and3A = arith.andi %ne3A_96, %ne3A_92 : i1
      %add3A_97 = arith.addi %rem3A, %select_n3A : i32
      %select_n3A_98 = arith.select %and3A, %add3A_97, %rem3A : i32
      %dma_wait3A = arith.constant 0 : i32
      %dma_wait3A_99 = arith.constant 0 : i32
      %dma_wait3A_100 = tpu.memref_slice %arg9[%select_n3A_98, %dma_wait3A, %dma_wait3A_99] : memref<3x128x64xf32, #tpu.memory_space<vmem>> -> memref<1x128x64xf32, #tpu.memory_space<vmem>>
      %dma_wait3A_101 = tpu.memref_squeeze %dma_wait3A_100 : memref<1x128x64xf32, #tpu.memory_space<vmem>> -> memref<128x64xf32, #tpu.memory_space<vmem>>
      %dma_wait3A_102 = arith.constant 0 : i32
      %dma_wait3A_103 = tpu.memref_slice %arg7[%add3A_89, %dma_wait3A_102] : memref<79x128xi32, #tpu.memory_space<vmem>> -> memref<1x128xi32, #tpu.memory_space<vmem>>
      %dma_wait3A_104 = tpu.memref_squeeze %dma_wait3A_103 : memref<1x128xi32, #tpu.memory_space<vmem>> -> memref<128xi32, #tpu.memory_space<vmem>>
      %dma_wait3A_105 = arith.constant 0 : i32
      %dma_wait3A_106 = arith.constant 0 : i32
      %dma_wait3A_107 = tpu.memref_slice %arg10[%dma_wait3A_105, %dma_wait3A_106] : memref<10240x64xf32, #tpu.memory_space<vmem_shared>> -> memref<10240x64xf32, #tpu.memory_space<vmem_shared>>
      tpu.wait_indirect_dma semaphore(%arg12 : memref<!tpu.dma_semaphore, #tpu.memory_space<semaphore_mem>>) src(%dma_wait3A_107 : memref<10240x64xf32, #tpu.memory_space<vmem_shared>>) dst(%dma_wait3A_101 : memref<128x64xf32, #tpu.memory_space<vmem>>)
      %add3A_108 = arith.constant 2 : i32
      %add3A_109 = arith.addi %add3A_89, %add3A_108 : i32
      %add3A_110 = arith.constant 2 : i32
      %add3A_111 = arith.addi %add3A_89, %add3A_110 : i32
      %jit3A_112 = arith.constant 3 : i32
      %eq3A_113 = arith.constant 0 : i32
      %eq3A_114 = arith.cmpi eq, %jit3A_112, %eq3A_113 : i32
      %jit3A_115 = arith.constant 1 : i32
      %select_n3A_116 = arith.select %eq3A_114, %jit3A_115, %jit3A_112 : i32
      %rem3A_117 = arith.remsi %add3A_111, %select_n3A_116 : i32
      %ne3A_118 = arith.constant 0 : i32
      %ne3A_119 = arith.cmpi ne, %rem3A_117, %ne3A_118 : i32
      %lt3A_120 = arith.constant 0 : i32
      %lt3A_121 = arith.cmpi slt, %rem3A_117, %lt3A_120 : i32
      %lt3A_122 = arith.constant 0 : i32
      %lt3A_123 = arith.cmpi slt, %select_n3A_116, %lt3A_122 : i32
      %ne3A_124 = arith.xori %lt3A_121, %lt3A_123 : i1
      %and3A_125 = arith.andi %ne3A_124, %ne3A_119 : i1
      %add3A_126 = arith.addi %rem3A_117, %select_n3A_116 : i32
      %select_n3A_127 = arith.select %and3A_125, %add3A_126, %rem3A_117 : i32
      %dma_start3A_128 = arith.constant 0 : i32
      %dma_start3A_129 = arith.constant 0 : i32
      %dma_start3A_130 = tpu.memref_slice %arg9[%select_n3A_127, %dma_start3A_128, %dma_start3A_129] : memref<3x128x64xf32, #tpu.memory_space<vmem>> -> memref<1x128x64xf32, #tpu.memory_space<vmem>>
      %dma_start3A_131 = tpu.memref_squeeze %dma_start3A_130 : memref<1x128x64xf32, #tpu.memory_space<vmem>> -> memref<128x64xf32, #tpu.memory_space<vmem>>
      %dma_start3A_132 = arith.constant 0 : i32
      %dma_start3A_133 = tpu.memref_slice %arg7[%add3A_109, %dma_start3A_132] : memref<79x128xi32, #tpu.memory_space<vmem>> -> memref<1x128xi32, #tpu.memory_space<vmem>>
      %dma_start3A_134 = tpu.memref_squeeze %dma_start3A_133 : memref<1x128xi32, #tpu.memory_space<vmem>> -> memref<128xi32, #tpu.memory_space<vmem>>
      %dma_start3A_135 = arith.constant 0 : i32
      %dma_start3A_136 = arith.constant 0 : i32
      %dma_start3A_137 = tpu.memref_slice %arg10[%dma_start3A_135, %dma_start3A_136] : memref<10240x64xf32, #tpu.memory_space<vmem_shared>> -> memref<10240x64xf32, #tpu.memory_space<vmem_shared>>
      tpu.enqueue_indirect_dma source(%dma_start3A_137 : memref<10240x64xf32, #tpu.memory_space<vmem_shared>>) target(%dma_start3A_131 : memref<128x64xf32, #tpu.memory_space<vmem>>) offsets(%dma_start3A_134 : memref<128xi32, #tpu.memory_space<vmem>>) semaphore(%arg12 : memref<!tpu.dma_semaphore, #tpu.memory_space<semaphore_mem>>)
      %jit3A_138 = arith.constant 3 : i32
      %eq3A_139 = arith.constant 0 : i32
      %eq3A_140 = arith.cmpi eq, %jit3A_138, %eq3A_139 : i32
      %jit3A_141 = arith.constant 1 : i32
      %select_n3A_142 = arith.select %eq3A_140, %jit3A_141, %jit3A_138 : i32
      %rem3A_143 = arith.remsi %add3A_89, %select_n3A_142 : i32
      %ne3A_144 = arith.constant 0 : i32
      %ne3A_145 = arith.cmpi ne, %rem3A_143, %ne3A_144 : i32
      %lt3A_146 = arith.constant 0 : i32
      %lt3A_147 = arith.cmpi slt, %rem3A_143, %lt3A_146 : i32
      %lt3A_148 = arith.constant 0 : i32
      %lt3A_149 = arith.cmpi slt, %select_n3A_142, %lt3A_148 : i32
      %ne3A_150 = arith.xori %lt3A_147, %lt3A_149 : i1
      %and3A_151 = arith.andi %ne3A_150, %ne3A_145 : i1
      %add3A_152 = arith.addi %rem3A_143, %select_n3A_142 : i32
      %select_n3A_153 = arith.select %and3A_151, %add3A_152, %rem3A_143 : i32
      "tpu.region"() ({
        %run_scoped3A = tpu.sem_alloc : memref<!tpu.dma_semaphore, #tpu.memory_space<semaphore_mem>>
        %dma_start3A_154 = arith.constant 0 : i32
        %dma_start3A_155 = arith.constant 0 : i32
        %dma_start3A_156 = tpu.memref_slice %arg9[%select_n3A_153, %dma_start3A_154, %dma_start3A_155] : memref<3x128x64xf32, #tpu.memory_space<vmem>> -> memref<1x128x64xf32, #tpu.memory_space<vmem>>
        %dma_start3A_157 = tpu.memref_squeeze %dma_start3A_156 : memref<1x128x64xf32, #tpu.memory_space<vmem>> -> memref<128x64xf32, #tpu.memory_space<vmem>>
        %dma_start3A_158 = arith.constant 0 : i32
        %dma_start3A_159 = tpu.memref_slice %arg8[%add3A_89, %dma_start3A_158] : memref<79x128xi32, #tpu.memory_space<vmem>> -> memref<1x128xi32, #tpu.memory_space<vmem>>
        %dma_start3A_160 = tpu.memref_squeeze %dma_start3A_159 : memref<1x128xi32, #tpu.memory_space<vmem>> -> memref<128xi32, #tpu.memory_space<vmem>>
        %dma_start3A_161 = arith.constant 0 : i32
        %dma_start3A_162 = arith.constant 0 : i32
        %dma_start3A_163 = tpu.memref_slice %arg11[%dma_start3A_161, %dma_start3A_162] : memref<10240x64xf32, #tpu.memory_space<vmem_shared>> -> memref<10240x64xf32, #tpu.memory_space<vmem_shared>>
        tpu.enqueue_indirect_dma source(%dma_start3A_157 : memref<128x64xf32, #tpu.memory_space<vmem>>) target(%dma_start3A_163 : memref<10240x64xf32, #tpu.memory_space<vmem_shared>>) offsets(%dma_start3A_160 : memref<128xi32, #tpu.memory_space<vmem>>) semaphore(%run_scoped3A : memref<!tpu.dma_semaphore, #tpu.memory_space<semaphore_mem>>) {add = true}
        %dma_wait3A_164 = arith.constant 0 : i32
        %dma_wait3A_165 = arith.constant 0 : i32
        %dma_wait3A_166 = tpu.memref_slice %arg9[%select_n3A_153, %dma_wait3A_164, %dma_wait3A_165] : memref<3x128x64xf32, #tpu.memory_space<vmem>> -> memref<1x128x64xf32, #tpu.memory_space<vmem>>
        %dma_wait3A_167 = tpu.memref_squeeze %dma_wait3A_166 : memref<1x128x64xf32, #tpu.memory_space<vmem>> -> memref<128x64xf32, #tpu.memory_space<vmem>>
        %dma_wait3A_168 = arith.constant 0 : i32
        %dma_wait3A_169 = tpu.memref_slice %arg8[%add3A_89, %dma_wait3A_168] : memref<79x128xi32, #tpu.memory_space<vmem>> -> memref<1x128xi32, #tpu.memory_space<vmem>>
        %dma_wait3A_170 = tpu.memref_squeeze %dma_wait3A_169 : memref<1x128xi32, #tpu.memory_space<vmem>> -> memref<128xi32, #tpu.memory_space<vmem>>
        %dma_wait3A_171 = arith.constant 0 : i32
        %dma_wait3A_172 = arith.constant 0 : i32
        %dma_wait3A_173 = tpu.memref_slice %arg11[%dma_wait3A_171, %dma_wait3A_172] : memref<10240x64xf32, #tpu.memory_space<vmem_shared>> -> memref<10240x64xf32, #tpu.memory_space<vmem_shared>>
        tpu.wait_indirect_dma semaphore(%run_scoped3A : memref<!tpu.dma_semaphore, #tpu.memory_space<semaphore_mem>>) src(%dma_wait3A_167 : memref<128x64xf32, #tpu.memory_space<vmem>>) dst(%dma_wait3A_173 : memref<10240x64xf32, #tpu.memory_space<vmem_shared>>)
        tpu.yield
      }) : () -> ()
    }
    %scan3A_36 = arith.constant 77 : i32
    %scan3A_37 = arith.constant 0 : i32
    %scan3A_38 = arith.constant 2 : i32
    %scan3A_39 = arith.addi %scan3A_37, %scan3A_38 : i32
    %scan3A_40 = arith.constant 1 : i32
    scf.for %scan3A_85 = %scan3A_37 to %scan3A_39 step %scan3A_40  : i32 {
      %mul3A_86 = arith.constant 1 : i32
      %mul3A_87 = arith.muli %scan3A_85, %mul3A_86 : i32
      %add3A_88 = arith.constant 77 : i32
      %add3A_89 = arith.addi %add3A_88, %mul3A_87 : i32
      %jit3A = arith.constant 3 : i32
      %eq3A = arith.constant 0 : i32
      %eq3A_90 = arith.cmpi eq, %jit3A, %eq3A : i32
      %jit3A_91 = arith.constant 1 : i32
      %select_n3A = arith.select %eq3A_90, %jit3A_91, %jit3A : i32
      %rem3A = arith.remsi %add3A_89, %select_n3A : i32
      %ne3A = arith.constant 0 : i32
      %ne3A_92 = arith.cmpi ne, %rem3A, %ne3A : i32
      %lt3A = arith.constant 0 : i32
      %lt3A_93 = arith.cmpi slt, %rem3A, %lt3A : i32
      %lt3A_94 = arith.constant 0 : i32
      %lt3A_95 = arith.cmpi slt, %select_n3A, %lt3A_94 : i32
      %ne3A_96 = arith.xori %lt3A_93, %lt3A_95 : i1
      %and3A = arith.andi %ne3A_96, %ne3A_92 : i1
      %add3A_97 = arith.addi %rem3A, %select_n3A : i32
      %select_n3A_98 = arith.select %and3A, %add3A_97, %rem3A : i32
      %dma_wait3A = arith.constant 0 : i32
      %dma_wait3A_99 = arith.constant 0 : i32
      %dma_wait3A_100 = tpu.memref_slice %arg9[%select_n3A_98, %dma_wait3A, %dma_wait3A_99] : memref<3x128x64xf32, #tpu.memory_space<vmem>> -> memref<1x128x64xf32, #tpu.memory_space<vmem>>
      %dma_wait3A_101 = tpu.memref_squeeze %dma_wait3A_100 : memref<1x128x64xf32, #tpu.memory_space<vmem>> -> memref<128x64xf32, #tpu.memory_space<vmem>>
      %dma_wait3A_102 = arith.constant 0 : i32
      %dma_wait3A_103 = tpu.memref_slice %arg7[%add3A_89, %dma_wait3A_102] : memref<79x128xi32, #tpu.memory_space<vmem>> -> memref<1x128xi32, #tpu.memory_space<vmem>>
      %dma_wait3A_104 = tpu.memref_squeeze %dma_wait3A_103 : memref<1x128xi32, #tpu.memory_space<vmem>> -> memref<128xi32, #tpu.memory_space<vmem>>
      %dma_wait3A_105 = arith.constant 0 : i32
      %dma_wait3A_106 = arith.constant 0 : i32
      %dma_wait3A_107 = tpu.memref_slice %arg10[%dma_wait3A_105, %dma_wait3A_106] : memref<10240x64xf32, #tpu.memory_space<vmem_shared>> -> memref<10240x64xf32, #tpu.memory_space<vmem_shared>>
      tpu.wait_indirect_dma semaphore(%arg12 : memref<!tpu.dma_semaphore, #tpu.memory_space<semaphore_mem>>) src(%dma_wait3A_107 : memref<10240x64xf32, #tpu.memory_space<vmem_shared>>) dst(%dma_wait3A_101 : memref<128x64xf32, #tpu.memory_space<vmem>>)
      %jit3A_108 = arith.constant 3 : i32
      %eq3A_109 = arith.constant 0 : i32
      %eq3A_110 = arith.cmpi eq, %jit3A_108, %eq3A_109 : i32
      %jit3A_111 = arith.constant 1 : i32
      %select_n3A_112 = arith.select %eq3A_110, %jit3A_111, %jit3A_108 : i32
      %rem3A_113 = arith.remsi %add3A_89, %select_n3A_112 : i32
      %ne3A_114 = arith.constant 0 : i32
      %ne3A_115 = arith.cmpi ne, %rem3A_113, %ne3A_114 : i32
      %lt3A_116 = arith.constant 0 : i32
      %lt3A_117 = arith.cmpi slt, %rem3A_113, %lt3A_116 : i32
      %lt3A_118 = arith.constant 0 : i32
      %lt3A_119 = arith.cmpi slt, %select_n3A_112, %lt3A_118 : i32
      %ne3A_120 = arith.xori %lt3A_117, %lt3A_119 : i1
      %and3A_121 = arith.andi %ne3A_120, %ne3A_115 : i1
      %add3A_122 = arith.addi %rem3A_113, %select_n3A_112 : i32
      %select_n3A_123 = arith.select %and3A_121, %add3A_122, %rem3A_113 : i32
      "tpu.region"() ({
        %run_scoped3A = tpu.sem_alloc : memref<!tpu.dma_semaphore, #tpu.memory_space<semaphore_mem>>
        %dma_start3A_124 = arith.constant 0 : i32
        %dma_start3A_125 = arith.constant 0 : i32
        %dma_start3A_126 = tpu.memref_slice %arg9[%select_n3A_123, %dma_start3A_124, %dma_start3A_125] : memref<3x128x64xf32, #tpu.memory_space<vmem>> -> memref<1x128x64xf32, #tpu.memory_space<vmem>>
        %dma_start3A_127 = tpu.memref_squeeze %dma_start3A_126 : memref<1x128x64xf32, #tpu.memory_space<vmem>> -> memref<128x64xf32, #tpu.memory_space<vmem>>
        %dma_start3A_128 = arith.constant 0 : i32
        %dma_start3A_129 = tpu.memref_slice %arg8[%add3A_89, %dma_start3A_128] : memref<79x128xi32, #tpu.memory_space<vmem>> -> memref<1x128xi32, #tpu.memory_space<vmem>>
        %dma_start3A_130 = tpu.memref_squeeze %dma_start3A_129 : memref<1x128xi32, #tpu.memory_space<vmem>> -> memref<128xi32, #tpu.memory_space<vmem>>
        %dma_start3A_131 = arith.constant 0 : i32
        %dma_start3A_132 = arith.constant 0 : i32
        %dma_start3A_133 = tpu.memref_slice %arg11[%dma_start3A_131, %dma_start3A_132] : memref<10240x64xf32, #tpu.memory_space<vmem_shared>> -> memref<10240x64xf32, #tpu.memory_space<vmem_shared>>
        tpu.enqueue_indirect_dma source(%dma_start3A_127 : memref<128x64xf32, #tpu.memory_space<vmem>>) target(%dma_start3A_133 : memref<10240x64xf32, #tpu.memory_space<vmem_shared>>) offsets(%dma_start3A_130 : memref<128xi32, #tpu.memory_space<vmem>>) semaphore(%run_scoped3A : memref<!tpu.dma_semaphore, #tpu.memory_space<semaphore_mem>>) {add = true}
        %dma_wait3A_134 = arith.constant 0 : i32
        %dma_wait3A_135 = arith.constant 0 : i32
        %dma_wait3A_136 = tpu.memref_slice %arg9[%select_n3A_123, %dma_wait3A_134, %dma_wait3A_135] : memref<3x128x64xf32, #tpu.memory_space<vmem>> -> memref<1x128x64xf32, #tpu.memory_space<vmem>>
        %dma_wait3A_137 = tpu.memref_squeeze %dma_wait3A_136 : memref<1x128x64xf32, #tpu.memory_space<vmem>> -> memref<128x64xf32, #tpu.memory_space<vmem>>
        %dma_wait3A_138 = arith.constant 0 : i32
        %dma_wait3A_139 = tpu.memref_slice %arg8[%add3A_89, %dma_wait3A_138] : memref<79x128xi32, #tpu.memory_space<vmem>> -> memref<1x128xi32, #tpu.memory_space<vmem>>
        %dma_wait3A_140 = tpu.memref_squeeze %dma_wait3A_139 : memref<1x128xi32, #tpu.memory_space<vmem>> -> memref<128xi32, #tpu.memory_space<vmem>>
        %dma_wait3A_141 = arith.constant 0 : i32
        %dma_wait3A_142 = arith.constant 0 : i32
        %dma_wait3A_143 = tpu.memref_slice %arg11[%dma_wait3A_141, %dma_wait3A_142] : memref<10240x64xf32, #tpu.memory_space<vmem_shared>> -> memref<10240x64xf32, #tpu.memory_space<vmem_shared>>
        tpu.wait_indirect_dma semaphore(%run_scoped3A : memref<!tpu.dma_semaphore, #tpu.memory_space<semaphore_mem>>) src(%dma_wait3A_137 : memref<128x64xf32, #tpu.memory_space<vmem>>) dst(%dma_wait3A_143 : memref<10240x64xf32, #tpu.memory_space<vmem_shared>>)
        tpu.yield
      }) : () -> ()
    }
    %scan3A_41 = arith.constant 2 : i32
    %mul3A_42 = arith.constant 2 : i32
    %mul3A_43 = arith.muli %arg1, %mul3A_42 : i32
    %add3A_44 = arith.constant 1 : i32
    %add3A_45 = arith.addi %mul3A_43, %add3A_44 : i32
    "tpu.region"() ({
      %run_scoped3A = tpu.sem_alloc : memref<!tpu.dma_semaphore, #tpu.memory_space<semaphore_mem>>
      %dma_start3A_85 = arith.constant 0 : i32
      %dma_start3A_86 = arith.constant 0 : i32
      %dma_start3A_87 = tpu.memref_slice %arg3[%add3A_45, %dma_start3A_85, %dma_start3A_86] : memref<32x79x128xi32, #tpu.memory_space<hbm>> -> memref<1x79x128xi32, #tpu.memory_space<hbm>>
      %dma_start3A_88 = tpu.memref_squeeze %dma_start3A_87 : memref<1x79x128xi32, #tpu.memory_space<hbm>> -> memref<79x128xi32, #tpu.memory_space<hbm>>
      %dma_start3A_89 = arith.constant 0 : i32
      %dma_start3A_90 = arith.constant 0 : i32
      %dma_start3A_91 = tpu.memref_slice %arg3[%add3A_45, %dma_start3A_89, %dma_start3A_90] : memref<32x79x128xi32, #tpu.memory_space<hbm>> -> memref<1x79x128xi32, #tpu.memory_space<hbm>>
      %dma_start3A_92 = tpu.memref_squeeze %dma_start3A_91 : memref<1x79x128xi32, #tpu.memory_space<hbm>> -> memref<79x128xi32, #tpu.memory_space<hbm>>
      tpu.enqueue_dma source(%dma_start3A_92 : memref<79x128xi32, #tpu.memory_space<hbm>>) target(%arg7 : memref<79x128xi32, #tpu.memory_space<vmem>>) target_semaphore(%run_scoped3A : memref<!tpu.dma_semaphore, #tpu.memory_space<semaphore_mem>>)
      %dma_wait3A = arith.constant 0 : i32
      %dma_wait3A_93 = arith.constant 0 : i32
      %dma_wait3A_94 = tpu.memref_slice %arg3[%add3A_45, %dma_wait3A, %dma_wait3A_93] : memref<32x79x128xi32, #tpu.memory_space<hbm>> -> memref<1x79x128xi32, #tpu.memory_space<hbm>>
      %dma_wait3A_95 = tpu.memref_squeeze %dma_wait3A_94 : memref<1x79x128xi32, #tpu.memory_space<hbm>> -> memref<79x128xi32, #tpu.memory_space<hbm>>
      %dma_wait3A_96 = arith.constant 0 : i32
      %dma_wait3A_97 = arith.constant 0 : i32
      %dma_wait3A_98 = tpu.memref_slice %arg3[%add3A_45, %dma_wait3A_96, %dma_wait3A_97] : memref<32x79x128xi32, #tpu.memory_space<hbm>> -> memref<1x79x128xi32, #tpu.memory_space<hbm>>
      %dma_wait3A_99 = tpu.memref_squeeze %dma_wait3A_98 : memref<1x79x128xi32, #tpu.memory_space<hbm>> -> memref<79x128xi32, #tpu.memory_space<hbm>>
      tpu.wait_dma2 semaphore(%run_scoped3A : memref<!tpu.dma_semaphore, #tpu.memory_space<semaphore_mem>>) src(%dma_wait3A_99 : memref<79x128xi32, #tpu.memory_space<hbm>>) dst(%arg7 : memref<79x128xi32, #tpu.memory_space<vmem>>)
      tpu.yield
    }) : () -> ()
    "tpu.region"() ({
      %run_scoped3A = tpu.sem_alloc : memref<!tpu.dma_semaphore, #tpu.memory_space<semaphore_mem>>
      %dma_start3A_85 = arith.constant 0 : i32
      %dma_start3A_86 = arith.constant 0 : i32
      %dma_start3A_87 = tpu.memref_slice %arg4[%add3A_45, %dma_start3A_85, %dma_start3A_86] : memref<32x79x128xi32, #tpu.memory_space<hbm>> -> memref<1x79x128xi32, #tpu.memory_space<hbm>>
      %dma_start3A_88 = tpu.memref_squeeze %dma_start3A_87 : memref<1x79x128xi32, #tpu.memory_space<hbm>> -> memref<79x128xi32, #tpu.memory_space<hbm>>
      %dma_start3A_89 = arith.constant 0 : i32
      %dma_start3A_90 = arith.constant 0 : i32
      %dma_start3A_91 = tpu.memref_slice %arg4[%add3A_45, %dma_start3A_89, %dma_start3A_90] : memref<32x79x128xi32, #tpu.memory_space<hbm>> -> memref<1x79x128xi32, #tpu.memory_space<hbm>>
      %dma_start3A_92 = tpu.memref_squeeze %dma_start3A_91 : memref<1x79x128xi32, #tpu.memory_space<hbm>> -> memref<79x128xi32, #tpu.memory_space<hbm>>
      tpu.enqueue_dma source(%dma_start3A_92 : memref<79x128xi32, #tpu.memory_space<hbm>>) target(%arg8 : memref<79x128xi32, #tpu.memory_space<vmem>>) target_semaphore(%run_scoped3A : memref<!tpu.dma_semaphore, #tpu.memory_space<semaphore_mem>>)
      %dma_wait3A = arith.constant 0 : i32
      %dma_wait3A_93 = arith.constant 0 : i32
      %dma_wait3A_94 = tpu.memref_slice %arg4[%add3A_45, %dma_wait3A, %dma_wait3A_93] : memref<32x79x128xi32, #tpu.memory_space<hbm>> -> memref<1x79x128xi32, #tpu.memory_space<hbm>>
      %dma_wait3A_95 = tpu.memref_squeeze %dma_wait3A_94 : memref<1x79x128xi32, #tpu.memory_space<hbm>> -> memref<79x128xi32, #tpu.memory_space<hbm>>
      %dma_wait3A_96 = arith.constant 0 : i32
      %dma_wait3A_97 = arith.constant 0 : i32
      %dma_wait3A_98 = tpu.memref_slice %arg4[%add3A_45, %dma_wait3A_96, %dma_wait3A_97] : memref<32x79x128xi32, #tpu.memory_space<hbm>> -> memref<1x79x128xi32, #tpu.memory_space<hbm>>
      %dma_wait3A_99 = tpu.memref_squeeze %dma_wait3A_98 : memref<1x79x128xi32, #tpu.memory_space<hbm>> -> memref<79x128xi32, #tpu.memory_space<hbm>>
      tpu.wait_dma2 semaphore(%run_scoped3A : memref<!tpu.dma_semaphore, #tpu.memory_space<semaphore_mem>>) src(%dma_wait3A_99 : memref<79x128xi32, #tpu.memory_space<hbm>>) dst(%arg8 : memref<79x128xi32, #tpu.memory_space<vmem>>)
      tpu.yield
    }) : () -> ()
    %dma_start3A_46 = arith.constant 0 : i32
    %dma_start3A_47 = arith.constant 0 : i32
    %dma_start3A_48 = arith.constant 0 : i32
    %dma_start3A_49 = arith.constant 0 : i32
    %dma_start3A_50 = tpu.memref_slice %arg9[%dma_start3A_47, %dma_start3A_48, %dma_start3A_49] : memref<3x128x64xf32, #tpu.memory_space<vmem>> -> memref<1x128x64xf32, #tpu.memory_space<vmem>>
    %dma_start3A_51 = tpu.memref_squeeze %dma_start3A_50 : memref<1x128x64xf32, #tpu.memory_space<vmem>> -> memref<128x64xf32, #tpu.memory_space<vmem>>
    %dma_start3A_52 = arith.constant 0 : i32
    %dma_start3A_53 = tpu.memref_slice %arg7[%dma_start3A_46, %dma_start3A_52] : memref<79x128xi32, #tpu.memory_space<vmem>> -> memref<1x128xi32, #tpu.memory_space<vmem>>
    %dma_start3A_54 = tpu.memref_squeeze %dma_start3A_53 : memref<1x128xi32, #tpu.memory_space<vmem>> -> memref<128xi32, #tpu.memory_space<vmem>>
    %dma_start3A_55 = arith.constant 0 : i32
    %dma_start3A_56 = arith.constant 0 : i32
    %dma_start3A_57 = tpu.memref_slice %arg10[%dma_start3A_55, %dma_start3A_56] : memref<10240x64xf32, #tpu.memory_space<vmem_shared>> -> memref<10240x64xf32, #tpu.memory_space<vmem_shared>>
    tpu.enqueue_indirect_dma source(%dma_start3A_57 : memref<10240x64xf32, #tpu.memory_space<vmem_shared>>) target(%dma_start3A_51 : memref<128x64xf32, #tpu.memory_space<vmem>>) offsets(%dma_start3A_54 : memref<128xi32, #tpu.memory_space<vmem>>) semaphore(%arg12 : memref<!tpu.dma_semaphore, #tpu.memory_space<semaphore_mem>>)
    %dma_start3A_58 = arith.constant 1 : i32
    %dma_start3A_59 = arith.constant 1 : i32
    %dma_start3A_60 = arith.constant 0 : i32
    %dma_start3A_61 = arith.constant 0 : i32
    %dma_start3A_62 = tpu.memref_slice %arg9[%dma_start3A_59, %dma_start3A_60, %dma_start3A_61] : memref<3x128x64xf32, #tpu.memory_space<vmem>> -> memref<1x128x64xf32, #tpu.memory_space<vmem>>
    %dma_start3A_63 = tpu.memref_squeeze %dma_start3A_62 : memref<1x128x64xf32, #tpu.memory_space<vmem>> -> memref<128x64xf32, #tpu.memory_space<vmem>>
    %dma_start3A_64 = arith.constant 0 : i32
    %dma_start3A_65 = tpu.memref_slice %arg7[%dma_start3A_58, %dma_start3A_64] : memref<79x128xi32, #tpu.memory_space<vmem>> -> memref<1x128xi32, #tpu.memory_space<vmem>>
    %dma_start3A_66 = tpu.memref_squeeze %dma_start3A_65 : memref<1x128xi32, #tpu.memory_space<vmem>> -> memref<128xi32, #tpu.memory_space<vmem>>
    %dma_start3A_67 = arith.constant 0 : i32
    %dma_start3A_68 = arith.constant 0 : i32
    %dma_start3A_69 = tpu.memref_slice %arg10[%dma_start3A_67, %dma_start3A_68] : memref<10240x64xf32, #tpu.memory_space<vmem_shared>> -> memref<10240x64xf32, #tpu.memory_space<vmem_shared>>
    tpu.enqueue_indirect_dma source(%dma_start3A_69 : memref<10240x64xf32, #tpu.memory_space<vmem_shared>>) target(%dma_start3A_63 : memref<128x64xf32, #tpu.memory_space<vmem>>) offsets(%dma_start3A_66 : memref<128xi32, #tpu.memory_space<vmem>>) semaphore(%arg12 : memref<!tpu.dma_semaphore, #tpu.memory_space<semaphore_mem>>)
    %scan3A_70 = arith.constant 0 : i32
    %scan3A_71 = arith.constant 77 : i32
    %scan3A_72 = arith.addi %scan3A_70, %scan3A_71 : i32
    %scan3A_73 = arith.constant 1 : i32
    scf.for %scan3A_85 = %scan3A_70 to %scan3A_72 step %scan3A_73  : i32 {
      %mul3A_86 = arith.constant 1 : i32
      %mul3A_87 = arith.muli %scan3A_85, %mul3A_86 : i32
      %add3A_88 = arith.constant 0 : i32
      %add3A_89 = arith.addi %add3A_88, %mul3A_87 : i32
      %jit3A = arith.constant 3 : i32
      %eq3A = arith.constant 0 : i32
      %eq3A_90 = arith.cmpi eq, %jit3A, %eq3A : i32
      %jit3A_91 = arith.constant 1 : i32
      %select_n3A = arith.select %eq3A_90, %jit3A_91, %jit3A : i32
      %rem3A = arith.remsi %add3A_89, %select_n3A : i32
      %ne3A = arith.constant 0 : i32
      %ne3A_92 = arith.cmpi ne, %rem3A, %ne3A : i32
      %lt3A = arith.constant 0 : i32
      %lt3A_93 = arith.cmpi slt, %rem3A, %lt3A : i32
      %lt3A_94 = arith.constant 0 : i32
      %lt3A_95 = arith.cmpi slt, %select_n3A, %lt3A_94 : i32
      %ne3A_96 = arith.xori %lt3A_93, %lt3A_95 : i1
      %and3A = arith.andi %ne3A_96, %ne3A_92 : i1
      %add3A_97 = arith.addi %rem3A, %select_n3A : i32
      %select_n3A_98 = arith.select %and3A, %add3A_97, %rem3A : i32
      %dma_wait3A = arith.constant 0 : i32
      %dma_wait3A_99 = arith.constant 0 : i32
      %dma_wait3A_100 = tpu.memref_slice %arg9[%select_n3A_98, %dma_wait3A, %dma_wait3A_99] : memref<3x128x64xf32, #tpu.memory_space<vmem>> -> memref<1x128x64xf32, #tpu.memory_space<vmem>>
      %dma_wait3A_101 = tpu.memref_squeeze %dma_wait3A_100 : memref<1x128x64xf32, #tpu.memory_space<vmem>> -> memref<128x64xf32, #tpu.memory_space<vmem>>
      %dma_wait3A_102 = arith.constant 0 : i32
      %dma_wait3A_103 = tpu.memref_slice %arg7[%add3A_89, %dma_wait3A_102] : memref<79x128xi32, #tpu.memory_space<vmem>> -> memref<1x128xi32, #tpu.memory_space<vmem>>
      %dma_wait3A_104 = tpu.memref_squeeze %dma_wait3A_103 : memref<1x128xi32, #tpu.memory_space<vmem>> -> memref<128xi32, #tpu.memory_space<vmem>>
      %dma_wait3A_105 = arith.constant 0 : i32
      %dma_wait3A_106 = arith.constant 0 : i32
      %dma_wait3A_107 = tpu.memref_slice %arg10[%dma_wait3A_105, %dma_wait3A_106] : memref<10240x64xf32, #tpu.memory_space<vmem_shared>> -> memref<10240x64xf32, #tpu.memory_space<vmem_shared>>
      tpu.wait_indirect_dma semaphore(%arg12 : memref<!tpu.dma_semaphore, #tpu.memory_space<semaphore_mem>>) src(%dma_wait3A_107 : memref<10240x64xf32, #tpu.memory_space<vmem_shared>>) dst(%dma_wait3A_101 : memref<128x64xf32, #tpu.memory_space<vmem>>)
      %add3A_108 = arith.constant 2 : i32
      %add3A_109 = arith.addi %add3A_89, %add3A_108 : i32
      %add3A_110 = arith.constant 2 : i32
      %add3A_111 = arith.addi %add3A_89, %add3A_110 : i32
      %jit3A_112 = arith.constant 3 : i32
      %eq3A_113 = arith.constant 0 : i32
      %eq3A_114 = arith.cmpi eq, %jit3A_112, %eq3A_113 : i32
      %jit3A_115 = arith.constant 1 : i32
      %select_n3A_116 = arith.select %eq3A_114, %jit3A_115, %jit3A_112 : i32
      %rem3A_117 = arith.remsi %add3A_111, %select_n3A_116 : i32
      %ne3A_118 = arith.constant 0 : i32
      %ne3A_119 = arith.cmpi ne, %rem3A_117, %ne3A_118 : i32
      %lt3A_120 = arith.constant 0 : i32
      %lt3A_121 = arith.cmpi slt, %rem3A_117, %lt3A_120 : i32
      %lt3A_122 = arith.constant 0 : i32
      %lt3A_123 = arith.cmpi slt, %select_n3A_116, %lt3A_122 : i32
      %ne3A_124 = arith.xori %lt3A_121, %lt3A_123 : i1
      %and3A_125 = arith.andi %ne3A_124, %ne3A_119 : i1
      %add3A_126 = arith.addi %rem3A_117, %select_n3A_116 : i32
      %select_n3A_127 = arith.select %and3A_125, %add3A_126, %rem3A_117 : i32
      %dma_start3A_128 = arith.constant 0 : i32
      %dma_start3A_129 = arith.constant 0 : i32
      %dma_start3A_130 = tpu.memref_slice %arg9[%select_n3A_127, %dma_start3A_128, %dma_start3A_129] : memref<3x128x64xf32, #tpu.memory_space<vmem>> -> memref<1x128x64xf32, #tpu.memory_space<vmem>>
      %dma_start3A_131 = tpu.memref_squeeze %dma_start3A_130 : memref<1x128x64xf32, #tpu.memory_space<vmem>> -> memref<128x64xf32, #tpu.memory_space<vmem>>
      %dma_start3A_132 = arith.constant 0 : i32
      %dma_start3A_133 = tpu.memref_slice %arg7[%add3A_109, %dma_start3A_132] : memref<79x128xi32, #tpu.memory_space<vmem>> -> memref<1x128xi32, #tpu.memory_space<vmem>>
      %dma_start3A_134 = tpu.memref_squeeze %dma_start3A_133 : memref<1x128xi32, #tpu.memory_space<vmem>> -> memref<128xi32, #tpu.memory_space<vmem>>
      %dma_start3A_135 = arith.constant 0 : i32
      %dma_start3A_136 = arith.constant 0 : i32
      %dma_start3A_137 = tpu.memref_slice %arg10[%dma_start3A_135, %dma_start3A_136] : memref<10240x64xf32, #tpu.memory_space<vmem_shared>> -> memref<10240x64xf32, #tpu.memory_space<vmem_shared>>
      tpu.enqueue_indirect_dma source(%dma_start3A_137 : memref<10240x64xf32, #tpu.memory_space<vmem_shared>>) target(%dma_start3A_131 : memref<128x64xf32, #tpu.memory_space<vmem>>) offsets(%dma_start3A_134 : memref<128xi32, #tpu.memory_space<vmem>>) semaphore(%arg12 : memref<!tpu.dma_semaphore, #tpu.memory_space<semaphore_mem>>)
      %jit3A_138 = arith.constant 3 : i32
      %eq3A_139 = arith.constant 0 : i32
      %eq3A_140 = arith.cmpi eq, %jit3A_138, %eq3A_139 : i32
      %jit3A_141 = arith.constant 1 : i32
      %select_n3A_142 = arith.select %eq3A_140, %jit3A_141, %jit3A_138 : i32
      %rem3A_143 = arith.remsi %add3A_89, %select_n3A_142 : i32
      %ne3A_144 = arith.constant 0 : i32
      %ne3A_145 = arith.cmpi ne, %rem3A_143, %ne3A_144 : i32
      %lt3A_146 = arith.constant 0 : i32
      %lt3A_147 = arith.cmpi slt, %rem3A_143, %lt3A_146 : i32
      %lt3A_148 = arith.constant 0 : i32
      %lt3A_149 = arith.cmpi slt, %select_n3A_142, %lt3A_148 : i32
      %ne3A_150 = arith.xori %lt3A_147, %lt3A_149 : i1
      %and3A_151 = arith.andi %ne3A_150, %ne3A_145 : i1
      %add3A_152 = arith.addi %rem3A_143, %select_n3A_142 : i32
      %select_n3A_153 = arith.select %and3A_151, %add3A_152, %rem3A_143 : i32
      "tpu.region"() ({
        %run_scoped3A = tpu.sem_alloc : memref<!tpu.dma_semaphore, #tpu.memory_space<semaphore_mem>>
        %dma_start3A_154 = arith.constant 0 : i32
        %dma_start3A_155 = arith.constant 0 : i32
        %dma_start3A_156 = tpu.memref_slice %arg9[%select_n3A_153, %dma_start3A_154, %dma_start3A_155] : memref<3x128x64xf32, #tpu.memory_space<vmem>> -> memref<1x128x64xf32, #tpu.memory_space<vmem>>
        %dma_start3A_157 = tpu.memref_squeeze %dma_start3A_156 : memref<1x128x64xf32, #tpu.memory_space<vmem>> -> memref<128x64xf32, #tpu.memory_space<vmem>>
        %dma_start3A_158 = arith.constant 0 : i32
        %dma_start3A_159 = tpu.memref_slice %arg8[%add3A_89, %dma_start3A_158] : memref<79x128xi32, #tpu.memory_space<vmem>> -> memref<1x128xi32, #tpu.memory_space<vmem>>
        %dma_start3A_160 = tpu.memref_squeeze %dma_start3A_159 : memref<1x128xi32, #tpu.memory_space<vmem>> -> memref<128xi32, #tpu.memory_space<vmem>>
        %dma_start3A_161 = arith.constant 0 : i32
        %dma_start3A_162 = arith.constant 0 : i32
        %dma_start3A_163 = tpu.memref_slice %arg11[%dma_start3A_161, %dma_start3A_162] : memref<10240x64xf32, #tpu.memory_space<vmem_shared>> -> memref<10240x64xf32, #tpu.memory_space<vmem_shared>>
        tpu.enqueue_indirect_dma source(%dma_start3A_157 : memref<128x64xf32, #tpu.memory_space<vmem>>) target(%dma_start3A_163 : memref<10240x64xf32, #tpu.memory_space<vmem_shared>>) offsets(%dma_start3A_160 : memref<128xi32, #tpu.memory_space<vmem>>) semaphore(%run_scoped3A : memref<!tpu.dma_semaphore, #tpu.memory_space<semaphore_mem>>) {add = true}
        %dma_wait3A_164 = arith.constant 0 : i32
        %dma_wait3A_165 = arith.constant 0 : i32
        %dma_wait3A_166 = tpu.memref_slice %arg9[%select_n3A_153, %dma_wait3A_164, %dma_wait3A_165] : memref<3x128x64xf32, #tpu.memory_space<vmem>> -> memref<1x128x64xf32, #tpu.memory_space<vmem>>
        %dma_wait3A_167 = tpu.memref_squeeze %dma_wait3A_166 : memref<1x128x64xf32, #tpu.memory_space<vmem>> -> memref<128x64xf32, #tpu.memory_space<vmem>>
        %dma_wait3A_168 = arith.constant 0 : i32
        %dma_wait3A_169 = tpu.memref_slice %arg8[%add3A_89, %dma_wait3A_168] : memref<79x128xi32, #tpu.memory_space<vmem>> -> memref<1x128xi32, #tpu.memory_space<vmem>>
        %dma_wait3A_170 = tpu.memref_squeeze %dma_wait3A_169 : memref<1x128xi32, #tpu.memory_space<vmem>> -> memref<128xi32, #tpu.memory_space<vmem>>
        %dma_wait3A_171 = arith.constant 0 : i32
        %dma_wait3A_172 = arith.constant 0 : i32
        %dma_wait3A_173 = tpu.memref_slice %arg11[%dma_wait3A_171, %dma_wait3A_172] : memref<10240x64xf32, #tpu.memory_space<vmem_shared>> -> memref<10240x64xf32, #tpu.memory_space<vmem_shared>>
        tpu.wait_indirect_dma semaphore(%run_scoped3A : memref<!tpu.dma_semaphore, #tpu.memory_space<semaphore_mem>>) src(%dma_wait3A_167 : memref<128x64xf32, #tpu.memory_space<vmem>>) dst(%dma_wait3A_173 : memref<10240x64xf32, #tpu.memory_space<vmem_shared>>)
        tpu.yield
      }) : () -> ()
    }
    %scan3A_74 = arith.constant 77 : i32
    %scan3A_75 = arith.constant 0 : i32
    %scan3A_76 = arith.constant 2 : i32
    %scan3A_77 = arith.addi %scan3A_75, %scan3A_76 : i32
    %scan3A_78 = arith.constant 1 : i32
    scf.for %scan3A_85 = %scan3A_75 to %scan3A_77 step %scan3A_78  : i32 {
      %mul3A_86 = arith.constant 1 : i32
      %mul3A_87 = arith.muli %scan3A_85, %mul3A_86 : i32
      %add3A_88 = arith.constant 77 : i32
      %add3A_89 = arith.addi %add3A_88, %mul3A_87 : i32
      %jit3A = arith.constant 3 : i32
      %eq3A = arith.constant 0 : i32
      %eq3A_90 = arith.cmpi eq, %jit3A, %eq3A : i32
      %jit3A_91 = arith.constant 1 : i32
      %select_n3A = arith.select %eq3A_90, %jit3A_91, %jit3A : i32
      %rem3A = arith.remsi %add3A_89, %select_n3A : i32
      %ne3A = arith.constant 0 : i32
      %ne3A_92 = arith.cmpi ne, %rem3A, %ne3A : i32
      %lt3A = arith.constant 0 : i32
      %lt3A_93 = arith.cmpi slt, %rem3A, %lt3A : i32
      %lt3A_94 = arith.constant 0 : i32
      %lt3A_95 = arith.cmpi slt, %select_n3A, %lt3A_94 : i32
      %ne3A_96 = arith.xori %lt3A_93, %lt3A_95 : i1
      %and3A = arith.andi %ne3A_96, %ne3A_92 : i1
      %add3A_97 = arith.addi %rem3A, %select_n3A : i32
      %select_n3A_98 = arith.select %and3A, %add3A_97, %rem3A : i32
      %dma_wait3A = arith.constant 0 : i32
      %dma_wait3A_99 = arith.constant 0 : i32
      %dma_wait3A_100 = tpu.memref_slice %arg9[%select_n3A_98, %dma_wait3A, %dma_wait3A_99] : memref<3x128x64xf32, #tpu.memory_space<vmem>> -> memref<1x128x64xf32, #tpu.memory_space<vmem>>
      %dma_wait3A_101 = tpu.memref_squeeze %dma_wait3A_100 : memref<1x128x64xf32, #tpu.memory_space<vmem>> -> memref<128x64xf32, #tpu.memory_space<vmem>>
      %dma_wait3A_102 = arith.constant 0 : i32
      %dma_wait3A_103 = tpu.memref_slice %arg7[%add3A_89, %dma_wait3A_102] : memref<79x128xi32, #tpu.memory_space<vmem>> -> memref<1x128xi32, #tpu.memory_space<vmem>>
      %dma_wait3A_104 = tpu.memref_squeeze %dma_wait3A_103 : memref<1x128xi32, #tpu.memory_space<vmem>> -> memref<128xi32, #tpu.memory_space<vmem>>
      %dma_wait3A_105 = arith.constant 0 : i32
      %dma_wait3A_106 = arith.constant 0 : i32
      %dma_wait3A_107 = tpu.memref_slice %arg10[%dma_wait3A_105, %dma_wait3A_106] : memref<10240x64xf32, #tpu.memory_space<vmem_shared>> -> memref<10240x64xf32, #tpu.memory_space<vmem_shared>>
      tpu.wait_indirect_dma semaphore(%arg12 : memref<!tpu.dma_semaphore, #tpu.memory_space<semaphore_mem>>) src(%dma_wait3A_107 : memref<10240x64xf32, #tpu.memory_space<vmem_shared>>) dst(%dma_wait3A_101 : memref<128x64xf32, #tpu.memory_space<vmem>>)
      %jit3A_108 = arith.constant 3 : i32
      %eq3A_109 = arith.constant 0 : i32
      %eq3A_110 = arith.cmpi eq, %jit3A_108, %eq3A_109 : i32
      %jit3A_111 = arith.constant 1 : i32
      %select_n3A_112 = arith.select %eq3A_110, %jit3A_111, %jit3A_108 : i32
      %rem3A_113 = arith.remsi %add3A_89, %select_n3A_112 : i32
      %ne3A_114 = arith.constant 0 : i32
      %ne3A_115 = arith.cmpi ne, %rem3A_113, %ne3A_114 : i32
      %lt3A_116 = arith.constant 0 : i32
      %lt3A_117 = arith.cmpi slt, %rem3A_113, %lt3A_116 : i32
      %lt3A_118 = arith.constant 0 : i32
      %lt3A_119 = arith.cmpi slt, %select_n3A_112, %lt3A_118 : i32
      %ne3A_120 = arith.xori %lt3A_117, %lt3A_119 : i1
      %and3A_121 = arith.andi %ne3A_120, %ne3A_115 : i1
      %add3A_122 = arith.addi %rem3A_113, %select_n3A_112 : i32
      %select_n3A_123 = arith.select %and3A_121, %add3A_122, %rem3A_113 : i32
      "tpu.region"() ({
        %run_scoped3A = tpu.sem_alloc : memref<!tpu.dma_semaphore, #tpu.memory_space<semaphore_mem>>
        %dma_start3A_124 = arith.constant 0 : i32
        %dma_start3A_125 = arith.constant 0 : i32
        %dma_start3A_126 = tpu.memref_slice %arg9[%select_n3A_123, %dma_start3A_124, %dma_start3A_125] : memref<3x128x64xf32, #tpu.memory_space<vmem>> -> memref<1x128x64xf32, #tpu.memory_space<vmem>>
        %dma_start3A_127 = tpu.memref_squeeze %dma_start3A_126 : memref<1x128x64xf32, #tpu.memory_space<vmem>> -> memref<128x64xf32, #tpu.memory_space<vmem>>
        %dma_start3A_128 = arith.constant 0 : i32
        %dma_start3A_129 = tpu.memref_slice %arg8[%add3A_89, %dma_start3A_128] : memref<79x128xi32, #tpu.memory_space<vmem>> -> memref<1x128xi32, #tpu.memory_space<vmem>>
        %dma_start3A_130 = tpu.memref_squeeze %dma_start3A_129 : memref<1x128xi32, #tpu.memory_space<vmem>> -> memref<128xi32, #tpu.memory_space<vmem>>
        %dma_start3A_131 = arith.constant 0 : i32
        %dma_start3A_132 = arith.constant 0 : i32
        %dma_start3A_133 = tpu.memref_slice %arg11[%dma_start3A_131, %dma_start3A_132] : memref<10240x64xf32, #tpu.memory_space<vmem_shared>> -> memref<10240x64xf32, #tpu.memory_space<vmem_shared>>
        tpu.enqueue_indirect_dma source(%dma_start3A_127 : memref<128x64xf32, #tpu.memory_space<vmem>>) target(%dma_start3A_133 : memref<10240x64xf32, #tpu.memory_space<vmem_shared>>) offsets(%dma_start3A_130 : memref<128xi32, #tpu.memory_space<vmem>>) semaphore(%run_scoped3A : memref<!tpu.dma_semaphore, #tpu.memory_space<semaphore_mem>>) {add = true}
        %dma_wait3A_134 = arith.constant 0 : i32
        %dma_wait3A_135 = arith.constant 0 : i32
        %dma_wait3A_136 = tpu.memref_slice %arg9[%select_n3A_123, %dma_wait3A_134, %dma_wait3A_135] : memref<3x128x64xf32, #tpu.memory_space<vmem>> -> memref<1x128x64xf32, #tpu.memory_space<vmem>>
        %dma_wait3A_137 = tpu.memref_squeeze %dma_wait3A_136 : memref<1x128x64xf32, #tpu.memory_space<vmem>> -> memref<128x64xf32, #tpu.memory_space<vmem>>
        %dma_wait3A_138 = arith.constant 0 : i32
        %dma_wait3A_139 = tpu.memref_slice %arg8[%add3A_89, %dma_wait3A_138] : memref<79x128xi32, #tpu.memory_space<vmem>> -> memref<1x128xi32, #tpu.memory_space<vmem>>
        %dma_wait3A_140 = tpu.memref_squeeze %dma_wait3A_139 : memref<1x128xi32, #tpu.memory_space<vmem>> -> memref<128xi32, #tpu.memory_space<vmem>>
        %dma_wait3A_141 = arith.constant 0 : i32
        %dma_wait3A_142 = arith.constant 0 : i32
        %dma_wait3A_143 = tpu.memref_slice %arg11[%dma_wait3A_141, %dma_wait3A_142] : memref<10240x64xf32, #tpu.memory_space<vmem_shared>> -> memref<10240x64xf32, #tpu.memory_space<vmem_shared>>
        tpu.wait_indirect_dma semaphore(%run_scoped3A : memref<!tpu.dma_semaphore, #tpu.memory_space<semaphore_mem>>) src(%dma_wait3A_137 : memref<128x64xf32, #tpu.memory_space<vmem>>) dst(%dma_wait3A_143 : memref<10240x64xf32, #tpu.memory_space<vmem_shared>>)
        tpu.yield
      }) : () -> ()
    }
    %scan3A_79 = arith.constant 2 : i32
    %barrier3A_80 = arith.constant 0 : index
    tpu.barrier barrier_id(%barrier3A_80)
    %mul3A_81 = arith.constant 640 : i32
    %mul3A_82 = arith.muli %arg1, %mul3A_81 : i32
    %mul3A_83 = arith.constant 640 : i32
    %mul3A_84 = arith.muli %arg1, %mul3A_83 : i32
    "tpu.region"() ({
      %run_scoped3A = tpu.sem_alloc : memref<!tpu.dma_semaphore, #tpu.memory_space<semaphore_mem>>
      %dma_start3A_85 = arith.constant 0 : i32
      %dma_start3A_86 = tpu.memref_slice %arg6[%arg0, %mul3A_84, %dma_start3A_85] : memref<2x10240x64xf32, #tpu.memory_space<hbm>> -> memref<1x640x64xf32, #tpu.memory_space<hbm>>
      %dma_start3A_87 = tpu.memref_squeeze %dma_start3A_86 : memref<1x640x64xf32, #tpu.memory_space<hbm>> -> memref<640x64xf32, #tpu.memory_space<hbm>>
      %dma_start3A_88 = arith.constant 0 : i32
      %dma_start3A_89 = tpu.memref_slice %arg11[%mul3A_82, %dma_start3A_88] : memref<10240x64xf32, #tpu.memory_space<vmem_shared>> -> memref<640x64xf32, #tpu.memory_space<vmem_shared>>
      tpu.enqueue_dma source(%dma_start3A_89 : memref<640x64xf32, #tpu.memory_space<vmem_shared>>) target(%dma_start3A_87 : memref<640x64xf32, #tpu.memory_space<hbm>>) target_semaphore(%run_scoped3A : memref<!tpu.dma_semaphore, #tpu.memory_space<semaphore_mem>>)
      %dma_wait3A = arith.constant 0 : i32
      %dma_wait3A_90 = tpu.memref_slice %arg6[%arg0, %mul3A_84, %dma_wait3A] : memref<2x10240x64xf32, #tpu.memory_space<hbm>> -> memref<1x640x64xf32, #tpu.memory_space<hbm>>
      %dma_wait3A_91 = tpu.memref_squeeze %dma_wait3A_90 : memref<1x640x64xf32, #tpu.memory_space<hbm>> -> memref<640x64xf32, #tpu.memory_space<hbm>>
      %dma_wait3A_92 = arith.constant 0 : i32
      %dma_wait3A_93 = tpu.memref_slice %arg11[%mul3A_82, %dma_wait3A_92] : memref<10240x64xf32, #tpu.memory_space<vmem_shared>> -> memref<640x64xf32, #tpu.memory_space<vmem_shared>>
      tpu.wait_dma2 semaphore(%run_scoped3A : memref<!tpu.dma_semaphore, #tpu.memory_space<semaphore_mem>>) src(%dma_wait3A_93 : memref<640x64xf32, #tpu.memory_space<vmem_shared>>) dst(%dma_wait3A_91 : memref<640x64xf32, #tpu.memory_space<hbm>>)
      tpu.yield
    }) : () -> ()
    return
  }
}

module attributes {stable_mosaic.version = 14 : i64} {
  func.func @body(%arg0: i32, %arg1: memref<2x512x16xf32, #tpu.memory_space<vmem>>, %arg2: memref<512x16xf32, #tpu.memory_space<vmem>>, %arg3: memref<16x128xf32, #tpu.memory_space<vmem>>, %arg4: memref<16x128xf32, #tpu.memory_space<vmem>>, %arg5: memref<1x128xf32, #tpu.memory_space<vmem>>, %arg6: memref<2x512x64xf32, #tpu.memory_space<vmem>>) attributes {dimension_semantics = [#tpu.dimension_semantics<arbitrary>], iteration_bounds = array<i64: 20>, scalar_prefetch = 0 : i64, scratch_operands = 0 : i64, tpu.core_type = #tpu.core_type<tc>, window_params = [{transform_indices = @transform_0, window_bounds = array<i64: 2, 512, 16>}, {transform_indices = @transform_1, window_bounds = array<i64: 512, 16>}, {pipeline_mode = #tpu.pipeline_mode<synchronous>, transform_indices = @transform_2, window_bounds = array<i64: 16, 128>}, {pipeline_mode = #tpu.pipeline_mode<synchronous>, transform_indices = @transform_3, window_bounds = array<i64: 16, 128>}, {pipeline_mode = #tpu.pipeline_mode<synchronous>, transform_indices = @transform_4, window_bounds = array<i64: 1, 128>}, {transform_indices = @transform_5, window_bounds = array<i64: 2, 512, 64>}]} {
    %get3A = arith.constant 0 : index
    %get3A_0 = arith.constant 0 : index
    %get3A_1 = arith.constant 0 : index
    %get3A_2 = vector.load %arg1[%get3A, %get3A_0, %get3A_1] : memref<2x512x16xf32, #tpu.memory_space<vmem>>, vector<1x512x16xf32>
    %get3A_3 = vector.shape_cast %get3A_2 : vector<1x512x16xf32> to vector<512x16xf32>
    %get3A_4 = arith.constant 1 : index
    %get3A_5 = arith.constant 0 : index
    %get3A_6 = arith.constant 0 : index
    %get3A_7 = vector.load %arg1[%get3A_4, %get3A_5, %get3A_6] : memref<2x512x16xf32, #tpu.memory_space<vmem>>, vector<1x512x16xf32>
    %get3A_8 = vector.shape_cast %get3A_7 : vector<1x512x16xf32> to vector<512x16xf32>
    %add3A = arith.addf %get3A_3, %get3A_8 : vector<512x16xf32>
    %get3A_9 = arith.constant 0 : index
    %get3A_10 = arith.constant 0 : index
    %get3A_11 = vector.load %arg3[%get3A_9, %get3A_10] : memref<16x128xf32, #tpu.memory_space<vmem>>, vector<16x128xf32>
    %dot_general3A = arith.constant dense<0.000000e+00> : vector<512x128xf32>
    %dot_general3A_12 = tpu.matmul %add3A, %get3A_11, %dot_general3A {dimension_numbers = #tpu.dot_dimension_numbers<[1], [0], [0], [1], [0, 0, 1, 1], [], []>, transpose_lhs_hint = false} : vector<512x16xf32>, vector<16x128xf32>, vector<512x128xf32> -> vector<512x128xf32>
    %get3A_13 = arith.constant 0 : index
    %get3A_14 = arith.constant 0 : index
    %get3A_15 = vector.load %arg2[%get3A_13, %get3A_14] : memref<512x16xf32, #tpu.memory_space<vmem>>, vector<512x16xf32>
    %get3A_16 = arith.constant 0 : index
    %get3A_17 = arith.constant 0 : index
    %get3A_18 = vector.load %arg4[%get3A_16, %get3A_17] : memref<16x128xf32, #tpu.memory_space<vmem>>, vector<16x128xf32>
    %dot_general3A_19 = arith.constant dense<0.000000e+00> : vector<512x128xf32>
    %dot_general3A_20 = tpu.matmul %get3A_15, %get3A_18, %dot_general3A_19 {dimension_numbers = #tpu.dot_dimension_numbers<[1], [0], [0], [1], [0, 0, 1, 1], [], []>, transpose_lhs_hint = false} : vector<512x16xf32>, vector<16x128xf32>, vector<512x128xf32> -> vector<512x128xf32>
    %add3A_21 = arith.addf %dot_general3A_12, %dot_general3A_20 : vector<512x128xf32>
    %get3A_22 = arith.constant 0 : index
    %get3A_23 = arith.constant 0 : index
    %get3A_24 = vector.load %arg5[%get3A_22, %get3A_23] : memref<1x128xf32, #tpu.memory_space<vmem>>, vector<1x128xf32>
    %add3A_25 = vector.broadcast %get3A_24 : vector<1x128xf32> to vector<512x128xf32>
    %add3A_26 = arith.addf %add3A_21, %add3A_25 : vector<512x128xf32>
    %mul3A = arith.constant 512 : i32
    %mul3A_27 = arith.muli %arg0, %mul3A : i32
    %iota3A = tpu.iota {dimensions = array<i32: 0>} : vector<512x1xi32>
    %add3A_28 = vector.broadcast %mul3A_27 : i32 to vector<512x1xi32>
    %add3A_29 = arith.addi %add3A_28, %iota3A : vector<512x1xi32>
    %lt3A = arith.constant 9996 : i32
    %lt3A_30 = vector.broadcast %lt3A : i32 to vector<512x1xi32>
    %lt3A_31 = arith.cmpi slt, %add3A_29, %lt3A_30 : vector<512x1xi32>
    %max3A = arith.constant 0.000000e+00 : f32
    %max3A_32 = vector.broadcast %max3A : f32 to vector<512x128xf32>
    %max3A_33 = arith.maximumf %add3A_26, %max3A_32 : vector<512x128xf32>
    %jit3A = arith.constant 0.000000e+00 : f32
    %broadcast_in_dim3A = vector.shape_cast %lt3A_31 : vector<512x1xi1> to vector<512x1xi1>
    %broadcast_in_dim3A_34 = vector.broadcast %broadcast_in_dim3A : vector<512x1xi1> to vector<512x128xi1>
    %broadcast_in_dim3A_35 = vector.broadcast %jit3A : f32 to vector<512x128xf32>
    %select_n3A = arith.select %broadcast_in_dim3A_34, %max3A_33, %broadcast_in_dim3A_35 : vector<512x128xi1>, vector<512x128xf32>
    %slice3A = vector.extract_strided_slice %select_n3A {offsets = [0, 0], sizes = [512, 64], strides = [1, 1]} : vector<512x128xf32> to vector<512x64xf32>
    %swap3A = arith.constant 0 : index
    %swap3A_36 = arith.constant 0 : index
    %swap3A_37 = arith.constant 0 : index
    %swap3A_38 = vector.load %arg6[%swap3A, %swap3A_36, %swap3A_37] : memref<2x512x64xf32, #tpu.memory_space<vmem>>, vector<1x512x64xf32>
    %swap3A_39 = vector.shape_cast %swap3A_38 : vector<1x512x64xf32> to vector<512x64xf32>
    %swap3A_40 = vector.shape_cast %slice3A : vector<512x64xf32> to vector<1x512x64xf32>
    tpu.vector_store %arg6[%swap3A, %swap3A_36, %swap3A_37], %swap3A_40 {strides = array<i32>} : memref<2x512x64xf32, #tpu.memory_space<vmem>>, vector<1x512x64xf32>,
    %slice3A_41 = vector.extract_strided_slice %select_n3A {offsets = [0, 64], sizes = [512, 64], strides = [1, 1]} : vector<512x128xf32> to vector<512x64xf32>
    %swap3A_42 = arith.constant 1 : index
    %swap3A_43 = arith.constant 0 : index
    %swap3A_44 = arith.constant 0 : index
    %swap3A_45 = vector.load %arg6[%swap3A_42, %swap3A_43, %swap3A_44] : memref<2x512x64xf32, #tpu.memory_space<vmem>>, vector<1x512x64xf32>
    %swap3A_46 = vector.shape_cast %swap3A_45 : vector<1x512x64xf32> to vector<512x64xf32>
    %swap3A_47 = vector.shape_cast %slice3A_41 : vector<512x64xf32> to vector<1x512x64xf32>
    tpu.vector_store %arg6[%swap3A_42, %swap3A_43, %swap3A_44], %swap3A_47 {strides = array<i32>} : memref<2x512x64xf32, #tpu.memory_space<vmem>>, vector<1x512x64xf32>,
    return
  }
  func.func @transform_0(%arg0: i32) -> (i32, i32, i32) {
    %c0_i32 = arith.constant 0 : i32
    %c0_i32_0 = arith.constant 0 : i32
    %c0_i32_1 = arith.constant 0 : i32
    return %c0_i32, %arg0, %c0_i32_0 : i32, i32, i32
  }
  func.func @transform_1(%arg0: i32) -> (i32, i32) {
    %c0_i32 = arith.constant 0 : i32
    %c0_i32_0 = arith.constant 0 : i32
    return %arg0, %c0_i32 : i32, i32
  }
  func.func @transform_2(%arg0: i32) -> (i32, i32) {
    %c0_i32 = arith.constant 0 : i32
    %c0_i32_0 = arith.constant 0 : i32
    %c0_i32_1 = arith.constant 0 : i32
    return %c0_i32, %c0_i32_0 : i32, i32
  }
  func.func @transform_3(%arg0: i32) -> (i32, i32) {
    %c0_i32 = arith.constant 0 : i32
    %c0_i32_0 = arith.constant 0 : i32
    %c0_i32_1 = arith.constant 0 : i32
    return %c0_i32, %c0_i32_0 : i32, i32
  }
  func.func @transform_4(%arg0: i32) -> (i32, i32) {
    %c0_i32 = arith.constant 0 : i32
    %c0_i32_0 = arith.constant 0 : i32
    %c0_i32_1 = arith.constant 0 : i32
    return %c0_i32, %c0_i32_0 : i32, i32
  }
  func.func @transform_5(%arg0: i32) -> (i32, i32, i32) {
    %c0_i32 = arith.constant 0 : i32
    %c0_i32_0 = arith.constant 0 : i32
    %c0_i32_1 = arith.constant 0 : i32
    return %c0_i32, %arg0, %c0_i32_0 : i32, i32, i32
  }
}

module attributes {stable_mosaic.version = 14 : i64} {
  func.func @body(%arg0: i32, %arg1: memref<2x512x64xf32, #tpu.memory_space<vmem>>, %arg2: memref<2x512x64xf32, #tpu.memory_space<vmem>>, %arg3: memref<128x128xf32, #tpu.memory_space<vmem>>, %arg4: memref<128x128xf32, #tpu.memory_space<vmem>>, %arg5: memref<1x128xf32, #tpu.memory_space<vmem>>, %arg6: memref<2x512x64xf32, #tpu.memory_space<vmem>>) attributes {dimension_semantics = [#tpu.dimension_semantics<arbitrary>], iteration_bounds = array<i64: 20>, scalar_prefetch = 0 : i64, scratch_operands = 0 : i64, tpu.core_type = #tpu.core_type<tc>, window_params = [{transform_indices = @transform_0, window_bounds = array<i64: 2, 512, 64>}, {transform_indices = @transform_1, window_bounds = array<i64: 2, 512, 64>}, {pipeline_mode = #tpu.pipeline_mode<synchronous>, transform_indices = @transform_2, window_bounds = array<i64: 128, 128>}, {pipeline_mode = #tpu.pipeline_mode<synchronous>, transform_indices = @transform_3, window_bounds = array<i64: 128, 128>}, {pipeline_mode = #tpu.pipeline_mode<synchronous>, transform_indices = @transform_4, window_bounds = array<i64: 1, 128>}, {transform_indices = @transform_5, window_bounds = array<i64: 2, 512, 64>}]} {
    %get3A = arith.constant 0 : index
    %get3A_0 = arith.constant 0 : index
    %get3A_1 = arith.constant 0 : index
    %get3A_2 = vector.load %arg1[%get3A, %get3A_0, %get3A_1] : memref<2x512x64xf32, #tpu.memory_space<vmem>>, vector<1x512x64xf32>
    %get3A_3 = vector.shape_cast %get3A_2 : vector<1x512x64xf32> to vector<512x64xf32>
    %get3A_4 = arith.constant 1 : index
    %get3A_5 = arith.constant 0 : index
    %get3A_6 = arith.constant 0 : index
    %get3A_7 = vector.load %arg1[%get3A_4, %get3A_5, %get3A_6] : memref<2x512x64xf32, #tpu.memory_space<vmem>>, vector<1x512x64xf32>
    %get3A_8 = vector.shape_cast %get3A_7 : vector<1x512x64xf32> to vector<512x64xf32>
    %concatenate3A = tpu.concatenate %get3A_3, %get3A_8 in 1 : vector<512x64xf32>, vector<512x64xf32> -> vector<512x128xf32>
    %get3A_9 = arith.constant 0 : index
    %get3A_10 = arith.constant 0 : index
    %get3A_11 = arith.constant 0 : index
    %get3A_12 = vector.load %arg2[%get3A_9, %get3A_10, %get3A_11] : memref<2x512x64xf32, #tpu.memory_space<vmem>>, vector<1x512x64xf32>
    %get3A_13 = vector.shape_cast %get3A_12 : vector<1x512x64xf32> to vector<512x64xf32>
    %get3A_14 = arith.constant 1 : index
    %get3A_15 = arith.constant 0 : index
    %get3A_16 = arith.constant 0 : index
    %get3A_17 = vector.load %arg2[%get3A_14, %get3A_15, %get3A_16] : memref<2x512x64xf32, #tpu.memory_space<vmem>>, vector<1x512x64xf32>
    %get3A_18 = vector.shape_cast %get3A_17 : vector<1x512x64xf32> to vector<512x64xf32>
    %concatenate3A_19 = tpu.concatenate %get3A_13, %get3A_18 in 1 : vector<512x64xf32>, vector<512x64xf32> -> vector<512x128xf32>
    %get3A_20 = arith.constant 0 : index
    %get3A_21 = arith.constant 0 : index
    %get3A_22 = vector.load %arg3[%get3A_20, %get3A_21] : memref<128x128xf32, #tpu.memory_space<vmem>>, vector<128x128xf32>
    %dot_general3A = arith.constant dense<0.000000e+00> : vector<512x128xf32>
    %dot_general3A_23 = tpu.matmul %concatenate3A, %get3A_22, %dot_general3A {dimension_numbers = #tpu.dot_dimension_numbers<[1], [0], [0], [1], [0, 0, 1, 1], [], []>, transpose_lhs_hint = false} : vector<512x128xf32>, vector<128x128xf32>, vector<512x128xf32> -> vector<512x128xf32>
    %get3A_24 = arith.constant 0 : index
    %get3A_25 = arith.constant 0 : index
    %get3A_26 = vector.load %arg4[%get3A_24, %get3A_25] : memref<128x128xf32, #tpu.memory_space<vmem>>, vector<128x128xf32>
    %dot_general3A_27 = arith.constant dense<0.000000e+00> : vector<512x128xf32>
    %dot_general3A_28 = tpu.matmul %concatenate3A_19, %get3A_26, %dot_general3A_27 {dimension_numbers = #tpu.dot_dimension_numbers<[1], [0], [0], [1], [0, 0, 1, 1], [], []>, transpose_lhs_hint = false} : vector<512x128xf32>, vector<128x128xf32>, vector<512x128xf32> -> vector<512x128xf32>
    %add3A = arith.addf %dot_general3A_23, %dot_general3A_28 : vector<512x128xf32>
    %get3A_29 = arith.constant 0 : index
    %get3A_30 = arith.constant 0 : index
    %get3A_31 = vector.load %arg5[%get3A_29, %get3A_30] : memref<1x128xf32, #tpu.memory_space<vmem>>, vector<1x128xf32>
    %add3A_32 = vector.broadcast %get3A_31 : vector<1x128xf32> to vector<512x128xf32>
    %add3A_33 = arith.addf %add3A, %add3A_32 : vector<512x128xf32>
    %mul3A = arith.constant 512 : i32
    %mul3A_34 = arith.muli %arg0, %mul3A : i32
    %iota3A = tpu.iota {dimensions = array<i32: 0>} : vector<512x1xi32>
    %add3A_35 = vector.broadcast %mul3A_34 : i32 to vector<512x1xi32>
    %add3A_36 = arith.addi %add3A_35, %iota3A : vector<512x1xi32>
    %lt3A = arith.constant 9996 : i32
    %lt3A_37 = vector.broadcast %lt3A : i32 to vector<512x1xi32>
    %lt3A_38 = arith.cmpi slt, %add3A_36, %lt3A_37 : vector<512x1xi32>
    %max3A = arith.constant 0.000000e+00 : f32
    %max3A_39 = vector.broadcast %max3A : f32 to vector<512x128xf32>
    %max3A_40 = arith.maximumf %add3A_33, %max3A_39 : vector<512x128xf32>
    %jit3A = arith.constant 0.000000e+00 : f32
    %broadcast_in_dim3A = vector.shape_cast %lt3A_38 : vector<512x1xi1> to vector<512x1xi1>
    %broadcast_in_dim3A_41 = vector.broadcast %broadcast_in_dim3A : vector<512x1xi1> to vector<512x128xi1>
    %broadcast_in_dim3A_42 = vector.broadcast %jit3A : f32 to vector<512x128xf32>
    %select_n3A = arith.select %broadcast_in_dim3A_41, %max3A_40, %broadcast_in_dim3A_42 : vector<512x128xi1>, vector<512x128xf32>
    %slice3A = vector.extract_strided_slice %select_n3A {offsets = [0, 0], sizes = [512, 64], strides = [1, 1]} : vector<512x128xf32> to vector<512x64xf32>
    %swap3A = arith.constant 0 : index
    %swap3A_43 = arith.constant 0 : index
    %swap3A_44 = arith.constant 0 : index
    %swap3A_45 = vector.load %arg6[%swap3A, %swap3A_43, %swap3A_44] : memref<2x512x64xf32, #tpu.memory_space<vmem>>, vector<1x512x64xf32>
    %swap3A_46 = vector.shape_cast %swap3A_45 : vector<1x512x64xf32> to vector<512x64xf32>
    %swap3A_47 = vector.shape_cast %slice3A : vector<512x64xf32> to vector<1x512x64xf32>
    tpu.vector_store %arg6[%swap3A, %swap3A_43, %swap3A_44], %swap3A_47 {strides = array<i32>} : memref<2x512x64xf32, #tpu.memory_space<vmem>>, vector<1x512x64xf32>,
    %slice3A_48 = vector.extract_strided_slice %select_n3A {offsets = [0, 64], sizes = [512, 64], strides = [1, 1]} : vector<512x128xf32> to vector<512x64xf32>
    %swap3A_49 = arith.constant 1 : index
    %swap3A_50 = arith.constant 0 : index
    %swap3A_51 = arith.constant 0 : index
    %swap3A_52 = vector.load %arg6[%swap3A_49, %swap3A_50, %swap3A_51] : memref<2x512x64xf32, #tpu.memory_space<vmem>>, vector<1x512x64xf32>
    %swap3A_53 = vector.shape_cast %swap3A_52 : vector<1x512x64xf32> to vector<512x64xf32>
    %swap3A_54 = vector.shape_cast %slice3A_48 : vector<512x64xf32> to vector<1x512x64xf32>
    tpu.vector_store %arg6[%swap3A_49, %swap3A_50, %swap3A_51], %swap3A_54 {strides = array<i32>} : memref<2x512x64xf32, #tpu.memory_space<vmem>>, vector<1x512x64xf32>,
    return
  }
  func.func @transform_0(%arg0: i32) -> (i32, i32, i32) {
    %c0_i32 = arith.constant 0 : i32
    %c0_i32_0 = arith.constant 0 : i32
    %c0_i32_1 = arith.constant 0 : i32
    return %c0_i32, %arg0, %c0_i32_0 : i32, i32, i32
  }
  func.func @transform_1(%arg0: i32) -> (i32, i32, i32) {
    %c0_i32 = arith.constant 0 : i32
    %c0_i32_0 = arith.constant 0 : i32
    %c0_i32_1 = arith.constant 0 : i32
    return %c0_i32, %arg0, %c0_i32_0 : i32, i32, i32
  }
  func.func @transform_2(%arg0: i32) -> (i32, i32) {
    %c0_i32 = arith.constant 0 : i32
    %c0_i32_0 = arith.constant 0 : i32
    %c0_i32_1 = arith.constant 0 : i32
    return %c0_i32, %c0_i32_0 : i32, i32
  }
  func.func @transform_3(%arg0: i32) -> (i32, i32) {
    %c0_i32 = arith.constant 0 : i32
    %c0_i32_0 = arith.constant 0 : i32
    %c0_i32_1 = arith.constant 0 : i32
    return %c0_i32, %c0_i32_0 : i32, i32
  }
  func.func @transform_4(%arg0: i32) -> (i32, i32) {
    %c0_i32 = arith.constant 0 : i32
    %c0_i32_0 = arith.constant 0 : i32
    %c0_i32_1 = arith.constant 0 : i32
    return %c0_i32, %c0_i32_0 : i32, i32
  }
  func.func @transform_5(%arg0: i32) -> (i32, i32, i32) {
    %c0_i32 = arith.constant 0 : i32
    %c0_i32_0 = arith.constant 0 : i32
    %c0_i32_1 = arith.constant 0 : i32
    return %c0_i32, %arg0, %c0_i32_0 : i32, i32, i32
  }
}

module attributes {stable_mosaic.version = 14 : i64} {
  func.func @body(%arg0: i32, %arg1: memref<2x512x64xf32, #tpu.memory_space<vmem>>, %arg2: memref<2x512x64xf32, #tpu.memory_space<vmem>>, %arg3: memref<128x128xf32, #tpu.memory_space<vmem>>, %arg4: memref<128x128xf32, #tpu.memory_space<vmem>>, %arg5: memref<1x128xf32, #tpu.memory_space<vmem>>, %arg6: memref<512x128xf32, #tpu.memory_space<vmem>>) attributes {dimension_semantics = [#tpu.dimension_semantics<arbitrary>], iteration_bounds = array<i64: 20>, scalar_prefetch = 0 : i64, scratch_operands = 0 : i64, tpu.core_type = #tpu.core_type<tc>, window_params = [{transform_indices = @transform_0, window_bounds = array<i64: 2, 512, 64>}, {transform_indices = @transform_1, window_bounds = array<i64: 2, 512, 64>}, {pipeline_mode = #tpu.pipeline_mode<synchronous>, transform_indices = @transform_2, window_bounds = array<i64: 128, 128>}, {pipeline_mode = #tpu.pipeline_mode<synchronous>, transform_indices = @transform_3, window_bounds = array<i64: 128, 128>}, {pipeline_mode = #tpu.pipeline_mode<synchronous>, transform_indices = @transform_4, window_bounds = array<i64: 1, 128>}, {transform_indices = @transform_5, window_bounds = array<i64: 512, 128>}]} {
    %get3A = arith.constant 0 : index
    %get3A_0 = arith.constant 0 : index
    %get3A_1 = arith.constant 0 : index
    %get3A_2 = vector.load %arg1[%get3A, %get3A_0, %get3A_1] : memref<2x512x64xf32, #tpu.memory_space<vmem>>, vector<1x512x64xf32>
    %get3A_3 = vector.shape_cast %get3A_2 : vector<1x512x64xf32> to vector<512x64xf32>
    %get3A_4 = arith.constant 1 : index
    %get3A_5 = arith.constant 0 : index
    %get3A_6 = arith.constant 0 : index
    %get3A_7 = vector.load %arg1[%get3A_4, %get3A_5, %get3A_6] : memref<2x512x64xf32, #tpu.memory_space<vmem>>, vector<1x512x64xf32>
    %get3A_8 = vector.shape_cast %get3A_7 : vector<1x512x64xf32> to vector<512x64xf32>
    %concatenate3A = tpu.concatenate %get3A_3, %get3A_8 in 1 : vector<512x64xf32>, vector<512x64xf32> -> vector<512x128xf32>
    %get3A_9 = arith.constant 0 : index
    %get3A_10 = arith.constant 0 : index
    %get3A_11 = arith.constant 0 : index
    %get3A_12 = vector.load %arg2[%get3A_9, %get3A_10, %get3A_11] : memref<2x512x64xf32, #tpu.memory_space<vmem>>, vector<1x512x64xf32>
    %get3A_13 = vector.shape_cast %get3A_12 : vector<1x512x64xf32> to vector<512x64xf32>
    %get3A_14 = arith.constant 1 : index
    %get3A_15 = arith.constant 0 : index
    %get3A_16 = arith.constant 0 : index
    %get3A_17 = vector.load %arg2[%get3A_14, %get3A_15, %get3A_16] : memref<2x512x64xf32, #tpu.memory_space<vmem>>, vector<1x512x64xf32>
    %get3A_18 = vector.shape_cast %get3A_17 : vector<1x512x64xf32> to vector<512x64xf32>
    %concatenate3A_19 = tpu.concatenate %get3A_13, %get3A_18 in 1 : vector<512x64xf32>, vector<512x64xf32> -> vector<512x128xf32>
    %get3A_20 = arith.constant 0 : index
    %get3A_21 = arith.constant 0 : index
    %get3A_22 = vector.load %arg3[%get3A_20, %get3A_21] : memref<128x128xf32, #tpu.memory_space<vmem>>, vector<128x128xf32>
    %dot_general3A = arith.constant dense<0.000000e+00> : vector<512x128xf32>
    %dot_general3A_23 = tpu.matmul %concatenate3A, %get3A_22, %dot_general3A {dimension_numbers = #tpu.dot_dimension_numbers<[1], [0], [0], [1], [0, 0, 1, 1], [], []>, transpose_lhs_hint = false} : vector<512x128xf32>, vector<128x128xf32>, vector<512x128xf32> -> vector<512x128xf32>
    %get3A_24 = arith.constant 0 : index
    %get3A_25 = arith.constant 0 : index
    %get3A_26 = vector.load %arg4[%get3A_24, %get3A_25] : memref<128x128xf32, #tpu.memory_space<vmem>>, vector<128x128xf32>
    %dot_general3A_27 = arith.constant dense<0.000000e+00> : vector<512x128xf32>
    %dot_general3A_28 = tpu.matmul %concatenate3A_19, %get3A_26, %dot_general3A_27 {dimension_numbers = #tpu.dot_dimension_numbers<[1], [0], [0], [1], [0, 0, 1, 1], [], []>, transpose_lhs_hint = false} : vector<512x128xf32>, vector<128x128xf32>, vector<512x128xf32> -> vector<512x128xf32>
    %add3A = arith.addf %dot_general3A_23, %dot_general3A_28 : vector<512x128xf32>
    %get3A_29 = arith.constant 0 : index
    %get3A_30 = arith.constant 0 : index
    %get3A_31 = vector.load %arg5[%get3A_29, %get3A_30] : memref<1x128xf32, #tpu.memory_space<vmem>>, vector<1x128xf32>
    %add3A_32 = vector.broadcast %get3A_31 : vector<1x128xf32> to vector<512x128xf32>
    %add3A_33 = arith.addf %add3A, %add3A_32 : vector<512x128xf32>
    %mul3A = arith.constant 512 : i32
    %mul3A_34 = arith.muli %arg0, %mul3A : i32
    %iota3A = tpu.iota {dimensions = array<i32: 0>} : vector<512x1xi32>
    %add3A_35 = vector.broadcast %mul3A_34 : i32 to vector<512x1xi32>
    %add3A_36 = arith.addi %add3A_35, %iota3A : vector<512x1xi32>
    %lt3A = arith.constant 9996 : i32
    %lt3A_37 = vector.broadcast %lt3A : i32 to vector<512x1xi32>
    %lt3A_38 = arith.cmpi slt, %add3A_36, %lt3A_37 : vector<512x1xi32>
    %max3A = arith.constant 0.000000e+00 : f32
    %max3A_39 = vector.broadcast %max3A : f32 to vector<512x128xf32>
    %max3A_40 = arith.maximumf %add3A_33, %max3A_39 : vector<512x128xf32>
    %jit3A = arith.constant 0.000000e+00 : f32
    %broadcast_in_dim3A = vector.shape_cast %lt3A_38 : vector<512x1xi1> to vector<512x1xi1>
    %broadcast_in_dim3A_41 = vector.broadcast %broadcast_in_dim3A : vector<512x1xi1> to vector<512x128xi1>
    %broadcast_in_dim3A_42 = vector.broadcast %jit3A : f32 to vector<512x128xf32>
    %select_n3A = arith.select %broadcast_in_dim3A_41, %max3A_40, %broadcast_in_dim3A_42 : vector<512x128xi1>, vector<512x128xf32>
    %swap3A = arith.constant 0 : index
    %swap3A_43 = arith.constant 0 : index
    %swap3A_44 = vector.load %arg6[%swap3A, %swap3A_43] : memref<512x128xf32, #tpu.memory_space<vmem>>, vector<512x128xf32>
    tpu.vector_store %arg6[%swap3A, %swap3A_43], %select_n3A {strides = array<i32>} : memref<512x128xf32, #tpu.memory_space<vmem>>, vector<512x128xf32>,
    return
  }
  func.func @transform_0(%arg0: i32) -> (i32, i32, i32) {
    %c0_i32 = arith.constant 0 : i32
    %c0_i32_0 = arith.constant 0 : i32
    %c0_i32_1 = arith.constant 0 : i32
    return %c0_i32, %arg0, %c0_i32_0 : i32, i32, i32
  }
  func.func @transform_1(%arg0: i32) -> (i32, i32, i32) {
    %c0_i32 = arith.constant 0 : i32
    %c0_i32_0 = arith.constant 0 : i32
    %c0_i32_1 = arith.constant 0 : i32
    return %c0_i32, %arg0, %c0_i32_0 : i32, i32, i32
  }
  func.func @transform_2(%arg0: i32) -> (i32, i32) {
    %c0_i32 = arith.constant 0 : i32
    %c0_i32_0 = arith.constant 0 : i32
    %c0_i32_1 = arith.constant 0 : i32
    return %c0_i32, %c0_i32_0 : i32, i32
  }
  func.func @transform_3(%arg0: i32) -> (i32, i32) {
    %c0_i32 = arith.constant 0 : i32
    %c0_i32_0 = arith.constant 0 : i32
    %c0_i32_1 = arith.constant 0 : i32
    return %c0_i32, %c0_i32_0 : i32, i32
  }
  func.func @transform_4(%arg0: i32) -> (i32, i32) {
    %c0_i32 = arith.constant 0 : i32
    %c0_i32_0 = arith.constant 0 : i32
    %c0_i32_1 = arith.constant 0 : i32
    return %c0_i32, %c0_i32_0 : i32, i32
  }
  func.func @transform_5(%arg0: i32) -> (i32, i32) {
    %c0_i32 = arith.constant 0 : i32
    %c0_i32_0 = arith.constant 0 : i32
    return %arg0, %c0_i32 : i32, i32
  }
}

module attributes {stable_mosaic.version = 14 : i64} {
  func.func @body(%arg0: i32, %arg1: memref<7x68x128xf32, #tpu.memory_space<vmem>>, %arg2: memref<7x68x68xf32, #tpu.memory_space<vmem>>, %arg3: memref<7x68x16xf32, #tpu.memory_space<vmem>>, %arg4: memref<7x16x128xf32, #tpu.memory_space<vmem>>, %arg5: memref<7x16x16xf32, #tpu.memory_space<vmem>>, %arg6: memref<1x2xf32, #tpu.memory_space<smem>>) attributes {dimension_semantics = [#tpu.dimension_semantics<arbitrary>], iteration_bounds = array<i64: 21>, scalar_prefetch = 0 : i64, scratch_operands = 0 : i64, tpu.core_type = #tpu.core_type<tc>, window_params = [{transform_indices = @transform_0, window_bounds = array<i64: 7, 68, 128>}, {transform_indices = @transform_1, window_bounds = array<i64: 7, 68, 68>}, {transform_indices = @transform_2, window_bounds = array<i64: 7, 68, 16>}, {transform_indices = @transform_3, window_bounds = array<i64: 7, 16, 128>}, {transform_indices = @transform_4, window_bounds = array<i64: 7, 16, 16>}, {transform_indices = @transform_5, window_bounds = array<i64: 1, 2>}]} {
    %eq3A = arith.constant 0 : i32
    %eq3A_0 = arith.cmpi eq, %arg0, %eq3A : i32
    %convert_element_type3A = arith.extui %eq3A_0 : i1 to i32
    %cond3A = arith.constant 0 : i32
    %cond3A_1 = arith.cmpi ne, %convert_element_type3A, %cond3A : i32
    scf.if %cond3A_1 {
      %swap3A_481 = arith.constant 0.000000e+00 : f32
      %swap3A_482 = arith.constant 0 : index
      %swap3A_483 = arith.constant 0 : index
      %swap3A_484 = memref.load %arg6[%swap3A_482, %swap3A_483] : memref<1x2xf32, #tpu.memory_space<smem>>
      memref.store %swap3A_481, %arg6[%swap3A_482, %swap3A_483] : memref<1x2xf32, #tpu.memory_space<smem>>
      %swap3A_485 = arith.constant 0.000000e+00 : f32
      %swap3A_486 = arith.constant 0 : index
      %swap3A_487 = arith.constant 1 : index
      %swap3A_488 = memref.load %arg6[%swap3A_486, %swap3A_487] : memref<1x2xf32, #tpu.memory_space<smem>>
      memref.store %swap3A_485, %arg6[%swap3A_486, %swap3A_487] : memref<1x2xf32, #tpu.memory_space<smem>>
    } else {
    }
    %get3A = arith.constant 0 : index
    %get3A_2 = arith.constant 0 : index
    %get3A_3 = arith.constant 0 : index
    %get3A_4 = vector.load %arg3[%get3A, %get3A_2, %get3A_3] : memref<7x68x16xf32, #tpu.memory_space<vmem>>, vector<1x68x16xf32>
    %get3A_5 = vector.shape_cast %get3A_4 : vector<1x68x16xf32> to vector<68x16xf32>
    %reduce_max3A = arith.constant dense<0xFF800000> : vector<68xf32>
    %reduce_max3A_6 = vector.multi_reduction <maximumf>, %get3A_5, %reduce_max3A [1] : vector<68x16xf32> to vector<68xf32>
    %broadcast_in_dim3A = vector.shape_cast %reduce_max3A_6 : vector<68xf32> to vector<68x1xf32>
    %sub3A = vector.broadcast %broadcast_in_dim3A : vector<68x1xf32> to vector<68x16xf32>
    %sub3A_7 = arith.subf %get3A_5, %sub3A : vector<68x16xf32>
    %exp3A = math.exp %sub3A_7 : vector<68x16xf32>
    %reduce_sum3A = arith.constant dense<0.000000e+00> : vector<68xf32>
    %reduce_sum3A_8 = vector.multi_reduction <add>, %exp3A, %reduce_sum3A [1] : vector<68x16xf32> to vector<68xf32>
    %broadcast_in_dim3A_9 = vector.shape_cast %reduce_sum3A_8 : vector<68xf32> to vector<68x1xf32>
    %div3A = vector.broadcast %broadcast_in_dim3A_9 : vector<68x1xf32> to vector<68x16xf32>
    %div3A_10 = arith.divf %exp3A, %div3A : vector<68x16xf32>
    %get3A_11 = arith.constant 0 : index
    %get3A_12 = arith.constant 0 : index
    %get3A_13 = arith.constant 0 : index
    %get3A_14 = vector.load %arg1[%get3A_11, %get3A_12, %get3A_13] : memref<7x68x128xf32, #tpu.memory_space<vmem>>, vector<1x68x128xf32>
    %get3A_15 = vector.shape_cast %get3A_14 : vector<1x68x128xf32> to vector<68x128xf32>
    %get3A_16 = arith.constant 0 : index
    %get3A_17 = arith.constant 0 : index
    %get3A_18 = arith.constant 0 : index
    %get3A_19 = vector.load %arg2[%get3A_16, %get3A_17, %get3A_18] : memref<7x68x68xf32, #tpu.memory_space<vmem>>, vector<1x68x68xf32>
    %get3A_20 = vector.shape_cast %get3A_19 : vector<1x68x68xf32> to vector<68x68xf32>
    %dot_general3A = arith.constant dense<0.000000e+00> : vector<16x128xf32>
    %dot_general3A_21 = tpu.matmul %div3A_10, %get3A_15, %dot_general3A {dimension_numbers = #tpu.dot_dimension_numbers<[0], [0], [1], [1], [0, 1, 1, 1], [], []>, transpose_lhs_hint = false} : vector<68x16xf32>, vector<68x128xf32>, vector<16x128xf32> -> vector<16x128xf32>
    %swap3A = arith.constant 0 : index
    %swap3A_22 = arith.constant 0 : index
    %swap3A_23 = arith.constant 0 : index
    %swap3A_24 = vector.load %arg4[%swap3A, %swap3A_22, %swap3A_23] : memref<7x16x128xf32, #tpu.memory_space<vmem>>, vector<1x16x128xf32>
    %swap3A_25 = vector.shape_cast %swap3A_24 : vector<1x16x128xf32> to vector<16x128xf32>
    %swap3A_26 = vector.shape_cast %dot_general3A_21 : vector<16x128xf32> to vector<1x16x128xf32>
    tpu.vector_store %arg4[%swap3A, %swap3A_22, %swap3A_23], %swap3A_26 {strides = array<i32>} : memref<7x16x128xf32, #tpu.memory_space<vmem>>, vector<1x16x128xf32>,
    %dot_general3A_27 = arith.constant dense<0.000000e+00> : vector<16x68xf32>
    %dot_general3A_28 = tpu.matmul %div3A_10, %get3A_20, %dot_general3A_27 {dimension_numbers = #tpu.dot_dimension_numbers<[0], [0], [1], [1], [0, 1, 1, 1], [], []>, transpose_lhs_hint = false} : vector<68x16xf32>, vector<68x68xf32>, vector<16x68xf32> -> vector<16x68xf32>
    %dot_general3A_29 = arith.constant dense<0.000000e+00> : vector<16x16xf32>
    %dot_general3A_30 = tpu.matmul %dot_general3A_28, %div3A_10, %dot_general3A_29 {dimension_numbers = #tpu.dot_dimension_numbers<[1], [0], [0], [1], [0, 0, 1, 1], [], []>, transpose_lhs_hint = false} : vector<16x68xf32>, vector<68x16xf32>, vector<16x16xf32> -> vector<16x16xf32>
    %swap3A_31 = arith.constant 0 : index
    %swap3A_32 = arith.constant 0 : index
    %swap3A_33 = arith.constant 0 : index
    %swap3A_34 = vector.load %arg5[%swap3A_31, %swap3A_32, %swap3A_33] : memref<7x16x16xf32, #tpu.memory_space<vmem>>, vector<1x16x16xf32>
    %swap3A_35 = vector.shape_cast %swap3A_34 : vector<1x16x16xf32> to vector<16x16xf32>
    %swap3A_36 = vector.shape_cast %dot_general3A_30 : vector<16x16xf32> to vector<1x16x16xf32>
    tpu.vector_store %arg5[%swap3A_31, %swap3A_32, %swap3A_33], %swap3A_36 {strides = array<i32>} : memref<7x16x16xf32, #tpu.memory_space<vmem>>, vector<1x16x16xf32>,
    %dot_general3A_37 = arith.constant dense<0.000000e+00> : vector<68x68xf32>
    %dot_general3A_38 = tpu.matmul %div3A_10, %div3A_10, %dot_general3A_37 {dimension_numbers = #tpu.dot_dimension_numbers<[1], [1], [0], [0], [0, 0, 1, 0], [], []>, transpose_lhs_hint = false} : vector<68x16xf32>, vector<68x16xf32>, vector<68x68xf32> -> vector<68x68xf32>
    %sub3A_39 = arith.subf %get3A_20, %dot_general3A_38 : vector<68x68xf32>
    %mul3A = arith.mulf %sub3A_39, %sub3A_39 : vector<68x68xf32>
    %reduce_sum3A_40 = vector.shape_cast %mul3A : vector<68x68xf32> to vector<1x68x68xf32>
    %reduce_sum3A_41 = arith.constant dense<0.000000e+00> : vector<1xf32>
    %reduce_sum3A_42 = vector.multi_reduction <add>, %reduce_sum3A_40, %reduce_sum3A_41 [1, 2] : vector<1x68x68xf32> to vector<1xf32>
    %reduce_sum3A_43 = vector.shape_cast %reduce_sum3A_42 : vector<1xf32> to vector<1x1x1xf32>
    %reduce_sum3A_44 = vector.extract %reduce_sum3A_43[0, 0, 0] : f32 from vector<1x1x1xf32>
    %add3A = arith.constant 0.000000e+00 : f32
    %add3A_45 = arith.addf %add3A, %reduce_sum3A_44 : f32
    %neg3A = arith.constant 0.000000e+00 : f32
    %neg3A_46 = vector.broadcast %neg3A : f32 to vector<68x16xf32>
    %neg3A_47 = arith.subf %neg3A_46, %div3A_10 : vector<68x16xf32>
    %add3A_48 = arith.constant 1.000000e-15 : f32
    %add3A_49 = vector.broadcast %add3A_48 : f32 to vector<68x16xf32>
    %add3A_50 = arith.addf %div3A_10, %add3A_49 : vector<68x16xf32>
    %log3A = math.log %add3A_50 : vector<68x16xf32>
    %mul3A_51 = arith.mulf %neg3A_47, %log3A : vector<68x16xf32>
    %reduce_sum3A_52 = vector.shape_cast %mul3A_51 : vector<68x16xf32> to vector<1x68x16xf32>
    %reduce_sum3A_53 = arith.constant dense<0.000000e+00> : vector<1xf32>
    %reduce_sum3A_54 = vector.multi_reduction <add>, %reduce_sum3A_52, %reduce_sum3A_53 [1, 2] : vector<1x68x16xf32> to vector<1xf32>
    %reduce_sum3A_55 = vector.shape_cast %reduce_sum3A_54 : vector<1xf32> to vector<1x1x1xf32>
    %reduce_sum3A_56 = vector.extract %reduce_sum3A_55[0, 0, 0] : f32 from vector<1x1x1xf32>
    %add3A_57 = arith.constant 0.000000e+00 : f32
    %add3A_58 = arith.addf %add3A_57, %reduce_sum3A_56 : f32
    %get3A_59 = arith.constant 1 : index
    %get3A_60 = arith.constant 0 : index
    %get3A_61 = arith.constant 0 : index
    %get3A_62 = vector.load %arg3[%get3A_59, %get3A_60, %get3A_61] : memref<7x68x16xf32, #tpu.memory_space<vmem>>, vector<1x68x16xf32>
    %get3A_63 = vector.shape_cast %get3A_62 : vector<1x68x16xf32> to vector<68x16xf32>
    %reduce_max3A_64 = arith.constant dense<0xFF800000> : vector<68xf32>
    %reduce_max3A_65 = vector.multi_reduction <maximumf>, %get3A_63, %reduce_max3A_64 [1] : vector<68x16xf32> to vector<68xf32>
    %broadcast_in_dim3A_66 = vector.shape_cast %reduce_max3A_65 : vector<68xf32> to vector<68x1xf32>
    %sub3A_67 = vector.broadcast %broadcast_in_dim3A_66 : vector<68x1xf32> to vector<68x16xf32>
    %sub3A_68 = arith.subf %get3A_63, %sub3A_67 : vector<68x16xf32>
    %exp3A_69 = math.exp %sub3A_68 : vector<68x16xf32>
    %reduce_sum3A_70 = arith.constant dense<0.000000e+00> : vector<68xf32>
    %reduce_sum3A_71 = vector.multi_reduction <add>, %exp3A_69, %reduce_sum3A_70 [1] : vector<68x16xf32> to vector<68xf32>
    %broadcast_in_dim3A_72 = vector.shape_cast %reduce_sum3A_71 : vector<68xf32> to vector<68x1xf32>
    %div3A_73 = vector.broadcast %broadcast_in_dim3A_72 : vector<68x1xf32> to vector<68x16xf32>
    %div3A_74 = arith.divf %exp3A_69, %div3A_73 : vector<68x16xf32>
    %get3A_75 = arith.constant 1 : index
    %get3A_76 = arith.constant 0 : index
    %get3A_77 = arith.constant 0 : index
    %get3A_78 = vector.load %arg1[%get3A_75, %get3A_76, %get3A_77] : memref<7x68x128xf32, #tpu.memory_space<vmem>>, vector<1x68x128xf32>
    %get3A_79 = vector.shape_cast %get3A_78 : vector<1x68x128xf32> to vector<68x128xf32>
    %get3A_80 = arith.constant 1 : index
    %get3A_81 = arith.constant 0 : index
    %get3A_82 = arith.constant 0 : index
    %get3A_83 = vector.load %arg2[%get3A_80, %get3A_81, %get3A_82] : memref<7x68x68xf32, #tpu.memory_space<vmem>>, vector<1x68x68xf32>
    %get3A_84 = vector.shape_cast %get3A_83 : vector<1x68x68xf32> to vector<68x68xf32>
    %dot_general3A_85 = arith.constant dense<0.000000e+00> : vector<16x128xf32>
    %dot_general3A_86 = tpu.matmul %div3A_74, %get3A_79, %dot_general3A_85 {dimension_numbers = #tpu.dot_dimension_numbers<[0], [0], [1], [1], [0, 1, 1, 1], [], []>, transpose_lhs_hint = false} : vector<68x16xf32>, vector<68x128xf32>, vector<16x128xf32> -> vector<16x128xf32>
    %swap3A_87 = arith.constant 1 : index
    %swap3A_88 = arith.constant 0 : index
    %swap3A_89 = arith.constant 0 : index
    %swap3A_90 = vector.load %arg4[%swap3A_87, %swap3A_88, %swap3A_89] : memref<7x16x128xf32, #tpu.memory_space<vmem>>, vector<1x16x128xf32>
    %swap3A_91 = vector.shape_cast %swap3A_90 : vector<1x16x128xf32> to vector<16x128xf32>
    %swap3A_92 = vector.shape_cast %dot_general3A_86 : vector<16x128xf32> to vector<1x16x128xf32>
    tpu.vector_store %arg4[%swap3A_87, %swap3A_88, %swap3A_89], %swap3A_92 {strides = array<i32>} : memref<7x16x128xf32, #tpu.memory_space<vmem>>, vector<1x16x128xf32>,
    %dot_general3A_93 = arith.constant dense<0.000000e+00> : vector<16x68xf32>
    %dot_general3A_94 = tpu.matmul %div3A_74, %get3A_84, %dot_general3A_93 {dimension_numbers = #tpu.dot_dimension_numbers<[0], [0], [1], [1], [0, 1, 1, 1], [], []>, transpose_lhs_hint = false} : vector<68x16xf32>, vector<68x68xf32>, vector<16x68xf32> -> vector<16x68xf32>
    %dot_general3A_95 = arith.constant dense<0.000000e+00> : vector<16x16xf32>
    %dot_general3A_96 = tpu.matmul %dot_general3A_94, %div3A_74, %dot_general3A_95 {dimension_numbers = #tpu.dot_dimension_numbers<[1], [0], [0], [1], [0, 0, 1, 1], [], []>, transpose_lhs_hint = false} : vector<16x68xf32>, vector<68x16xf32>, vector<16x16xf32> -> vector<16x16xf32>
    %swap3A_97 = arith.constant 1 : index
    %swap3A_98 = arith.constant 0 : index
    %swap3A_99 = arith.constant 0 : index
    %swap3A_100 = vector.load %arg5[%swap3A_97, %swap3A_98, %swap3A_99] : memref<7x16x16xf32, #tpu.memory_space<vmem>>, vector<1x16x16xf32>
    %swap3A_101 = vector.shape_cast %swap3A_100 : vector<1x16x16xf32> to vector<16x16xf32>
    %swap3A_102 = vector.shape_cast %dot_general3A_96 : vector<16x16xf32> to vector<1x16x16xf32>
    tpu.vector_store %arg5[%swap3A_97, %swap3A_98, %swap3A_99], %swap3A_102 {strides = array<i32>} : memref<7x16x16xf32, #tpu.memory_space<vmem>>, vector<1x16x16xf32>,
    %dot_general3A_103 = arith.constant dense<0.000000e+00> : vector<68x68xf32>
    %dot_general3A_104 = tpu.matmul %div3A_74, %div3A_74, %dot_general3A_103 {dimension_numbers = #tpu.dot_dimension_numbers<[1], [1], [0], [0], [0, 0, 1, 0], [], []>, transpose_lhs_hint = false} : vector<68x16xf32>, vector<68x16xf32>, vector<68x68xf32> -> vector<68x68xf32>
    %sub3A_105 = arith.subf %get3A_84, %dot_general3A_104 : vector<68x68xf32>
    %mul3A_106 = arith.mulf %sub3A_105, %sub3A_105 : vector<68x68xf32>
    %reduce_sum3A_107 = vector.shape_cast %mul3A_106 : vector<68x68xf32> to vector<1x68x68xf32>
    %reduce_sum3A_108 = arith.constant dense<0.000000e+00> : vector<1xf32>
    %reduce_sum3A_109 = vector.multi_reduction <add>, %reduce_sum3A_107, %reduce_sum3A_108 [1, 2] : vector<1x68x68xf32> to vector<1xf32>
    %reduce_sum3A_110 = vector.shape_cast %reduce_sum3A_109 : vector<1xf32> to vector<1x1x1xf32>
    %reduce_sum3A_111 = vector.extract %reduce_sum3A_110[0, 0, 0] : f32 from vector<1x1x1xf32>
    %add3A_112 = arith.addf %add3A_45, %reduce_sum3A_111 : f32
    %neg3A_113 = arith.constant 0.000000e+00 : f32
    %neg3A_114 = vector.broadcast %neg3A_113 : f32 to vector<68x16xf32>
    %neg3A_115 = arith.subf %neg3A_114, %div3A_74 : vector<68x16xf32>
    %add3A_116 = arith.constant 1.000000e-15 : f32
    %add3A_117 = vector.broadcast %add3A_116 : f32 to vector<68x16xf32>
    %add3A_118 = arith.addf %div3A_74, %add3A_117 : vector<68x16xf32>
    %log3A_119 = math.log %add3A_118 : vector<68x16xf32>
    %mul3A_120 = arith.mulf %neg3A_115, %log3A_119 : vector<68x16xf32>
    %reduce_sum3A_121 = vector.shape_cast %mul3A_120 : vector<68x16xf32> to vector<1x68x16xf32>
    %reduce_sum3A_122 = arith.constant dense<0.000000e+00> : vector<1xf32>
    %reduce_sum3A_123 = vector.multi_reduction <add>, %reduce_sum3A_121, %reduce_sum3A_122 [1, 2] : vector<1x68x16xf32> to vector<1xf32>
    %reduce_sum3A_124 = vector.shape_cast %reduce_sum3A_123 : vector<1xf32> to vector<1x1x1xf32>
    %reduce_sum3A_125 = vector.extract %reduce_sum3A_124[0, 0, 0] : f32 from vector<1x1x1xf32>
    %add3A_126 = arith.addf %add3A_58, %reduce_sum3A_125 : f32
    %get3A_127 = arith.constant 2 : index
    %get3A_128 = arith.constant 0 : index
    %get3A_129 = arith.constant 0 : index
    %get3A_130 = vector.load %arg3[%get3A_127, %get3A_128, %get3A_129] : memref<7x68x16xf32, #tpu.memory_space<vmem>>, vector<1x68x16xf32>
    %get3A_131 = vector.shape_cast %get3A_130 : vector<1x68x16xf32> to vector<68x16xf32>
    %reduce_max3A_132 = arith.constant dense<0xFF800000> : vector<68xf32>
    %reduce_max3A_133 = vector.multi_reduction <maximumf>, %get3A_131, %reduce_max3A_132 [1] : vector<68x16xf32> to vector<68xf32>
    %broadcast_in_dim3A_134 = vector.shape_cast %reduce_max3A_133 : vector<68xf32> to vector<68x1xf32>
    %sub3A_135 = vector.broadcast %broadcast_in_dim3A_134 : vector<68x1xf32> to vector<68x16xf32>
    %sub3A_136 = arith.subf %get3A_131, %sub3A_135 : vector<68x16xf32>
    %exp3A_137 = math.exp %sub3A_136 : vector<68x16xf32>
    %reduce_sum3A_138 = arith.constant dense<0.000000e+00> : vector<68xf32>
    %reduce_sum3A_139 = vector.multi_reduction <add>, %exp3A_137, %reduce_sum3A_138 [1] : vector<68x16xf32> to vector<68xf32>
    %broadcast_in_dim3A_140 = vector.shape_cast %reduce_sum3A_139 : vector<68xf32> to vector<68x1xf32>
    %div3A_141 = vector.broadcast %broadcast_in_dim3A_140 : vector<68x1xf32> to vector<68x16xf32>
    %div3A_142 = arith.divf %exp3A_137, %div3A_141 : vector<68x16xf32>
    %get3A_143 = arith.constant 2 : index
    %get3A_144 = arith.constant 0 : index
    %get3A_145 = arith.constant 0 : index
    %get3A_146 = vector.load %arg1[%get3A_143, %get3A_144, %get3A_145] : memref<7x68x128xf32, #tpu.memory_space<vmem>>, vector<1x68x128xf32>
    %get3A_147 = vector.shape_cast %get3A_146 : vector<1x68x128xf32> to vector<68x128xf32>
    %get3A_148 = arith.constant 2 : index
    %get3A_149 = arith.constant 0 : index
    %get3A_150 = arith.constant 0 : index
    %get3A_151 = vector.load %arg2[%get3A_148, %get3A_149, %get3A_150] : memref<7x68x68xf32, #tpu.memory_space<vmem>>, vector<1x68x68xf32>
    %get3A_152 = vector.shape_cast %get3A_151 : vector<1x68x68xf32> to vector<68x68xf32>
    %dot_general3A_153 = arith.constant dense<0.000000e+00> : vector<16x128xf32>
    %dot_general3A_154 = tpu.matmul %div3A_142, %get3A_147, %dot_general3A_153 {dimension_numbers = #tpu.dot_dimension_numbers<[0], [0], [1], [1], [0, 1, 1, 1], [], []>, transpose_lhs_hint = false} : vector<68x16xf32>, vector<68x128xf32>, vector<16x128xf32> -> vector<16x128xf32>
    %swap3A_155 = arith.constant 2 : index
    %swap3A_156 = arith.constant 0 : index
    %swap3A_157 = arith.constant 0 : index
    %swap3A_158 = vector.load %arg4[%swap3A_155, %swap3A_156, %swap3A_157] : memref<7x16x128xf32, #tpu.memory_space<vmem>>, vector<1x16x128xf32>
    %swap3A_159 = vector.shape_cast %swap3A_158 : vector<1x16x128xf32> to vector<16x128xf32>
    %swap3A_160 = vector.shape_cast %dot_general3A_154 : vector<16x128xf32> to vector<1x16x128xf32>
    tpu.vector_store %arg4[%swap3A_155, %swap3A_156, %swap3A_157], %swap3A_160 {strides = array<i32>} : memref<7x16x128xf32, #tpu.memory_space<vmem>>, vector<1x16x128xf32>,
    %dot_general3A_161 = arith.constant dense<0.000000e+00> : vector<16x68xf32>
    %dot_general3A_162 = tpu.matmul %div3A_142, %get3A_152, %dot_general3A_161 {dimension_numbers = #tpu.dot_dimension_numbers<[0], [0], [1], [1], [0, 1, 1, 1], [], []>, transpose_lhs_hint = false} : vector<68x16xf32>, vector<68x68xf32>, vector<16x68xf32> -> vector<16x68xf32>
    %dot_general3A_163 = arith.constant dense<0.000000e+00> : vector<16x16xf32>
    %dot_general3A_164 = tpu.matmul %dot_general3A_162, %div3A_142, %dot_general3A_163 {dimension_numbers = #tpu.dot_dimension_numbers<[1], [0], [0], [1], [0, 0, 1, 1], [], []>, transpose_lhs_hint = false} : vector<16x68xf32>, vector<68x16xf32>, vector<16x16xf32> -> vector<16x16xf32>
    %swap3A_165 = arith.constant 2 : index
    %swap3A_166 = arith.constant 0 : index
    %swap3A_167 = arith.constant 0 : index
    %swap3A_168 = vector.load %arg5[%swap3A_165, %swap3A_166, %swap3A_167] : memref<7x16x16xf32, #tpu.memory_space<vmem>>, vector<1x16x16xf32>
    %swap3A_169 = vector.shape_cast %swap3A_168 : vector<1x16x16xf32> to vector<16x16xf32>
    %swap3A_170 = vector.shape_cast %dot_general3A_164 : vector<16x16xf32> to vector<1x16x16xf32>
    tpu.vector_store %arg5[%swap3A_165, %swap3A_166, %swap3A_167], %swap3A_170 {strides = array<i32>} : memref<7x16x16xf32, #tpu.memory_space<vmem>>, vector<1x16x16xf32>,
    %dot_general3A_171 = arith.constant dense<0.000000e+00> : vector<68x68xf32>
    %dot_general3A_172 = tpu.matmul %div3A_142, %div3A_142, %dot_general3A_171 {dimension_numbers = #tpu.dot_dimension_numbers<[1], [1], [0], [0], [0, 0, 1, 0], [], []>, transpose_lhs_hint = false} : vector<68x16xf32>, vector<68x16xf32>, vector<68x68xf32> -> vector<68x68xf32>
    %sub3A_173 = arith.subf %get3A_152, %dot_general3A_172 : vector<68x68xf32>
    %mul3A_174 = arith.mulf %sub3A_173, %sub3A_173 : vector<68x68xf32>
    %reduce_sum3A_175 = vector.shape_cast %mul3A_174 : vector<68x68xf32> to vector<1x68x68xf32>
    %reduce_sum3A_176 = arith.constant dense<0.000000e+00> : vector<1xf32>
    %reduce_sum3A_177 = vector.multi_reduction <add>, %reduce_sum3A_175, %reduce_sum3A_176 [1, 2] : vector<1x68x68xf32> to vector<1xf32>
    %reduce_sum3A_178 = vector.shape_cast %reduce_sum3A_177 : vector<1xf32> to vector<1x1x1xf32>
    %reduce_sum3A_179 = vector.extract %reduce_sum3A_178[0, 0, 0] : f32 from vector<1x1x1xf32>
    %add3A_180 = arith.addf %add3A_112, %reduce_sum3A_179 : f32
    %neg3A_181 = arith.constant 0.000000e+00 : f32
    %neg3A_182 = vector.broadcast %neg3A_181 : f32 to vector<68x16xf32>
    %neg3A_183 = arith.subf %neg3A_182, %div3A_142 : vector<68x16xf32>
    %add3A_184 = arith.constant 1.000000e-15 : f32
    %add3A_185 = vector.broadcast %add3A_184 : f32 to vector<68x16xf32>
    %add3A_186 = arith.addf %div3A_142, %add3A_185 : vector<68x16xf32>
    %log3A_187 = math.log %add3A_186 : vector<68x16xf32>
    %mul3A_188 = arith.mulf %neg3A_183, %log3A_187 : vector<68x16xf32>
    %reduce_sum3A_189 = vector.shape_cast %mul3A_188 : vector<68x16xf32> to vector<1x68x16xf32>
    %reduce_sum3A_190 = arith.constant dense<0.000000e+00> : vector<1xf32>
    %reduce_sum3A_191 = vector.multi_reduction <add>, %reduce_sum3A_189, %reduce_sum3A_190 [1, 2] : vector<1x68x16xf32> to vector<1xf32>
    %reduce_sum3A_192 = vector.shape_cast %reduce_sum3A_191 : vector<1xf32> to vector<1x1x1xf32>
    %reduce_sum3A_193 = vector.extract %reduce_sum3A_192[0, 0, 0] : f32 from vector<1x1x1xf32>
    %add3A_194 = arith.addf %add3A_126, %reduce_sum3A_193 : f32
    %get3A_195 = arith.constant 3 : index
    %get3A_196 = arith.constant 0 : index
    %get3A_197 = arith.constant 0 : index
    %get3A_198 = vector.load %arg3[%get3A_195, %get3A_196, %get3A_197] : memref<7x68x16xf32, #tpu.memory_space<vmem>>, vector<1x68x16xf32>
    %get3A_199 = vector.shape_cast %get3A_198 : vector<1x68x16xf32> to vector<68x16xf32>
    %reduce_max3A_200 = arith.constant dense<0xFF800000> : vector<68xf32>
    %reduce_max3A_201 = vector.multi_reduction <maximumf>, %get3A_199, %reduce_max3A_200 [1] : vector<68x16xf32> to vector<68xf32>
    %broadcast_in_dim3A_202 = vector.shape_cast %reduce_max3A_201 : vector<68xf32> to vector<68x1xf32>
    %sub3A_203 = vector.broadcast %broadcast_in_dim3A_202 : vector<68x1xf32> to vector<68x16xf32>
    %sub3A_204 = arith.subf %get3A_199, %sub3A_203 : vector<68x16xf32>
    %exp3A_205 = math.exp %sub3A_204 : vector<68x16xf32>
    %reduce_sum3A_206 = arith.constant dense<0.000000e+00> : vector<68xf32>
    %reduce_sum3A_207 = vector.multi_reduction <add>, %exp3A_205, %reduce_sum3A_206 [1] : vector<68x16xf32> to vector<68xf32>
    %broadcast_in_dim3A_208 = vector.shape_cast %reduce_sum3A_207 : vector<68xf32> to vector<68x1xf32>
    %div3A_209 = vector.broadcast %broadcast_in_dim3A_208 : vector<68x1xf32> to vector<68x16xf32>
    %div3A_210 = arith.divf %exp3A_205, %div3A_209 : vector<68x16xf32>
    %get3A_211 = arith.constant 3 : index
    %get3A_212 = arith.constant 0 : index
    %get3A_213 = arith.constant 0 : index
    %get3A_214 = vector.load %arg1[%get3A_211, %get3A_212, %get3A_213] : memref<7x68x128xf32, #tpu.memory_space<vmem>>, vector<1x68x128xf32>
    %get3A_215 = vector.shape_cast %get3A_214 : vector<1x68x128xf32> to vector<68x128xf32>
    %get3A_216 = arith.constant 3 : index
    %get3A_217 = arith.constant 0 : index
    %get3A_218 = arith.constant 0 : index
    %get3A_219 = vector.load %arg2[%get3A_216, %get3A_217, %get3A_218] : memref<7x68x68xf32, #tpu.memory_space<vmem>>, vector<1x68x68xf32>
    %get3A_220 = vector.shape_cast %get3A_219 : vector<1x68x68xf32> to vector<68x68xf32>
    %dot_general3A_221 = arith.constant dense<0.000000e+00> : vector<16x128xf32>
    %dot_general3A_222 = tpu.matmul %div3A_210, %get3A_215, %dot_general3A_221 {dimension_numbers = #tpu.dot_dimension_numbers<[0], [0], [1], [1], [0, 1, 1, 1], [], []>, transpose_lhs_hint = false} : vector<68x16xf32>, vector<68x128xf32>, vector<16x128xf32> -> vector<16x128xf32>
    %swap3A_223 = arith.constant 3 : index
    %swap3A_224 = arith.constant 0 : index
    %swap3A_225 = arith.constant 0 : index
    %swap3A_226 = vector.load %arg4[%swap3A_223, %swap3A_224, %swap3A_225] : memref<7x16x128xf32, #tpu.memory_space<vmem>>, vector<1x16x128xf32>
    %swap3A_227 = vector.shape_cast %swap3A_226 : vector<1x16x128xf32> to vector<16x128xf32>
    %swap3A_228 = vector.shape_cast %dot_general3A_222 : vector<16x128xf32> to vector<1x16x128xf32>
    tpu.vector_store %arg4[%swap3A_223, %swap3A_224, %swap3A_225], %swap3A_228 {strides = array<i32>} : memref<7x16x128xf32, #tpu.memory_space<vmem>>, vector<1x16x128xf32>,
    %dot_general3A_229 = arith.constant dense<0.000000e+00> : vector<16x68xf32>
    %dot_general3A_230 = tpu.matmul %div3A_210, %get3A_220, %dot_general3A_229 {dimension_numbers = #tpu.dot_dimension_numbers<[0], [0], [1], [1], [0, 1, 1, 1], [], []>, transpose_lhs_hint = false} : vector<68x16xf32>, vector<68x68xf32>, vector<16x68xf32> -> vector<16x68xf32>
    %dot_general3A_231 = arith.constant dense<0.000000e+00> : vector<16x16xf32>
    %dot_general3A_232 = tpu.matmul %dot_general3A_230, %div3A_210, %dot_general3A_231 {dimension_numbers = #tpu.dot_dimension_numbers<[1], [0], [0], [1], [0, 0, 1, 1], [], []>, transpose_lhs_hint = false} : vector<16x68xf32>, vector<68x16xf32>, vector<16x16xf32> -> vector<16x16xf32>
    %swap3A_233 = arith.constant 3 : index
    %swap3A_234 = arith.constant 0 : index
    %swap3A_235 = arith.constant 0 : index
    %swap3A_236 = vector.load %arg5[%swap3A_233, %swap3A_234, %swap3A_235] : memref<7x16x16xf32, #tpu.memory_space<vmem>>, vector<1x16x16xf32>
    %swap3A_237 = vector.shape_cast %swap3A_236 : vector<1x16x16xf32> to vector<16x16xf32>
    %swap3A_238 = vector.shape_cast %dot_general3A_232 : vector<16x16xf32> to vector<1x16x16xf32>
    tpu.vector_store %arg5[%swap3A_233, %swap3A_234, %swap3A_235], %swap3A_238 {strides = array<i32>} : memref<7x16x16xf32, #tpu.memory_space<vmem>>, vector<1x16x16xf32>,
    %dot_general3A_239 = arith.constant dense<0.000000e+00> : vector<68x68xf32>
    %dot_general3A_240 = tpu.matmul %div3A_210, %div3A_210, %dot_general3A_239 {dimension_numbers = #tpu.dot_dimension_numbers<[1], [1], [0], [0], [0, 0, 1, 0], [], []>, transpose_lhs_hint = false} : vector<68x16xf32>, vector<68x16xf32>, vector<68x68xf32> -> vector<68x68xf32>
    %sub3A_241 = arith.subf %get3A_220, %dot_general3A_240 : vector<68x68xf32>
    %mul3A_242 = arith.mulf %sub3A_241, %sub3A_241 : vector<68x68xf32>
    %reduce_sum3A_243 = vector.shape_cast %mul3A_242 : vector<68x68xf32> to vector<1x68x68xf32>
    %reduce_sum3A_244 = arith.constant dense<0.000000e+00> : vector<1xf32>
    %reduce_sum3A_245 = vector.multi_reduction <add>, %reduce_sum3A_243, %reduce_sum3A_244 [1, 2] : vector<1x68x68xf32> to vector<1xf32>
    %reduce_sum3A_246 = vector.shape_cast %reduce_sum3A_245 : vector<1xf32> to vector<1x1x1xf32>
    %reduce_sum3A_247 = vector.extract %reduce_sum3A_246[0, 0, 0] : f32 from vector<1x1x1xf32>
    %add3A_248 = arith.addf %add3A_180, %reduce_sum3A_247 : f32
    %neg3A_249 = arith.constant 0.000000e+00 : f32
    %neg3A_250 = vector.broadcast %neg3A_249 : f32 to vector<68x16xf32>
    %neg3A_251 = arith.subf %neg3A_250, %div3A_210 : vector<68x16xf32>
    %add3A_252 = arith.constant 1.000000e-15 : f32
    %add3A_253 = vector.broadcast %add3A_252 : f32 to vector<68x16xf32>
    %add3A_254 = arith.addf %div3A_210, %add3A_253 : vector<68x16xf32>
    %log3A_255 = math.log %add3A_254 : vector<68x16xf32>
    %mul3A_256 = arith.mulf %neg3A_251, %log3A_255 : vector<68x16xf32>
    %reduce_sum3A_257 = vector.shape_cast %mul3A_256 : vector<68x16xf32> to vector<1x68x16xf32>
    %reduce_sum3A_258 = arith.constant dense<0.000000e+00> : vector<1xf32>
    %reduce_sum3A_259 = vector.multi_reduction <add>, %reduce_sum3A_257, %reduce_sum3A_258 [1, 2] : vector<1x68x16xf32> to vector<1xf32>
    %reduce_sum3A_260 = vector.shape_cast %reduce_sum3A_259 : vector<1xf32> to vector<1x1x1xf32>
    %reduce_sum3A_261 = vector.extract %reduce_sum3A_260[0, 0, 0] : f32 from vector<1x1x1xf32>
    %add3A_262 = arith.addf %add3A_194, %reduce_sum3A_261 : f32
    %get3A_263 = arith.constant 4 : index
    %get3A_264 = arith.constant 0 : index
    %get3A_265 = arith.constant 0 : index
    %get3A_266 = vector.load %arg3[%get3A_263, %get3A_264, %get3A_265] : memref<7x68x16xf32, #tpu.memory_space<vmem>>, vector<1x68x16xf32>
    %get3A_267 = vector.shape_cast %get3A_266 : vector<1x68x16xf32> to vector<68x16xf32>
    %reduce_max3A_268 = arith.constant dense<0xFF800000> : vector<68xf32>
    %reduce_max3A_269 = vector.multi_reduction <maximumf>, %get3A_267, %reduce_max3A_268 [1] : vector<68x16xf32> to vector<68xf32>
    %broadcast_in_dim3A_270 = vector.shape_cast %reduce_max3A_269 : vector<68xf32> to vector<68x1xf32>
    %sub3A_271 = vector.broadcast %broadcast_in_dim3A_270 : vector<68x1xf32> to vector<68x16xf32>
    %sub3A_272 = arith.subf %get3A_267, %sub3A_271 : vector<68x16xf32>
    %exp3A_273 = math.exp %sub3A_272 : vector<68x16xf32>
    %reduce_sum3A_274 = arith.constant dense<0.000000e+00> : vector<68xf32>
    %reduce_sum3A_275 = vector.multi_reduction <add>, %exp3A_273, %reduce_sum3A_274 [1] : vector<68x16xf32> to vector<68xf32>
    %broadcast_in_dim3A_276 = vector.shape_cast %reduce_sum3A_275 : vector<68xf32> to vector<68x1xf32>
    %div3A_277 = vector.broadcast %broadcast_in_dim3A_276 : vector<68x1xf32> to vector<68x16xf32>
    %div3A_278 = arith.divf %exp3A_273, %div3A_277 : vector<68x16xf32>
    %get3A_279 = arith.constant 4 : index
    %get3A_280 = arith.constant 0 : index
    %get3A_281 = arith.constant 0 : index
    %get3A_282 = vector.load %arg1[%get3A_279, %get3A_280, %get3A_281] : memref<7x68x128xf32, #tpu.memory_space<vmem>>, vector<1x68x128xf32>
    %get3A_283 = vector.shape_cast %get3A_282 : vector<1x68x128xf32> to vector<68x128xf32>
    %get3A_284 = arith.constant 4 : index
    %get3A_285 = arith.constant 0 : index
    %get3A_286 = arith.constant 0 : index
    %get3A_287 = vector.load %arg2[%get3A_284, %get3A_285, %get3A_286] : memref<7x68x68xf32, #tpu.memory_space<vmem>>, vector<1x68x68xf32>
    %get3A_288 = vector.shape_cast %get3A_287 : vector<1x68x68xf32> to vector<68x68xf32>
    %dot_general3A_289 = arith.constant dense<0.000000e+00> : vector<16x128xf32>
    %dot_general3A_290 = tpu.matmul %div3A_278, %get3A_283, %dot_general3A_289 {dimension_numbers = #tpu.dot_dimension_numbers<[0], [0], [1], [1], [0, 1, 1, 1], [], []>, transpose_lhs_hint = false} : vector<68x16xf32>, vector<68x128xf32>, vector<16x128xf32> -> vector<16x128xf32>
    %swap3A_291 = arith.constant 4 : index
    %swap3A_292 = arith.constant 0 : index
    %swap3A_293 = arith.constant 0 : index
    %swap3A_294 = vector.load %arg4[%swap3A_291, %swap3A_292, %swap3A_293] : memref<7x16x128xf32, #tpu.memory_space<vmem>>, vector<1x16x128xf32>
    %swap3A_295 = vector.shape_cast %swap3A_294 : vector<1x16x128xf32> to vector<16x128xf32>
    %swap3A_296 = vector.shape_cast %dot_general3A_290 : vector<16x128xf32> to vector<1x16x128xf32>
    tpu.vector_store %arg4[%swap3A_291, %swap3A_292, %swap3A_293], %swap3A_296 {strides = array<i32>} : memref<7x16x128xf32, #tpu.memory_space<vmem>>, vector<1x16x128xf32>,
    %dot_general3A_297 = arith.constant dense<0.000000e+00> : vector<16x68xf32>
    %dot_general3A_298 = tpu.matmul %div3A_278, %get3A_288, %dot_general3A_297 {dimension_numbers = #tpu.dot_dimension_numbers<[0], [0], [1], [1], [0, 1, 1, 1], [], []>, transpose_lhs_hint = false} : vector<68x16xf32>, vector<68x68xf32>, vector<16x68xf32> -> vector<16x68xf32>
    %dot_general3A_299 = arith.constant dense<0.000000e+00> : vector<16x16xf32>
    %dot_general3A_300 = tpu.matmul %dot_general3A_298, %div3A_278, %dot_general3A_299 {dimension_numbers = #tpu.dot_dimension_numbers<[1], [0], [0], [1], [0, 0, 1, 1], [], []>, transpose_lhs_hint = false} : vector<16x68xf32>, vector<68x16xf32>, vector<16x16xf32> -> vector<16x16xf32>
    %swap3A_301 = arith.constant 4 : index
    %swap3A_302 = arith.constant 0 : index
    %swap3A_303 = arith.constant 0 : index
    %swap3A_304 = vector.load %arg5[%swap3A_301, %swap3A_302, %swap3A_303] : memref<7x16x16xf32, #tpu.memory_space<vmem>>, vector<1x16x16xf32>
    %swap3A_305 = vector.shape_cast %swap3A_304 : vector<1x16x16xf32> to vector<16x16xf32>
    %swap3A_306 = vector.shape_cast %dot_general3A_300 : vector<16x16xf32> to vector<1x16x16xf32>
    tpu.vector_store %arg5[%swap3A_301, %swap3A_302, %swap3A_303], %swap3A_306 {strides = array<i32>} : memref<7x16x16xf32, #tpu.memory_space<vmem>>, vector<1x16x16xf32>,
    %dot_general3A_307 = arith.constant dense<0.000000e+00> : vector<68x68xf32>
    %dot_general3A_308 = tpu.matmul %div3A_278, %div3A_278, %dot_general3A_307 {dimension_numbers = #tpu.dot_dimension_numbers<[1], [1], [0], [0], [0, 0, 1, 0], [], []>, transpose_lhs_hint = false} : vector<68x16xf32>, vector<68x16xf32>, vector<68x68xf32> -> vector<68x68xf32>
    %sub3A_309 = arith.subf %get3A_288, %dot_general3A_308 : vector<68x68xf32>
    %mul3A_310 = arith.mulf %sub3A_309, %sub3A_309 : vector<68x68xf32>
    %reduce_sum3A_311 = vector.shape_cast %mul3A_310 : vector<68x68xf32> to vector<1x68x68xf32>
    %reduce_sum3A_312 = arith.constant dense<0.000000e+00> : vector<1xf32>
    %reduce_sum3A_313 = vector.multi_reduction <add>, %reduce_sum3A_311, %reduce_sum3A_312 [1, 2] : vector<1x68x68xf32> to vector<1xf32>
    %reduce_sum3A_314 = vector.shape_cast %reduce_sum3A_313 : vector<1xf32> to vector<1x1x1xf32>
    %reduce_sum3A_315 = vector.extract %reduce_sum3A_314[0, 0, 0] : f32 from vector<1x1x1xf32>
    %add3A_316 = arith.addf %add3A_248, %reduce_sum3A_315 : f32
    %neg3A_317 = arith.constant 0.000000e+00 : f32
    %neg3A_318 = vector.broadcast %neg3A_317 : f32 to vector<68x16xf32>
    %neg3A_319 = arith.subf %neg3A_318, %div3A_278 : vector<68x16xf32>
    %add3A_320 = arith.constant 1.000000e-15 : f32
    %add3A_321 = vector.broadcast %add3A_320 : f32 to vector<68x16xf32>
    %add3A_322 = arith.addf %div3A_278, %add3A_321 : vector<68x16xf32>
    %log3A_323 = math.log %add3A_322 : vector<68x16xf32>
    %mul3A_324 = arith.mulf %neg3A_319, %log3A_323 : vector<68x16xf32>
    %reduce_sum3A_325 = vector.shape_cast %mul3A_324 : vector<68x16xf32> to vector<1x68x16xf32>
    %reduce_sum3A_326 = arith.constant dense<0.000000e+00> : vector<1xf32>
    %reduce_sum3A_327 = vector.multi_reduction <add>, %reduce_sum3A_325, %reduce_sum3A_326 [1, 2] : vector<1x68x16xf32> to vector<1xf32>
    %reduce_sum3A_328 = vector.shape_cast %reduce_sum3A_327 : vector<1xf32> to vector<1x1x1xf32>
    %reduce_sum3A_329 = vector.extract %reduce_sum3A_328[0, 0, 0] : f32 from vector<1x1x1xf32>
    %add3A_330 = arith.addf %add3A_262, %reduce_sum3A_329 : f32
    %get3A_331 = arith.constant 5 : index
    %get3A_332 = arith.constant 0 : index
    %get3A_333 = arith.constant 0 : index
    %get3A_334 = vector.load %arg3[%get3A_331, %get3A_332, %get3A_333] : memref<7x68x16xf32, #tpu.memory_space<vmem>>, vector<1x68x16xf32>
    %get3A_335 = vector.shape_cast %get3A_334 : vector<1x68x16xf32> to vector<68x16xf32>
    %reduce_max3A_336 = arith.constant dense<0xFF800000> : vector<68xf32>
    %reduce_max3A_337 = vector.multi_reduction <maximumf>, %get3A_335, %reduce_max3A_336 [1] : vector<68x16xf32> to vector<68xf32>
    %broadcast_in_dim3A_338 = vector.shape_cast %reduce_max3A_337 : vector<68xf32> to vector<68x1xf32>
    %sub3A_339 = vector.broadcast %broadcast_in_dim3A_338 : vector<68x1xf32> to vector<68x16xf32>
    %sub3A_340 = arith.subf %get3A_335, %sub3A_339 : vector<68x16xf32>
    %exp3A_341 = math.exp %sub3A_340 : vector<68x16xf32>
    %reduce_sum3A_342 = arith.constant dense<0.000000e+00> : vector<68xf32>
    %reduce_sum3A_343 = vector.multi_reduction <add>, %exp3A_341, %reduce_sum3A_342 [1] : vector<68x16xf32> to vector<68xf32>
    %broadcast_in_dim3A_344 = vector.shape_cast %reduce_sum3A_343 : vector<68xf32> to vector<68x1xf32>
    %div3A_345 = vector.broadcast %broadcast_in_dim3A_344 : vector<68x1xf32> to vector<68x16xf32>
    %div3A_346 = arith.divf %exp3A_341, %div3A_345 : vector<68x16xf32>
    %get3A_347 = arith.constant 5 : index
    %get3A_348 = arith.constant 0 : index
    %get3A_349 = arith.constant 0 : index
    %get3A_350 = vector.load %arg1[%get3A_347, %get3A_348, %get3A_349] : memref<7x68x128xf32, #tpu.memory_space<vmem>>, vector<1x68x128xf32>
    %get3A_351 = vector.shape_cast %get3A_350 : vector<1x68x128xf32> to vector<68x128xf32>
    %get3A_352 = arith.constant 5 : index
    %get3A_353 = arith.constant 0 : index
    %get3A_354 = arith.constant 0 : index
    %get3A_355 = vector.load %arg2[%get3A_352, %get3A_353, %get3A_354] : memref<7x68x68xf32, #tpu.memory_space<vmem>>, vector<1x68x68xf32>
    %get3A_356 = vector.shape_cast %get3A_355 : vector<1x68x68xf32> to vector<68x68xf32>
    %dot_general3A_357 = arith.constant dense<0.000000e+00> : vector<16x128xf32>
    %dot_general3A_358 = tpu.matmul %div3A_346, %get3A_351, %dot_general3A_357 {dimension_numbers = #tpu.dot_dimension_numbers<[0], [0], [1], [1], [0, 1, 1, 1], [], []>, transpose_lhs_hint = false} : vector<68x16xf32>, vector<68x128xf32>, vector<16x128xf32> -> vector<16x128xf32>
    %swap3A_359 = arith.constant 5 : index
    %swap3A_360 = arith.constant 0 : index
    %swap3A_361 = arith.constant 0 : index
    %swap3A_362 = vector.load %arg4[%swap3A_359, %swap3A_360, %swap3A_361] : memref<7x16x128xf32, #tpu.memory_space<vmem>>, vector<1x16x128xf32>
    %swap3A_363 = vector.shape_cast %swap3A_362 : vector<1x16x128xf32> to vector<16x128xf32>
    %swap3A_364 = vector.shape_cast %dot_general3A_358 : vector<16x128xf32> to vector<1x16x128xf32>
    tpu.vector_store %arg4[%swap3A_359, %swap3A_360, %swap3A_361], %swap3A_364 {strides = array<i32>} : memref<7x16x128xf32, #tpu.memory_space<vmem>>, vector<1x16x128xf32>,
    %dot_general3A_365 = arith.constant dense<0.000000e+00> : vector<16x68xf32>
    %dot_general3A_366 = tpu.matmul %div3A_346, %get3A_356, %dot_general3A_365 {dimension_numbers = #tpu.dot_dimension_numbers<[0], [0], [1], [1], [0, 1, 1, 1], [], []>, transpose_lhs_hint = false} : vector<68x16xf32>, vector<68x68xf32>, vector<16x68xf32> -> vector<16x68xf32>
    %dot_general3A_367 = arith.constant dense<0.000000e+00> : vector<16x16xf32>
    %dot_general3A_368 = tpu.matmul %dot_general3A_366, %div3A_346, %dot_general3A_367 {dimension_numbers = #tpu.dot_dimension_numbers<[1], [0], [0], [1], [0, 0, 1, 1], [], []>, transpose_lhs_hint = false} : vector<16x68xf32>, vector<68x16xf32>, vector<16x16xf32> -> vector<16x16xf32>
    %swap3A_369 = arith.constant 5 : index
    %swap3A_370 = arith.constant 0 : index
    %swap3A_371 = arith.constant 0 : index
    %swap3A_372 = vector.load %arg5[%swap3A_369, %swap3A_370, %swap3A_371] : memref<7x16x16xf32, #tpu.memory_space<vmem>>, vector<1x16x16xf32>
    %swap3A_373 = vector.shape_cast %swap3A_372 : vector<1x16x16xf32> to vector<16x16xf32>
    %swap3A_374 = vector.shape_cast %dot_general3A_368 : vector<16x16xf32> to vector<1x16x16xf32>
    tpu.vector_store %arg5[%swap3A_369, %swap3A_370, %swap3A_371], %swap3A_374 {strides = array<i32>} : memref<7x16x16xf32, #tpu.memory_space<vmem>>, vector<1x16x16xf32>,
    %dot_general3A_375 = arith.constant dense<0.000000e+00> : vector<68x68xf32>
    %dot_general3A_376 = tpu.matmul %div3A_346, %div3A_346, %dot_general3A_375 {dimension_numbers = #tpu.dot_dimension_numbers<[1], [1], [0], [0], [0, 0, 1, 0], [], []>, transpose_lhs_hint = false} : vector<68x16xf32>, vector<68x16xf32>, vector<68x68xf32> -> vector<68x68xf32>
    %sub3A_377 = arith.subf %get3A_356, %dot_general3A_376 : vector<68x68xf32>
    %mul3A_378 = arith.mulf %sub3A_377, %sub3A_377 : vector<68x68xf32>
    %reduce_sum3A_379 = vector.shape_cast %mul3A_378 : vector<68x68xf32> to vector<1x68x68xf32>
    %reduce_sum3A_380 = arith.constant dense<0.000000e+00> : vector<1xf32>
    %reduce_sum3A_381 = vector.multi_reduction <add>, %reduce_sum3A_379, %reduce_sum3A_380 [1, 2] : vector<1x68x68xf32> to vector<1xf32>
    %reduce_sum3A_382 = vector.shape_cast %reduce_sum3A_381 : vector<1xf32> to vector<1x1x1xf32>
    %reduce_sum3A_383 = vector.extract %reduce_sum3A_382[0, 0, 0] : f32 from vector<1x1x1xf32>
    %add3A_384 = arith.addf %add3A_316, %reduce_sum3A_383 : f32
    %neg3A_385 = arith.constant 0.000000e+00 : f32
    %neg3A_386 = vector.broadcast %neg3A_385 : f32 to vector<68x16xf32>
    %neg3A_387 = arith.subf %neg3A_386, %div3A_346 : vector<68x16xf32>
    %add3A_388 = arith.constant 1.000000e-15 : f32
    %add3A_389 = vector.broadcast %add3A_388 : f32 to vector<68x16xf32>
    %add3A_390 = arith.addf %div3A_346, %add3A_389 : vector<68x16xf32>
    %log3A_391 = math.log %add3A_390 : vector<68x16xf32>
    %mul3A_392 = arith.mulf %neg3A_387, %log3A_391 : vector<68x16xf32>
    %reduce_sum3A_393 = vector.shape_cast %mul3A_392 : vector<68x16xf32> to vector<1x68x16xf32>
    %reduce_sum3A_394 = arith.constant dense<0.000000e+00> : vector<1xf32>
    %reduce_sum3A_395 = vector.multi_reduction <add>, %reduce_sum3A_393, %reduce_sum3A_394 [1, 2] : vector<1x68x16xf32> to vector<1xf32>
    %reduce_sum3A_396 = vector.shape_cast %reduce_sum3A_395 : vector<1xf32> to vector<1x1x1xf32>
    %reduce_sum3A_397 = vector.extract %reduce_sum3A_396[0, 0, 0] : f32 from vector<1x1x1xf32>
    %add3A_398 = arith.addf %add3A_330, %reduce_sum3A_397 : f32
    %get3A_399 = arith.constant 6 : index
    %get3A_400 = arith.constant 0 : index
    %get3A_401 = arith.constant 0 : index
    %get3A_402 = vector.load %arg3[%get3A_399, %get3A_400, %get3A_401] : memref<7x68x16xf32, #tpu.memory_space<vmem>>, vector<1x68x16xf32>
    %get3A_403 = vector.shape_cast %get3A_402 : vector<1x68x16xf32> to vector<68x16xf32>
    %reduce_max3A_404 = arith.constant dense<0xFF800000> : vector<68xf32>
    %reduce_max3A_405 = vector.multi_reduction <maximumf>, %get3A_403, %reduce_max3A_404 [1] : vector<68x16xf32> to vector<68xf32>
    %broadcast_in_dim3A_406 = vector.shape_cast %reduce_max3A_405 : vector<68xf32> to vector<68x1xf32>
    %sub3A_407 = vector.broadcast %broadcast_in_dim3A_406 : vector<68x1xf32> to vector<68x16xf32>
    %sub3A_408 = arith.subf %get3A_403, %sub3A_407 : vector<68x16xf32>
    %exp3A_409 = math.exp %sub3A_408 : vector<68x16xf32>
    %reduce_sum3A_410 = arith.constant dense<0.000000e+00> : vector<68xf32>
    %reduce_sum3A_411 = vector.multi_reduction <add>, %exp3A_409, %reduce_sum3A_410 [1] : vector<68x16xf32> to vector<68xf32>
    %broadcast_in_dim3A_412 = vector.shape_cast %reduce_sum3A_411 : vector<68xf32> to vector<68x1xf32>
    %div3A_413 = vector.broadcast %broadcast_in_dim3A_412 : vector<68x1xf32> to vector<68x16xf32>
    %div3A_414 = arith.divf %exp3A_409, %div3A_413 : vector<68x16xf32>
    %get3A_415 = arith.constant 6 : index
    %get3A_416 = arith.constant 0 : index
    %get3A_417 = arith.constant 0 : index
    %get3A_418 = vector.load %arg1[%get3A_415, %get3A_416, %get3A_417] : memref<7x68x128xf32, #tpu.memory_space<vmem>>, vector<1x68x128xf32>
    %get3A_419 = vector.shape_cast %get3A_418 : vector<1x68x128xf32> to vector<68x128xf32>
    %get3A_420 = arith.constant 6 : index
    %get3A_421 = arith.constant 0 : index
    %get3A_422 = arith.constant 0 : index
    %get3A_423 = vector.load %arg2[%get3A_420, %get3A_421, %get3A_422] : memref<7x68x68xf32, #tpu.memory_space<vmem>>, vector<1x68x68xf32>
    %get3A_424 = vector.shape_cast %get3A_423 : vector<1x68x68xf32> to vector<68x68xf32>
    %dot_general3A_425 = arith.constant dense<0.000000e+00> : vector<16x128xf32>
    %dot_general3A_426 = tpu.matmul %div3A_414, %get3A_419, %dot_general3A_425 {dimension_numbers = #tpu.dot_dimension_numbers<[0], [0], [1], [1], [0, 1, 1, 1], [], []>, transpose_lhs_hint = false} : vector<68x16xf32>, vector<68x128xf32>, vector<16x128xf32> -> vector<16x128xf32>
    %swap3A_427 = arith.constant 6 : index
    %swap3A_428 = arith.constant 0 : index
    %swap3A_429 = arith.constant 0 : index
    %swap3A_430 = vector.load %arg4[%swap3A_427, %swap3A_428, %swap3A_429] : memref<7x16x128xf32, #tpu.memory_space<vmem>>, vector<1x16x128xf32>
    %swap3A_431 = vector.shape_cast %swap3A_430 : vector<1x16x128xf32> to vector<16x128xf32>
    %swap3A_432 = vector.shape_cast %dot_general3A_426 : vector<16x128xf32> to vector<1x16x128xf32>
    tpu.vector_store %arg4[%swap3A_427, %swap3A_428, %swap3A_429], %swap3A_432 {strides = array<i32>} : memref<7x16x128xf32, #tpu.memory_space<vmem>>, vector<1x16x128xf32>,
    %dot_general3A_433 = arith.constant dense<0.000000e+00> : vector<16x68xf32>
    %dot_general3A_434 = tpu.matmul %div3A_414, %get3A_424, %dot_general3A_433 {dimension_numbers = #tpu.dot_dimension_numbers<[0], [0], [1], [1], [0, 1, 1, 1], [], []>, transpose_lhs_hint = false} : vector<68x16xf32>, vector<68x68xf32>, vector<16x68xf32> -> vector<16x68xf32>
    %dot_general3A_435 = arith.constant dense<0.000000e+00> : vector<16x16xf32>
    %dot_general3A_436 = tpu.matmul %dot_general3A_434, %div3A_414, %dot_general3A_435 {dimension_numbers = #tpu.dot_dimension_numbers<[1], [0], [0], [1], [0, 0, 1, 1], [], []>, transpose_lhs_hint = false} : vector<16x68xf32>, vector<68x16xf32>, vector<16x16xf32> -> vector<16x16xf32>
    %swap3A_437 = arith.constant 6 : index
    %swap3A_438 = arith.constant 0 : index
    %swap3A_439 = arith.constant 0 : index
    %swap3A_440 = vector.load %arg5[%swap3A_437, %swap3A_438, %swap3A_439] : memref<7x16x16xf32, #tpu.memory_space<vmem>>, vector<1x16x16xf32>
    %swap3A_441 = vector.shape_cast %swap3A_440 : vector<1x16x16xf32> to vector<16x16xf32>
    %swap3A_442 = vector.shape_cast %dot_general3A_436 : vector<16x16xf32> to vector<1x16x16xf32>
    tpu.vector_store %arg5[%swap3A_437, %swap3A_438, %swap3A_439], %swap3A_442 {strides = array<i32>} : memref<7x16x16xf32, #tpu.memory_space<vmem>>, vector<1x16x16xf32>,
    %dot_general3A_443 = arith.constant dense<0.000000e+00> : vector<68x68xf32>
    %dot_general3A_444 = tpu.matmul %div3A_414, %div3A_414, %dot_general3A_443 {dimension_numbers = #tpu.dot_dimension_numbers<[1], [1], [0], [0], [0, 0, 1, 0], [], []>, transpose_lhs_hint = false} : vector<68x16xf32>, vector<68x16xf32>, vector<68x68xf32> -> vector<68x68xf32>
    %sub3A_445 = arith.subf %get3A_424, %dot_general3A_444 : vector<68x68xf32>
    %mul3A_446 = arith.mulf %sub3A_445, %sub3A_445 : vector<68x68xf32>
    %reduce_sum3A_447 = vector.shape_cast %mul3A_446 : vector<68x68xf32> to vector<1x68x68xf32>
    %reduce_sum3A_448 = arith.constant dense<0.000000e+00> : vector<1xf32>
    %reduce_sum3A_449 = vector.multi_reduction <add>, %reduce_sum3A_447, %reduce_sum3A_448 [1, 2] : vector<1x68x68xf32> to vector<1xf32>
    %reduce_sum3A_450 = vector.shape_cast %reduce_sum3A_449 : vector<1xf32> to vector<1x1x1xf32>
    %reduce_sum3A_451 = vector.extract %reduce_sum3A_450[0, 0, 0] : f32 from vector<1x1x1xf32>
    %add3A_452 = arith.addf %add3A_384, %reduce_sum3A_451 : f32
    %neg3A_453 = arith.constant 0.000000e+00 : f32
    %neg3A_454 = vector.broadcast %neg3A_453 : f32 to vector<68x16xf32>
    %neg3A_455 = arith.subf %neg3A_454, %div3A_414 : vector<68x16xf32>
    %add3A_456 = arith.constant 1.000000e-15 : f32
    %add3A_457 = vector.broadcast %add3A_456 : f32 to vector<68x16xf32>
    %add3A_458 = arith.addf %div3A_414, %add3A_457 : vector<68x16xf32>
    %log3A_459 = math.log %add3A_458 : vector<68x16xf32>
    %mul3A_460 = arith.mulf %neg3A_455, %log3A_459 : vector<68x16xf32>
    %reduce_sum3A_461 = vector.shape_cast %mul3A_460 : vector<68x16xf32> to vector<1x68x16xf32>
    %reduce_sum3A_462 = arith.constant dense<0.000000e+00> : vector<1xf32>
    %reduce_sum3A_463 = vector.multi_reduction <add>, %reduce_sum3A_461, %reduce_sum3A_462 [1, 2] : vector<1x68x16xf32> to vector<1xf32>
    %reduce_sum3A_464 = vector.shape_cast %reduce_sum3A_463 : vector<1xf32> to vector<1x1x1xf32>
    %reduce_sum3A_465 = vector.extract %reduce_sum3A_464[0, 0, 0] : f32 from vector<1x1x1xf32>
    %add3A_466 = arith.addf %add3A_398, %reduce_sum3A_465 : f32
    %get3A_467 = arith.constant 0 : index
    %get3A_468 = arith.constant 0 : index
    %get3A_469 = memref.load %arg6[%get3A_467, %get3A_468] : memref<1x2xf32, #tpu.memory_space<smem>>
    %add3A_470 = arith.addf %get3A_469, %add3A_452 : f32
    %swap3A_471 = arith.constant 0 : index
    %swap3A_472 = arith.constant 0 : index
    %swap3A_473 = memref.load %arg6[%swap3A_471, %swap3A_472] : memref<1x2xf32, #tpu.memory_space<smem>>
    memref.store %add3A_470, %arg6[%swap3A_471, %swap3A_472] : memref<1x2xf32, #tpu.memory_space<smem>>
    %get3A_474 = arith.constant 0 : index
    %get3A_475 = arith.constant 1 : index
    %get3A_476 = memref.load %arg6[%get3A_474, %get3A_475] : memref<1x2xf32, #tpu.memory_space<smem>>
    %add3A_477 = arith.addf %get3A_476, %add3A_466 : f32
    %swap3A_478 = arith.constant 0 : index
    %swap3A_479 = arith.constant 1 : index
    %swap3A_480 = memref.load %arg6[%swap3A_478, %swap3A_479] : memref<1x2xf32, #tpu.memory_space<smem>>
    memref.store %add3A_477, %arg6[%swap3A_478, %swap3A_479] : memref<1x2xf32, #tpu.memory_space<smem>>
    return
  }
  func.func @transform_0(%arg0: i32) -> (i32, i32, i32) {
    %c0_i32 = arith.constant 0 : i32
    %c0_i32_0 = arith.constant 0 : i32
    %c0_i32_1 = arith.constant 0 : i32
    return %arg0, %c0_i32, %c0_i32_0 : i32, i32, i32
  }
  func.func @transform_1(%arg0: i32) -> (i32, i32, i32) {
    %c0_i32 = arith.constant 0 : i32
    %c0_i32_0 = arith.constant 0 : i32
    %c0_i32_1 = arith.constant 0 : i32
    return %arg0, %c0_i32, %c0_i32_0 : i32, i32, i32
  }
  func.func @transform_2(%arg0: i32) -> (i32, i32, i32) {
    %c0_i32 = arith.constant 0 : i32
    %c0_i32_0 = arith.constant 0 : i32
    %c0_i32_1 = arith.constant 0 : i32
    return %arg0, %c0_i32, %c0_i32_0 : i32, i32, i32
  }
  func.func @transform_3(%arg0: i32) -> (i32, i32, i32) {
    %c0_i32 = arith.constant 0 : i32
    %c0_i32_0 = arith.constant 0 : i32
    %c0_i32_1 = arith.constant 0 : i32
    return %arg0, %c0_i32, %c0_i32_0 : i32, i32, i32
  }
  func.func @transform_4(%arg0: i32) -> (i32, i32, i32) {
    %c0_i32 = arith.constant 0 : i32
    %c0_i32_0 = arith.constant 0 : i32
    %c0_i32_1 = arith.constant 0 : i32
    return %arg0, %c0_i32, %c0_i32_0 : i32, i32, i32
  }
  func.func @transform_5(%arg0: i32) -> (i32, i32) {
    %c0_i32 = arith.constant 0 : i32
    %c0_i32_0 = arith.constant 0 : i32
    %c0_i32_1 = arith.constant 0 : i32
    return %c0_i32, %c0_i32_0 : i32, i32
  }
}

</mosaic_0001>

<sc_bundles>
// kernel: kernel.12.cloned.1.call-start
scs
__scs_entry_jumppad:
0x0: {  	(pc) =	sbr.rel $0x88, $3  }
0x1: {  	(tag) =	ssettag $0x0;
	lr =	simm.s32 $0x1  }
0x2: {  	[smem:$0x3F93] =	sst lr;
	_ =	strace $0xD0000000  }
0x3: {  	_ = 	snop  }
0x4: {  	_ = 	snop  }
0x5: {  	_ = 	snop  }
0x6: {  	_ = 	snop  }
0x7: {  	_ = 	snop  }
__scs_overlays_trampoline_lowered:
0x8: {  	[smem:$0x3FA2] =	sst s0  }
0x9: {  	[smem:$0x3FA3] =	sst s1  }
0xa: {  	[smem:$0x3FA4] =	sst s2  }
0xb: {  	[smem:$0x3FA5] =	sst s3  }
0xc: {  	[smem:$0x3FA6] =	sst s4  }
0xd: {  	[smem:$0x3FA7] =	sst s5  }
0xe: {  	[smem:$0x3FA8] =	sst s6  }
0xf: {  	[smem:$0x3FA9] =	sst s7  }
0x10: {  	[smem:$0x3FAA] =	sst s8  }
0x11: {  	[smem:$0x3FAB] =	sst s9;
	s0 =	simm.s32 @!p0 $0x0  }
0x12: {  	s1 =	sld [smem:$0x3F91];
	s0 =	simm.s32 @p0 $0x1  }
0x13: {  	[smem:$0x3FAC] =	sst s0;
	s0 =	simm.s32 @!p1 $0x0  }
0x14: {  	s2 =	sld [smem:$0x3F90];
	s0 =	simm.s32 @p1 $0x1  }
0x15: {  	[smem:$0x3FAD] =	sst s0;
	s0 =	simm.s32 @!p2 $0x0  }
0x16: {  	s3 =	sld [smem:$0x3FDB];
	s0 =	simm.s32 @p2 $0x1  }
0x17: {  	s4 =	simm.s32 $0x1BF5;
	[smem:$0x3FAF] =	sst s0  }
0x18: {  	s0 =	sld [smem:$0x3F92];
	_ =	swait.ge [sflag:s4], $0x0  }
0x19: {  	s7 =	sld [smem:$0x3F93]  }
0x1a: {  	s8 =	sadd.s32 $0xFFFFE003, lr  }
0x1b: {  	s9 =	sadd.s32 $0xFFFFFEF7, lr;
	s5 =	simm.s32 $0xFFFFFFFF;
	p2 =	slt.u32 s8, $0xFFFFF086  }
0x1c: {  	p1 =	slt.u32 s9, $0xF7A;
	s5 =	simm.s32 @!p2 $0x0  }
0x1d: {  	s5 =	simm.s32 @p1 $0x1;
	p0 =	seq.s32 s7, s2  }
0x1e: {  	s7 =	smul.u32 @!p0 $0xF7A, s2;
	p2 =	seq.s32 @!p0 s5, $0x0  }
0x1f: {  	s9 =	smul.u32 $0xF7A, s1;
	s8 =	simm.s32 @!p0 $0x1BF5;
	p2 =	por !p2, p0  }
0x20: {  	[sflag:s8] =	ssyncset.s32 @!p0 $0xFFFFF086;
	s6 =	sadd.s32 @!p0 s3, s7;
	s7 =	simm.s32 @!p0 $0x108  }
0x21: {  	s3 =	sadd.s32 s3, s9;
	s6 =	sadd.s32 @!p0 $0x88, s6;
	s7 =	simm.s32 @p2 $0x1082  }
0x22: {  	[simem:s7], [sflag:s8] =	dma.local @!p0 [hbm:s6], $0xF7A  }
0x23: {  	s9 =	sor.u32 $0xD0000000, s2;
	s6 =	simm.s32 $0x108;
	_ =	swait.ge @!p0 [sflag:s8], $0x0  }
0x24: {  	s3 =	sadd.s32 $0x88, s3;
	s6 =	simm.s32 @!p1 $0x1082;
	[sflag:s4] =	ssyncset.s32 $0xFFFFF086  }
0x25: {  	[simem:s6], [sflag:s4] =	dma.local [hbm:s3], $0xF7A  }
0x26: {  	[smem:$0x3F93] =	sst s1;
	(tag) =	ssettag s2;
	_ =	strace s9  }
0x27: {  	s1 =	sld [smem:$0x3FA3]  }
0x28: {  	s2 =	sld [smem:$0x3FA4]  }
0x29: {  	s4 =	sld [smem:$0x3FA6]  }
0x2a: {  	p0 =	seq.s32 s5, $0x0;
	s5 =	sld [smem:$0x3FA7]  }
0x2b: {  	s6 =	sld [smem:$0x3FA8]  }
0x2c: {  	s7 =	sld [smem:$0x3FA9]  }
0x2d: {  	s3 =	simm.s32 $0x108;
	s8 =	sld [smem:$0x3FAA]  }
0x2e: {  	s3 =	simm.s32 @!p0 $0x1082;
	s9 =	sld [smem:$0x3FAB]  }
0x2f: {  	lr =	sadd.s32 s0, s3;
	s0 =	sld [smem:$0x3FA2]  }
0x30: {  	s3 =	sld [smem:$0x3FA5]  }
0x31: {  	[smem:$0x3FAE] =	sst s10  }
0x32: {  	s10 =	sld [smem:$0x3FAC];
	_ =	sdelay $0x3  }
0x33: {  	p0 =	seq.s32 s10, $0x1;
	s10 =	sld [smem:$0x3FAE];
	_ =	sdelay $0x3  }
0x34: {  	[smem:$0x3FAE] =	sst s10  }
0x35: {  	s10 =	sld [smem:$0x3FAD];
	_ =	sdelay $0x3  }
0x36: {  	p1 =	seq.s32 s10, $0x1;
	s10 =	sld [smem:$0x3FAE];
	_ =	sdelay $0x3  }
0x37: {  	[smem:$0x3FAE] =	sst s10  }
0x38: {  	s10 =	sld [smem:$0x3FAF]  }
0x39: {  	_ = 	snop;
	(pc) =	sbr.ind lr, $3  }
0x3a: {  	_ = 	snop  }
0x3b: {  	_ = 	snop  }
0x3c: {  	p2 =	seq.s32 s10, $0x1;
	s10 =	sld [smem:$0x3FAE]  }
0x3d: {  	_ =	shalt  }
0x3e: {  	_ =	shalt  }
0x3f: {  	_ =	shalt  }
0x40: {  	_ =	shalt  }
0x41: {  	_ =	shalt  }
0x42: {  	_ =	shalt  }
0x43: {  	_ =	shalt  }
0x44: {  	_ =	shalt  }
0x45: {  	_ =	shalt  }
0x46: {  	_ =	shalt  }
0x47: {  	_ =	shalt  }
0x48: {  	_ =	shalt  }
0x49: {  	_ =	shalt  }
0x4a: {  	_ =	shalt  }
0x4b: {  	_ =	shalt  }
0x4c: {  	_ =	shalt  }
0x4d: {  	_ =	shalt  }
0x4e: {  	_ =	shalt  }
0x4f: {  	_ =	shalt  }
0x50: {  	_ =	shalt  }
0x51: {  	_ =	shalt  }
0x52: {  	_ =	shalt  }
0x53: {  	_ =	shalt  }
0x54: {  	_ =	shalt  }
0x55: {  	_ =	shalt  }
0x56: {  	_ =	shalt  }
0x57: {  	_ =	shalt  }
0x58: {  	_ =	shalt  }
0x59: {  	_ =	shalt  }
0x5a: {  	_ =	shalt  }
0x5b: {  	_ =	shalt  }
0x5c: {  	_ =	shalt  }
0x5d: {  	_ =	shalt  }
0x5e: {  	_ =	shalt  }
0x5f: {  	_ =	shalt  }
0x60: {  	_ =	shalt  }
0x61: {  	_ =	shalt  }
0x62: {  	_ =	shalt  }
0x63: {  	_ =	shalt  }
0x64: {  	_ =	shalt  }
0x65: {  	_ =	shalt  }
0x66: {  	_ =	shalt  }
0x67: {  	_ =	shalt  }
0x68: {  	_ =	shalt  }
0x69: {  	_ =	shalt  }
0x6a: {  	_ =	shalt  }
0x6b: {  	_ =	shalt  }
0x6c: {  	_ =	shalt  }
0x6d: {  	_ =	shalt  }
0x6e: {  	_ =	shalt  }
0x6f: {  	_ =	shalt  }
0x70: {  	_ =	shalt  }
0x71: {  	_ =	shalt  }
0x72: {  	_ =	shalt  }
0x73: {  	_ =	shalt  }
0x74: {  	_ =	shalt  }
0x75: {  	_ =	shalt  }
0x76: {  	_ =	shalt  }
0x77: {  	_ =	shalt  }
0x78: {  	_ =	shalt  }
0x79: {  	_ =	shalt  }
0x7a: {  	_ =	shalt  }
0x7b: {  	_ =	shalt  }
0x7c: {  	_ =	shalt  }
0x7d: {  	_ =	shalt  }
0x7e: {  	_ =	shalt  }
0x7f: {  	_ =	shalt  }
0x80: {  	_ =	shalt  }
0x81: {  	_ =	shalt  }
0x82: {  	_ =	shalt  }
0x83: {  	_ =	shalt  }
0x84: {  	_ =	shalt  }
0x85: {  	_ =	shalt  }
0x86: {  	_ =	shalt  }
0x87: {  	_ =	shalt  }
.Lfunc_end0:
.L_simem_size_0:
called_computation.1_lowered:
.L_overlay_start_0:
0x88: {  	s2 =	sld [smem:$0x3FD9]  }
0x89: {  	s3 =	sld [smem:$0x3FFE];
	_ =	sdelay $0x1  }
0x8a: {  	s1 =	srdreg.scid  }
0x8b: {  	s0 =	sand.u32 $0x1, s1  }
0x8c: {  	s16 =	sshll.u32 s0, $0xA;
	s2 =	sadd.s32 s3, s2  }
0x8d: {  	s2 =	sadd.s32 s2, s16  }
0x8e: {  	[smem:$0x3FBA] =	sst s2  }
0x8f: {  	_ = 	snop  }
0x90: {  	(tm) =	ssettm $0x1  }
0x91: {  	s17 =	sld [smem:$0x3FFB];
	_ =	sdelay $0x3  }
0x92: {  	_ =	strace s17  }
0x93: {  	s2 =	sld [smem:$0x3FFC];
	_ =	sdelay $0x3  }
0x94: {  	_ =	strace s2  }
0x95: {  	s2 =	sld [smem:$0x3FFD];
	_ =	sdelay $0x3  }
0x96: {  	_ =	strace s2  }
0x97: {  	_ =	strace $0x8FFFFFFF  }
0x98: {  	s18 =	sld [smem:$0x3FDB];
	_ =	sdelay $0x1  }
0x99: {  	s19 =	simm.s32 $_scs_section_size  }
0x9a: {  	s4 =	simm.s32 $_size__tile_overlayer_lowered;
	s5 =	simm.s32 $_tile_overlayer_lowered  }
0x9b: {  	s22 =	simm.s32 $0x1BFF;
	s21 =	sshll.u32 s5, $0x1;
	s2 =	sadd.s32 s19, s18  }
0x9c: {  	s6 =	simm.s32 $0x0;
	s20 =	sshll.u32 s4, $0x1;
	s4 =	sadd.s32 s21, s2  }
0x9d: {  	[timem:s6], [sflag:s22] =	dma.local [hbm:s4], s20  }
0x9e: {  	_ =	swait.ge [sflag:s22], s20  }
0x9f: {  	s3 =	ssub.s32 $0x0, s20;
	[sflag:s22] =	ssyncset.done $0x0  }
0xa0: {  	[sflag:s22] =	ssyncadd.s32 s3;
	_ =	sdelay $0x1  }
0xa1: {  	s23 =	simm.s32 $0x1B8B  }
0xa2: {  	_ =	swait.ge [sflag:s23], $0x1  }
0xa3: {  	[sflag:s23] =	ssyncset.done $0x0  }
0xa4: {  	s25 =	simm.s32 $0x1B8E;
	s24 =	sld [smem:$0x3FFE];
	[sflag:s23] =	ssyncadd.s32 $0xFFFFFFFF  }
0xa5: {  	s26 =	simm.s32 $execute0_lowered;
	[smem:$0x3FD2] =	sst s25  }
0xa6: {  	s4 =	sshll.u32 s26, $0x1;
	_ =	strace $0x80000049;
	[dreg:$0x1] =	wrdreg $0xFFFFFFFF  }
0xa7: {  	s28 =	simm.s32 $_size_execute0_lowered;
	s2 =	sadd.s32 s2, s4;
	[dreg:$0x0] =	wrdreg $0x0  }
0xa8: {  	s4 =	sshll.u32 s28, $0x1;
	[dreg:$0x2] =	wrdreg s2  }
0xa9: {  	[dreg:$0x3] =	wrdreg s4  }
0xaa: {  	[dreg:$0x4] =	wrdreg $0xC0  }
0xab: {  	_ =	task [dreg:s6], $0x5FFFF  }
0xac: {  	[dreg:$0x1] =	wrdreg $0xFFFFFFFF  }
0xad: {  	[dreg:$0x0] =	wrdreg $0x60  }
0xae: {  	[dreg:$0x2] =	wrdreg s24  }
0xaf: {  	[dreg:$0x3] =	wrdreg $0x14F000  }
0xb0: {  	[dreg:$0x4] =	wrdreg $0xAF000  }
0xb1: {  	[dreg:$0x5] =	wrdreg $0x9  }
0xb2: {  	_ =	task.clear_ibuf [dreg:s6], $0x6FFFF;
	_ =	strace $0x90000049  }
0xb3: {  	s29 =	simm.s32 $0x9;
	_ =	strace $0x8000004B  }
0xb4: {  	_ =	swait.ge [sflag:s29], $0x1  }
0xb5: {  	[sflag:s29] =	ssyncadd.s32 $0xFFFFFFFF  }
0xb6: {  	_ =	strace $0x9000004B  }
0xb7: {  	_ =	sfence  }
0xb8: {  	s30 =	sld [smem:$0x0];
	_ =	sdelay $0x2  }
0xb9: {  	s31 =	sshll.u32 s1, $0xD;
	s1 =	sshrl.u32 s1, $0x2  }
0xba: {  	s3 =	sand.u32 $0x4000, s31;
	s1 =	sadd.s32 s1, s30  }
0xbb: {  	s0 =	sor.u32 s3, s0;
	s1 =	sshll.u32 s1, $0x11  }
0xbc: {  	s0 =	sor.u32 s1, s0  }
0xbd: {  	s0 =	sadd.s32 $0x8F2B, s0  }
0xbe: {  	[sflag:s0] =	ssyncadd.remote.s32 $0x1  }
0xbf: {  	_ =	sfence.sel $0xFFFF  }
0xc0: {  	[dreg:$0x0] =	wrdreg $0xFFFFFFFF;
	(pc) =	sbr.abs _section_cstart, $3  }
0xc1: {  	[dreg:$0x1] =	wrdreg $0xFFFFFFFF  }
0xc2: {  	_ =	task.clear_ibuf [dreg:s6], $0x2FFFF;
	_ =	strace $0x9FFFFFFF  }
0xc3: {  	(tm) =	ssettm $0x7FFFFFFF  }
tec
execute0_lowered:
.L_overlay_start_1:
0x0: {  	(tag) =	ssettag $0x1  }
0x1: {  	s5 =	rddreg [dreg:$0x0]  }
0x2: {  	s2 =	rddreg [dreg:$0x1]  }
0x3: {  	s3 =	rddreg [dreg:$0x2]  }
0x4: {  	s0 =	stileid.u32;
	s6 =	srdreg.scid;
	s4 =	simm.s32 $0x0  }
0x5: {  	s17 =	simm.s32 $0x4F00;
	s18 =	simm.s32 $0x6F00;
	s19 =	simm.s32 $0x1  }
0x6: {  	s20 =	simm.s32 $0x2;
	s21 =	simm.s32 $0x4E00;
	s22 =	simm.s32 $0x8F00  }
0x7: {  	s23 =	simm.s32 $0x4E80;
	s24 =	simm.s32 $0x0;
	s7 =	smul.u32 $0xA000, s0  }
0x8: {  	s6 =	sand.u32 $0x1, s6;
	[smem:$0x7FF] =	sst s4;
	s29 =	smul.u32 $0x4F00, s0  }
0x9: {  	s10 =	sadd.s32 $0xCA00, s5;
	s11 =	sadd.s32 $0x2C00, s5;
	s30 =	smul.u32 $0x9E0, s0  }
0xa: {  	s28 =	sshll.u32 s0, $0x6;
	s8 =	smul.u32 $0xA0000, s6;
	s6 =	ssub.s32 $0x2, s6  }
0xb: {  	_ =	strace $0x8000004A;
	s9 =	sshrl.u32 s7, $0x3;
	s12 =	sshrl.u32 s6, $0x1  }
0xc: {  	s15 =	sadd.s32 s7, s2;
	s16 =	sadd.s32 s7, s3;
	s31 =	sshrl.u32 s29, $0x3  }
0xd: {  	s8 =	sadd.s32 s7, s8;
	s9 =	sadd.s32 s9, s5;
	s14 =	ssub.s32 s6, s12  }
0xe: {  	s6 =	sor.u32 $0x1C02, s28;
	s12 =	sadd.s32 $0x4F0, s31;
	s8 =	sshrl.u32 s8, $0x3  }
0xf: {  	s13 =	sadd.s32 s8, s5;
	s5 =	sadd.s32 $0x8E800, s9;
	s8 =	sadd.s32 s10, s30  }
0x10: {  	s9 =	sadd.s32 s11, s30;
	s10 =	sadd.s32 s10, s12;
	s11 =	sadd.s32 s11, s12  }
0x11: {  	s7 =	sadd.s32 $0x66800, s13;
	s12 =	sadd.s32 $0xA2800, s13;
	s13 =	smax.u32 s14, $0x1  }
0x12: {  	s14 =	sshrl.u32 s15, $0x3;
	s15 =	sshrl.u32 s16, $0x3;
	s16 =	simm.s32 $0x80  }
.LBB2_1:
0x13: {  	[spmem:s14], [sflag:s6] =	dma.local [hbm:s5], $0x1400  }
0x14: {  	_ =	swait.ge [sflag:s20], $0x1400  }
0x15: {  	[sflag:s20] =	ssyncset.done $0x0  }
0x16: {  	[sflag:s20] =	ssyncadd.s32 $0xFFFFEC00  }
0x17: {  	[spmem:s15], [sflag:s6] =	dma.local [hbm:s7], $0x1400  }
0x18: {  	_ =	swait.ge [sflag:s20], $0x1400  }
0x19: {  	[sflag:s20] =	ssyncset.done $0x0  }
0x1a: {  	[sflag:s20] =	ssyncadd.s32 $0xFFFFEC00  }
0x1b: {  	s25 =	simm.s32 $0x2780;
	s26 =	smul.u32 $0xAB, s20;
	[bflag:$0x0] =	sbarrier.arrive $0xFFFF  }
0x1c: {  	[tilespmem:s4], [sflag:$0x2] =	stream.linear.gather [hbm4b:s8+s4], $0x2780, $0x38;
	[tilespmem:$0x1EF00] =	vst v63  }
0x1d: {  	s28 =	sadd.s32 $0xFFFFFEAA, s26;
	s26 =	sshrl.u32 s26, $0x9;
	_ =	swait.ge [sflag:s20], $0x2780  }
0x1e: {  	s28 =	sshrl.u32 s28, $0x9;
	s26 =	sand.u32 $0x7F, s26;
	[sflag:s20] =	ssyncset.done $0x0  }
0x1f: {  	s28 =	sand.u32 $0x7F, s28;
	s26 =	smul.u32 $0x3, s26;
	[sflag:s20] =	ssyncadd.s32 $0xFFFFD880  }
0x20: {  	[tilespmem:s25], [sflag:$0x2] =	stream.linear.gather [hbm4b:s9+s4], $0x2780, $0x38;
	[tilespmem:$0x1EF00] =	vst v63  }
0x21: {  	s28 =	smul.u32 $0x3, s28;
	_ =	swait.ge [sflag:s20], $0x2780  }
0x22: {  	[sflag:s20] =	ssyncset.done $0x0  }
0x23: {  	s26 =	ssub.s32 $0x2, s26;
	s28 =	ssub.s32 $0x2, s28;
	[sflag:s20] =	ssyncadd.s32 $0xFFFFD880  }
0x24: {  	[tilespmem:s17], [sflag:$0x1] =	stream.indirect.gather [spmem:s3], $0x40, s4, s16, $0xb8;
	[tilespmem:$0x1EF00] =	vst v63  }
0x25: {  	s29 =	simm.s32 $0x100;
	s26 =	sand.u32 $0xFF, s26;
	s28 =	sadd.s32 $0xFFFFFFFE, s28  }
0x26: {  	[tilespmem:s18], [sflag:$0x1] =	stream.indirect.gather [spmem:s3], $0x40, s16, s16, $0xb8;
	[tilespmem:$0x1EF00] =	vst v63  }
0x27: {  	s26 =	sshll.u32 s26, $0xD;
	s28 =	sand.u32 $0xFF, s28;
	_ =	swait.ge [sflag:s19], $0x2000  }
0x28: {  	s26 =	sadd.s32 $0x4F00, s26;
	s28 =	sshll.u32 s28, $0xD;
	[sflag:s19] =	ssyncset.done $0x0  }
0x29: {  	s31 =	sadd.s32 $0x4F00, s28;
	s28 =	simm.s32 $0x3;
	[sflag:s19] =	ssyncadd.s32 $0xFFFFE000  }
0x2a: {  	[tilespmem:s26], [sflag:$0x1] =	stream.indirect.gather [spmem:s3], $0x40, s29, s16, $0xb8;
	[tilespmem:$0x1EF00] =	vst v63  }
0x2b: {  	s30 =	smul.u32 $0xAB, s28  }
0x2c: {  	[spmem:s2] =	stream.indirect.scatter.add.f32 [tilespmem:s31], [sflag:$0x2], $0x40, s25, s16, $0xb8;
	[tilespmem:$0x1EF00] =	vst v63  }
0x2d: {  	s29 =	simm.s32 $0x4;
	s26 =	simm.s32 $0x180;
	s25 =	simm.s32 $0x2800  }
.LBB2_2:
0x2e: {  	s31 =	sadd.s32 $0xFFFFFEAA, s30;
	s30 =	sshrl.u32 s30, $0x9  }
0x2f: {  	_ =	swait.ge [sflag:s20], $0x2000;
	s0 =	smov.u32 s29;
	s1 =	smov.u32 s25  }
0x30: {  	s31 =	sshrl.u32 s31, $0x9;
	s30 =	sand.u32 $0x7F, s30;
	[sflag:s20] =	ssyncset.done $0x0  }
0x31: {  	s31 =	sand.u32 $0x7F, s31;
	s30 =	smul.u32 $0x3, s30;
	[sflag:s20] =	ssyncadd.s32 $0xFFFFE000  }
0x32: {  	p0 =	sne.s32 s29, $0x4E;
	s29 =	sadd.s32 $0x1, s29;
	s31 =	smul.u32 $0x3, s31  }
0x33: {  	s30 =	ssub.s32 s28, s30  }
0x34: {  	s31 =	ssub.s32 s28, s31;
	s30 =	sand.u32 $0xFF, s30;
	s28 =	smov.u32 s0  }
0x35: {  	s0 =	sadd.s32 $0xFFFFFFFE, s31;
	_ =	swait.ge [sflag:s19], $0x2000;
	s30 =	sshll.u32 s30, $0xD  }
0x36: {  	s0 =	sand.u32 $0xFF, s0;
	[sflag:s19] =	ssyncset.done $0x0;
	s30 =	sadd.s32 $0x4F00, s30  }
.Ltmp0:
0x37: {  	s0 =	sshll.u32 s0, $0xD;
	[sflag:s19] =	ssyncadd.s32 $0xFFFFE000;
	(pc) =	sbr.rel @p0 .LBB2_2-.Ltmp0, $4  }
0x38: {  	s0 =	sadd.s32 $0x4F00, s0  }
0x39: {  	[tilespmem:s30], [sflag:$0x1] =	stream.indirect.gather [spmem:s3], $0x40, s26, s16, $0xb8;
	[tilespmem:$0x1EF00] =	vst v63  }
0x3a: {  	s25 =	sadd.s32 $0x80, s25;
	s30 =	smul.u32 $0xAB, s28;
	s26 =	sadd.s32 $0x80, s26  }
0x3b: {  	[spmem:s2] =	stream.indirect.scatter.add.f32 [tilespmem:s0], [sflag:$0x2], $0x40, s1, s16, $0xb8;
	[tilespmem:$0x1EF00] =	vst v63  }
0x3c: {  	s0 =	sadd.s32 $0xFFFFFEAA, s30;
	s1 =	sshrl.u32 s30, $0x9  }
0x3d: {  	s0 =	sshrl.u32 s0, $0x9;
	s1 =	sand.u32 $0x7F, s1  }
0x3e: {  	s0 =	sand.u32 $0x7F, s0;
	s1 =	smul.u32 $0x3, s1  }
0x3f: {  	_ =	swait.ge [sflag:s20], $0x2000;
	s0 =	smul.u32 $0x3, s0  }
0x40: {  	[sflag:s20] =	ssyncset.done $0x0  }
0x41: {  	[sflag:s20] =	ssyncadd.s32 $0xFFFFE000;
	s1 =	ssub.s32 s28, s1;
	s0 =	ssub.s32 s28, s0  }
0x42: {  	_ =	swait.ge [sflag:s19], $0x2000;
	s1 =	sand.u32 $0xFF, s1;
	s0 =	sadd.s32 $0xFFFFFFFE, s0  }
0x43: {  	[sflag:s19] =	ssyncset.done $0x0;
	s1 =	sshll.u32 s1, $0xD;
	s0 =	sand.u32 $0xFF, s0  }
0x44: {  	[sflag:s19] =	ssyncadd.s32 $0xFFFFE000;
	s1 =	sadd.s32 $0x4F00, s1;
	s0 =	sshll.u32 s0, $0xD  }
0x45: {  	[tilespmem:s1], [sflag:$0x1] =	stream.indirect.gather [spmem:s3], $0x40, s26, s16, $0xb8;
	[tilespmem:$0x1EF00] =	vst v63  }
0x46: {  	s0 =	sadd.s32 $0x4F00, s0  }
0x47: {  	[spmem:s2] =	stream.indirect.scatter.add.f32 [tilespmem:s0], [sflag:$0x2], $0x40, s25, s16, $0xb8;
	[tilespmem:$0x1EF00] =	vst v63  }
0x48: {  	_ =	swait.ge [sflag:s20], $0x2000  }
0x49: {  	[sflag:s20] =	ssyncset.done $0x0  }
0x4a: {  	[sflag:s20] =	ssyncadd.s32 $0xFFFFE000  }
0x4b: {  	_ =	swait.ge [sflag:s19], $0x2000  }
0x4c: {  	[sflag:s19] =	ssyncset.done $0x0  }
0x4d: {  	s25 =	simm.s32 $0x2;
	[sflag:s19] =	ssyncadd.s32 $0xFFFFE000  }
0x4e: {  	[spmem:s2] =	stream.indirect.scatter.add.f32 [tilespmem:s22], [sflag:$0x2], $0x40, s21, s16, $0xb8;
	[tilespmem:$0x1EF00] =	vst v63  }
0x4f: {  	_ =	swait.ge [sflag:s25], $0x2000  }
0x50: {  	[sflag:s25] =	ssyncset.done $0x0  }
0x51: {  	[sflag:s25] =	ssyncadd.s32 $0xFFFFE000  }
0x52: {  	_ =	swait.ge [sflag:s19], $0x2000  }
0x53: {  	[sflag:s19] =	ssyncset.done $0x0  }
0x54: {  	[sflag:s19] =	ssyncadd.s32 $0xFFFFE000  }
0x55: {  	[spmem:s2] =	stream.indirect.scatter.add.f32 [tilespmem:s17], [sflag:$0x2], $0x40, s23, s16, $0xb8;
	[tilespmem:$0x1EF00] =	vst v63  }
0x56: {  	_ =	swait.ge [sflag:s25], $0x2000  }
0x57: {  	[sflag:s25] =	ssyncset.done $0x0  }
0x58: {  	[sflag:s25] =	ssyncadd.s32 $0xFFFFE000  }
0x59: {  	[tilespmem:s4], [sflag:$0x2] =	stream.linear.gather [hbm4b:s10+s4], $0x2780, $0x38;
	[tilespmem:$0x1EF00] =	vst v63  }
0x5a: {  	_ =	swait.ge [sflag:s25], $0x2780  }
0x5b: {  	[sflag:s25] =	ssyncset.done $0x0  }
0x5c: {  	s1 =	simm.s32 $0x2780;
	s0 =	smul.u32 $0xAB, s25;
	[sflag:s25] =	ssyncadd.s32 $0xFFFFD880  }
0x5d: {  	[tilespmem:s1], [sflag:$0x2] =	stream.linear.gather [hbm4b:s11+s4], $0x2780, $0x38;
	[tilespmem:$0x1EF00] =	vst v63  }
0x5e: {  	_ =	swait.ge [sflag:s25], $0x2780  }
0x5f: {  	s26 =	sadd.s32 $0xFFFFFEAA, s0;
	s0 =	sshrl.u32 s0, $0x9;
	[sflag:s25] =	ssyncset.done $0x0  }
0x60: {  	s0 =	sand.u32 $0x7F, s0;
	[sflag:s25] =	ssyncadd.s32 $0xFFFFD880;
	s25 =	sshrl.u32 s26, $0x9  }
0x61: {  	[tilespmem:s17], [sflag:$0x1] =	stream.indirect.gather [spmem:s3], $0x40, s4, s16, $0xb8;
	[tilespmem:$0x1EF00] =	vst v63  }
0x62: {  	s31 =	simm.s32 $0x100;
	s0 =	smul.u32 $0x3, s0;
	s25 =	sand.u32 $0x7F, s25  }
0x63: {  	s29 =	simm.s32 $0x4;
	s28 =	simm.s32 $0x3;
	s25 =	smul.u32 $0x3, s25  }
0x64: {  	[tilespmem:s18], [sflag:$0x1] =	stream.indirect.gather [spmem:s3], $0x40, s16, s16, $0xb8;
	[tilespmem:$0x1EF00] =	vst v63  }
0x65: {  	s30 =	smul.u32 $0xAB, s28;
	s0 =	ssub.s32 $0x2, s0;
	s25 =	ssub.s32 $0x2, s25  }
0x66: {  	s0 =	sand.u32 $0xFF, s0;
	_ =	swait.ge [sflag:s19], $0x2000;
	s25 =	sadd.s32 $0xFFFFFFFE, s25  }
0x67: {  	s0 =	sshll.u32 s0, $0xD;
	[sflag:s19] =	ssyncset.done $0x0;
	s25 =	sand.u32 $0xFF, s25  }
0x68: {  	s0 =	sadd.s32 $0x4F00, s0;
	[sflag:s19] =	ssyncadd.s32 $0xFFFFE000;
	s25 =	sshll.u32 s25, $0xD  }
0x69: {  	[tilespmem:s0], [sflag:$0x1] =	stream.indirect.gather [spmem:s3], $0x40, s31, s16, $0xb8;
	[tilespmem:$0x1EF00] =	vst v63  }
0x6a: {  	s26 =	simm.s32 $0x180;
	s31 =	sadd.s32 $0x4F00, s25;
	s25 =	simm.s32 $0x2800  }
0x6b: {  	[spmem:s2] =	stream.indirect.scatter.add.f32 [tilespmem:s31], [sflag:$0x2], $0x40, s1, s16, $0xb8;
	[tilespmem:$0x1EF00] =	vst v63  }
.LBB2_4:
0x6c: {  	s0 =	sadd.s32 $0xFFFFFEAA, s30;
	s1 =	sshrl.u32 s30, $0x9  }
0x6d: {  	_ =	swait.ge [sflag:s20], $0x2000;
	s30 =	smov.u32 s29;
	s31 =	smov.u32 s25  }
0x6e: {  	s0 =	sshrl.u32 s0, $0x9;
	s1 =	sand.u32 $0x7F, s1;
	[sflag:s20] =	ssyncset.done $0x0  }
0x6f: {  	s0 =	sand.u32 $0x7F, s0;
	s1 =	smul.u32 $0x3, s1;
	[sflag:s20] =	ssyncadd.s32 $0xFFFFE000  }
0x70: {  	p0 =	sne.s32 s29, $0x4E;
	s29 =	sadd.s32 $0x1, s29;
	s0 =	smul.u32 $0x3, s0  }
0x71: {  	s1 =	ssub.s32 s28, s1  }
0x72: {  	s0 =	ssub.s32 s28, s0;
	s1 =	sand.u32 $0xFF, s1;
	s28 =	smov.u32 s30  }
0x73: {  	s0 =	sadd.s32 $0xFFFFFFFE, s0;
	_ =	swait.ge [sflag:s19], $0x2000;
	s1 =	sshll.u32 s1, $0xD  }
0x74: {  	s0 =	sand.u32 $0xFF, s0;
	[sflag:s19] =	ssyncset.done $0x0;
	s1 =	sadd.s32 $0x4F00, s1  }
.Ltmp1:
0x75: {  	s0 =	sshll.u32 s0, $0xD;
	[sflag:s19] =	ssyncadd.s32 $0xFFFFE000;
	(pc) =	sbr.rel @p0 .LBB2_4-.Ltmp1, $4  }
0x76: {  	s0 =	sadd.s32 $0x4F00, s0  }
0x77: {  	[tilespmem:s1], [sflag:$0x1] =	stream.indirect.gather [spmem:s3], $0x40, s26, s16, $0xb8;
	[tilespmem:$0x1EF00] =	vst v63  }
0x78: {  	s25 =	sadd.s32 $0x80, s25;
	s30 =	smul.u32 $0xAB, s28;
	s26 =	sadd.s32 $0x80, s26  }
0x79: {  	[spmem:s2] =	stream.indirect.scatter.add.f32 [tilespmem:s0], [sflag:$0x2], $0x40, s31, s16, $0xb8;
	[tilespmem:$0x1EF00] =	vst v63  }
0x7a: {  	s0 =	sadd.s32 $0xFFFFFEAA, s30;
	s1 =	sshrl.u32 s30, $0x9  }
0x7b: {  	s0 =	sshrl.u32 s0, $0x9;
	s1 =	sand.u32 $0x7F, s1  }
0x7c: {  	s0 =	sand.u32 $0x7F, s0;
	s1 =	smul.u32 $0x3, s1  }
0x7d: {  	_ =	swait.ge [sflag:s20], $0x2000;
	s0 =	smul.u32 $0x3, s0  }
0x7e: {  	[sflag:s20] =	ssyncset.done $0x0  }
0x7f: {  	[sflag:s20] =	ssyncadd.s32 $0xFFFFE000;
	s1 =	ssub.s32 s28, s1;
	s0 =	ssub.s32 s28, s0  }
0x80: {  	_ =	swait.ge [sflag:s19], $0x2000;
	s1 =	sand.u32 $0xFF, s1;
	s0 =	sadd.s32 $0xFFFFFFFE, s0  }
0x81: {  	[sflag:s19] =	ssyncset.done $0x0;
	s1 =	sshll.u32 s1, $0xD;
	s0 =	sand.u32 $0xFF, s0  }
0x82: {  	[sflag:s19] =	ssyncadd.s32 $0xFFFFE000;
	s1 =	sadd.s32 $0x4F00, s1;
	s0 =	sshll.u32 s0, $0xD  }
0x83: {  	[tilespmem:s1], [sflag:$0x1] =	stream.indirect.gather [spmem:s3], $0x40, s26, s16, $0xb8;
	[tilespmem:$0x1EF00] =	vst v63  }
0x84: {  	s0 =	sadd.s32 $0x4F00, s0  }
0x85: {  	[spmem:s2] =	stream.indirect.scatter.add.f32 [tilespmem:s0], [sflag:$0x2], $0x40, s25, s16, $0xb8;
	[tilespmem:$0x1EF00] =	vst v63  }
0x86: {  	_ =	swait.ge [sflag:s20], $0x2000  }
0x87: {  	[sflag:s20] =	ssyncset.done $0x0  }
0x88: {  	[sflag:s20] =	ssyncadd.s32 $0xFFFFE000  }
0x89: {  	_ =	swait.ge [sflag:s19], $0x2000  }
0x8a: {  	[sflag:s19] =	ssyncset.done $0x0  }
0x8b: {  	[sflag:s19] =	ssyncadd.s32 $0xFFFFE000  }
0x8c: {  	[spmem:s2] =	stream.indirect.scatter.add.f32 [tilespmem:s22], [sflag:$0x2], $0x40, s21, s16, $0xb8;
	[tilespmem:$0x1EF00] =	vst v63  }
0x8d: {  	_ =	swait.ge [sflag:s20], $0x2000  }
0x8e: {  	[sflag:s20] =	ssyncset.done $0x0  }
0x8f: {  	[sflag:s20] =	ssyncadd.s32 $0xFFFFE000  }
0x90: {  	_ =	swait.ge [sflag:s19], $0x2000  }
0x91: {  	[sflag:s19] =	ssyncset.done $0x0  }
0x92: {  	[sflag:s19] =	ssyncadd.s32 $0xFFFFE000  }
0x93: {  	[spmem:s2] =	stream.indirect.scatter.add.f32 [tilespmem:s17], [sflag:$0x2], $0x40, s23, s16, $0xb8;
	[tilespmem:$0x1EF00] =	vst v63  }
0x94: {  	_ =	swait.ge [sflag:s20], $0x2000  }
0x95: {  	s24 =	sadd.s32 $0x1, s24;
	[sflag:s20] =	ssyncset.done $0x0  }
0x96: {  	p0 =	sne.s32 s24, s13;
	[sflag:s20] =	ssyncadd.s32 $0xFFFFE000  }
.Ltmp2:
0x97: {  	[bflag:$0x0] =	sbarrier.arrive $0xFFFF;
	(pc) =	sbr.rel @p0 .LBB2_1-.Ltmp2, $4  }
0x98: {  	[hbm:s12], [sflag:s6] =	dma.local [spmem:s14], $0x1400  }
0x99: {  	_ =	swait.ge [sflag:s20], $0x1400  }
0x9a: {  	[sflag:s20] =	ssyncset.done $0x0  }
0x9b: {  	[sflag:s20] =	ssyncadd.s32 $0xFFFFEC00  }
0x9c: {  	_ =	sfence.sel $0x180000  }
0x9d: {  	[bflag:$0x0] =	sbarrier.arrive $0xFFFF  }
0x9e: {  	_ =	strace $0x9000004A  }
0x9f: {  	s0 =	stileid.u32;
	[bflag:$0x2] =	sbarrier.arrive $0xFFFF  }
0xa0: {  	p0 =	sne.s32 s0, $0x0;
	s0 =	rddreg [dreg:$0x3]  }
0xa1: {  	s0 =	sadd.s32 @!p0 $0x100000, s0  }
0xa2: {  	[sflag:s0] =	ssyncadd.tile.s32 @!p0 $0x1;
	_ =	shalt  }
.Lfunc_end2:
_tile_overlayer_lowered:
.L_overlay_start_2:
0xa3: {  	(tag) =	ssettag $0x2  }
0xa4: {  	s0 =	rddreg [dreg:$0x0];
	s2 =	stileid.u32  }
0xa5: {  	s1 =	rddreg [dreg:$0x1];
	p0 =	sne.s32 s2, $0x0  }
0xa6: {  	s3 =	rddreg [dreg:$0x2];
	[bflag:$0x3] =	sbarrier.arrive $0xFFFF;
	s2 =	simm.s32 @!p0 $0x1C02  }
0xa7: {  	[timem:s3], [sflag:s2] =	dma.local @!p0 [hbm:s0], s1  }
0xa8: {  	s0 =	simm.s32 @!p0 $0x2  }
0xa9: {  	_ =	swait.ge @!p0 [sflag:s0], s1  }
0xaa: {  	s1 =	ssub.s32 @!p0 $0x0, s1;
	[sflag:s0] =	ssyncset.done @!p0 $0x0  }
0xab: {  	[sflag:s0] =	ssyncadd.s32 @!p0 s1  }
0xac: {  	[bflag:$0x3] =	sbarrier.arrive $0xFFFF  }
0xad: {  	_ =	shalt  }

// kernel: kernel.15.cloned.1.call-start
scs
__scs_entry_jumppad:
0x0: {  	(pc) =	sbr.rel $0x88, $3  }
0x1: {  	(tag) =	ssettag $0x0;
	lr =	simm.s32 $0x1  }
0x2: {  	[smem:$0x3F93] =	sst lr;
	_ =	strace $0xD0000000  }
0x3: {  	_ = 	snop  }
0x4: {  	_ = 	snop  }
0x5: {  	_ = 	snop  }
0x6: {  	_ = 	snop  }
0x7: {  	_ = 	snop  }
__scs_overlays_trampoline_lowered:
0x8: {  	[smem:$0x3FA2] =	sst s0  }
0x9: {  	[smem:$0x3FA3] =	sst s1  }
0xa: {  	[smem:$0x3FA4] =	sst s2  }
0xb: {  	[smem:$0x3FA5] =	sst s3  }
0xc: {  	[smem:$0x3FA6] =	sst s4  }
0xd: {  	[smem:$0x3FA7] =	sst s5  }
0xe: {  	[smem:$0x3FA8] =	sst s6  }
0xf: {  	[smem:$0x3FA9] =	sst s7  }
0x10: {  	[smem:$0x3FAA] =	sst s8  }
0x11: {  	[smem:$0x3FAB] =	sst s9;
	s0 =	simm.s32 @!p0 $0x0  }
0x12: {  	s1 =	sld [smem:$0x3F91];
	s0 =	simm.s32 @p0 $0x1  }
0x13: {  	[smem:$0x3FAC] =	sst s0;
	s0 =	simm.s32 @!p1 $0x0  }
0x14: {  	s2 =	sld [smem:$0x3F90];
	s0 =	simm.s32 @p1 $0x1  }
0x15: {  	[smem:$0x3FAD] =	sst s0;
	s0 =	simm.s32 @!p2 $0x0  }
0x16: {  	s3 =	sld [smem:$0x3FDB];
	s0 =	simm.s32 @p2 $0x1  }
0x17: {  	s4 =	simm.s32 $0x1BF5;
	[smem:$0x3FAF] =	sst s0  }
0x18: {  	s0 =	sld [smem:$0x3F92];
	_ =	swait.ge [sflag:s4], $0x0  }
0x19: {  	s7 =	sld [smem:$0x3F93]  }
0x1a: {  	s8 =	sadd.s32 $0xFFFFE003, lr  }
0x1b: {  	s9 =	sadd.s32 $0xFFFFFEF7, lr;
	s5 =	simm.s32 $0xFFFFFFFF;
	p2 =	slt.u32 s8, $0xFFFFF086  }
0x1c: {  	p1 =	slt.u32 s9, $0xF7A;
	s5 =	simm.s32 @!p2 $0x0  }
0x1d: {  	s5 =	simm.s32 @p1 $0x1;
	p0 =	seq.s32 s7, s2  }
0x1e: {  	s7 =	smul.u32 @!p0 $0xF7A, s2;
	p2 =	seq.s32 @!p0 s5, $0x0  }
0x1f: {  	s9 =	smul.u32 $0xF7A, s1;
	s8 =	simm.s32 @!p0 $0x1BF5;
	p2 =	por !p2, p0  }
0x20: {  	[sflag:s8] =	ssyncset.s32 @!p0 $0xFFFFF086;
	s6 =	sadd.s32 @!p0 s3, s7;
	s7 =	simm.s32 @!p0 $0x108  }
0x21: {  	s3 =	sadd.s32 s3, s9;
	s6 =	sadd.s32 @!p0 $0x88, s6;
	s7 =	simm.s32 @p2 $0x1082  }
0x22: {  	[simem:s7], [sflag:s8] =	dma.local @!p0 [hbm:s6], $0xF7A  }
0x23: {  	s9 =	sor.u32 $0xD0000000, s2;
	s6 =	simm.s32 $0x108;
	_ =	swait.ge @!p0 [sflag:s8], $0x0  }
0x24: {  	s3 =	sadd.s32 $0x88, s3;
	s6 =	simm.s32 @!p1 $0x1082;
	[sflag:s4] =	ssyncset.s32 $0xFFFFF086  }
0x25: {  	[simem:s6], [sflag:s4] =	dma.local [hbm:s3], $0xF7A  }
0x26: {  	[smem:$0x3F93] =	sst s1;
	(tag) =	ssettag s2;
	_ =	strace s9  }
0x27: {  	s1 =	sld [smem:$0x3FA3]  }
0x28: {  	s2 =	sld [smem:$0x3FA4]  }
0x29: {  	s4 =	sld [smem:$0x3FA6]  }
0x2a: {  	p0 =	seq.s32 s5, $0x0;
	s5 =	sld [smem:$0x3FA7]  }
0x2b: {  	s6 =	sld [smem:$0x3FA8]  }
0x2c: {  	s7 =	sld [smem:$0x3FA9]  }
0x2d: {  	s3 =	simm.s32 $0x108;
	s8 =	sld [smem:$0x3FAA]  }
0x2e: {  	s3 =	simm.s32 @!p0 $0x1082;
	s9 =	sld [smem:$0x3FAB]  }
0x2f: {  	lr =	sadd.s32 s0, s3;
	s0 =	sld [smem:$0x3FA2]  }
0x30: {  	s3 =	sld [smem:$0x3FA5]  }
0x31: {  	[smem:$0x3FAE] =	sst s10  }
0x32: {  	s10 =	sld [smem:$0x3FAC];
	_ =	sdelay $0x3  }
0x33: {  	p0 =	seq.s32 s10, $0x1;
	s10 =	sld [smem:$0x3FAE];
	_ =	sdelay $0x3  }
0x34: {  	[smem:$0x3FAE] =	sst s10  }
0x35: {  	s10 =	sld [smem:$0x3FAD];
	_ =	sdelay $0x3  }
0x36: {  	p1 =	seq.s32 s10, $0x1;
	s10 =	sld [smem:$0x3FAE];
	_ =	sdelay $0x3  }
0x37: {  	[smem:$0x3FAE] =	sst s10  }
0x38: {  	s10 =	sld [smem:$0x3FAF]  }
0x39: {  	_ = 	snop;
	(pc) =	sbr.ind lr, $3  }
0x3a: {  	_ = 	snop  }
0x3b: {  	_ = 	snop  }
0x3c: {  	p2 =	seq.s32 s10, $0x1;
	s10 =	sld [smem:$0x3FAE]  }
0x3d: {  	_ =	shalt  }
0x3e: {  	_ =	shalt  }
0x3f: {  	_ =	shalt  }
0x40: {  	_ =	shalt  }
0x41: {  	_ =	shalt  }
0x42: {  	_ =	shalt  }
0x43: {  	_ =	shalt  }
0x44: {  	_ =	shalt  }
0x45: {  	_ =	shalt  }
0x46: {  	_ =	shalt  }
0x47: {  	_ =	shalt  }
0x48: {  	_ =	shalt  }
0x49: {  	_ =	shalt  }
0x4a: {  	_ =	shalt  }
0x4b: {  	_ =	shalt  }
0x4c: {  	_ =	shalt  }
0x4d: {  	_ =	shalt  }
0x4e: {  	_ =	shalt  }
0x4f: {  	_ =	shalt  }
0x50: {  	_ =	shalt  }
0x51: {  	_ =	shalt  }
0x52: {  	_ =	shalt  }
0x53: {  	_ =	shalt  }
0x54: {  	_ =	shalt  }
0x55: {  	_ =	shalt  }
0x56: {  	_ =	shalt  }
0x57: {  	_ =	shalt  }
0x58: {  	_ =	shalt  }
0x59: {  	_ =	shalt  }
0x5a: {  	_ =	shalt  }
0x5b: {  	_ =	shalt  }
0x5c: {  	_ =	shalt  }
0x5d: {  	_ =	shalt  }
0x5e: {  	_ =	shalt  }
0x5f: {  	_ =	shalt  }
0x60: {  	_ =	shalt  }
0x61: {  	_ =	shalt  }
0x62: {  	_ =	shalt  }
0x63: {  	_ =	shalt  }
0x64: {  	_ =	shalt  }
0x65: {  	_ =	shalt  }
0x66: {  	_ =	shalt  }
0x67: {  	_ =	shalt  }
0x68: {  	_ =	shalt  }
0x69: {  	_ =	shalt  }
0x6a: {  	_ =	shalt  }
0x6b: {  	_ =	shalt  }
0x6c: {  	_ =	shalt  }
0x6d: {  	_ =	shalt  }
0x6e: {  	_ =	shalt  }
0x6f: {  	_ =	shalt  }
0x70: {  	_ =	shalt  }
0x71: {  	_ =	shalt  }
0x72: {  	_ =	shalt  }
0x73: {  	_ =	shalt  }
0x74: {  	_ =	shalt  }
0x75: {  	_ =	shalt  }
0x76: {  	_ =	shalt  }
0x77: {  	_ =	shalt  }
0x78: {  	_ =	shalt  }
0x79: {  	_ =	shalt  }
0x7a: {  	_ =	shalt  }
0x7b: {  	_ =	shalt  }
0x7c: {  	_ =	shalt  }
0x7d: {  	_ =	shalt  }
0x7e: {  	_ =	shalt  }
0x7f: {  	_ =	shalt  }
0x80: {  	_ =	shalt  }
0x81: {  	_ =	shalt  }
0x82: {  	_ =	shalt  }
0x83: {  	_ =	shalt  }
0x84: {  	_ =	shalt  }
0x85: {  	_ =	shalt  }
0x86: {  	_ =	shalt  }
0x87: {  	_ =	shalt  }
.Lfunc_end0:
.L_simem_size_0:
called_computation.2_lowered:
.L_overlay_start_0:
0x88: {  	s2 =	sld [smem:$0x3FD9]  }
0x89: {  	s3 =	sld [smem:$0x3FFE];
	_ =	sdelay $0x1  }
0x8a: {  	s1 =	srdreg.scid  }
0x8b: {  	s0 =	sand.u32 $0x1, s1  }
0x8c: {  	s16 =	sshll.u32 s0, $0xA;
	s2 =	sadd.s32 s3, s2  }
0x8d: {  	s2 =	sadd.s32 s2, s16  }
0x8e: {  	[smem:$0x3FBA] =	sst s2  }
0x8f: {  	_ = 	snop  }
0x90: {  	(tm) =	ssettm $0x1  }
0x91: {  	s17 =	sld [smem:$0x3FFB];
	_ =	sdelay $0x3  }
0x92: {  	_ =	strace s17  }
0x93: {  	s2 =	sld [smem:$0x3FFC];
	_ =	sdelay $0x3  }
0x94: {  	_ =	strace s2  }
0x95: {  	s2 =	sld [smem:$0x3FFD];
	_ =	sdelay $0x3  }
0x96: {  	_ =	strace s2  }
0x97: {  	_ =	strace $0x8FFFFFFF  }
0x98: {  	s18 =	sld [smem:$0x3FDB];
	_ =	sdelay $0x1  }
0x99: {  	s19 =	simm.s32 $_scs_section_size  }
0x9a: {  	s4 =	simm.s32 $_size__tile_overlayer_lowered;
	s5 =	simm.s32 $_tile_overlayer_lowered  }
0x9b: {  	s22 =	simm.s32 $0x1BFF;
	s21 =	sshll.u32 s5, $0x1;
	s2 =	sadd.s32 s19, s18  }
0x9c: {  	s6 =	simm.s32 $0x0;
	s20 =	sshll.u32 s4, $0x1;
	s4 =	sadd.s32 s21, s2  }
0x9d: {  	[timem:s6], [sflag:s22] =	dma.local [hbm:s4], s20  }
0x9e: {  	_ =	swait.ge [sflag:s22], s20  }
0x9f: {  	s3 =	ssub.s32 $0x0, s20;
	[sflag:s22] =	ssyncset.done $0x0  }
0xa0: {  	[sflag:s22] =	ssyncadd.s32 s3;
	_ =	sdelay $0x1  }
0xa1: {  	s23 =	simm.s32 $0x1B8B  }
0xa2: {  	_ =	swait.ge [sflag:s23], $0x1  }
0xa3: {  	[sflag:s23] =	ssyncset.done $0x0  }
0xa4: {  	s25 =	simm.s32 $0x1B8E;
	s24 =	sld [smem:$0x3FFE];
	[sflag:s23] =	ssyncadd.s32 $0xFFFFFFFF  }
0xa5: {  	s26 =	simm.s32 $execute0_lowered;
	[smem:$0x3FD2] =	sst s25  }
0xa6: {  	s4 =	sshll.u32 s26, $0x1;
	_ =	strace $0x8000004C;
	[dreg:$0x1] =	wrdreg $0xFFFFFFFF  }
0xa7: {  	s28 =	simm.s32 $_size_execute0_lowered;
	s2 =	sadd.s32 s2, s4;
	[dreg:$0x0] =	wrdreg $0x0  }
0xa8: {  	s4 =	sshll.u32 s28, $0x1;
	[dreg:$0x2] =	wrdreg s2  }
0xa9: {  	[dreg:$0x3] =	wrdreg s4  }
0xaa: {  	[dreg:$0x4] =	wrdreg $0xC0  }
0xab: {  	_ =	task [dreg:s6], $0x5FFFF  }
0xac: {  	[dreg:$0x1] =	wrdreg $0xFFFFFFFF  }
0xad: {  	[dreg:$0x0] =	wrdreg $0x60  }
0xae: {  	[dreg:$0x2] =	wrdreg s24  }
0xaf: {  	[dreg:$0x3] =	wrdreg $0x14F000  }
0xb0: {  	[dreg:$0x4] =	wrdreg $0xAF000  }
0xb1: {  	[dreg:$0x5] =	wrdreg $0x9  }
0xb2: {  	_ =	task.clear_ibuf [dreg:s6], $0x6FFFF;
	_ =	strace $0x9000004C  }
0xb3: {  	s29 =	simm.s32 $0x9;
	_ =	strace $0x8000004E  }
0xb4: {  	_ =	swait.ge [sflag:s29], $0x1  }
0xb5: {  	[sflag:s29] =	ssyncadd.s32 $0xFFFFFFFF  }
0xb6: {  	_ =	strace $0x9000004E  }
0xb7: {  	_ =	sfence  }
0xb8: {  	s30 =	sld [smem:$0x0];
	_ =	sdelay $0x2  }
0xb9: {  	s31 =	sshll.u32 s1, $0xD;
	s1 =	sshrl.u32 s1, $0x2  }
0xba: {  	s3 =	sand.u32 $0x4000, s31;
	s1 =	sadd.s32 s1, s30  }
0xbb: {  	s0 =	sor.u32 s3, s0;
	s1 =	sshll.u32 s1, $0x11  }
0xbc: {  	s0 =	sor.u32 s1, s0  }
0xbd: {  	s0 =	sadd.s32 $0x8F2B, s0  }
0xbe: {  	[sflag:s0] =	ssyncadd.remote.s32 $0x1  }
0xbf: {  	_ =	sfence.sel $0xFFFF  }
0xc0: {  	[dreg:$0x0] =	wrdreg $0xFFFFFFFF;
	(pc) =	sbr.abs _section_cstart, $3  }
0xc1: {  	[dreg:$0x1] =	wrdreg $0xFFFFFFFF  }
0xc2: {  	_ =	task.clear_ibuf [dreg:s6], $0x2FFFF;
	_ =	strace $0x9FFFFFFF  }
0xc3: {  	(tm) =	ssettm $0x7FFFFFFF  }
tec
execute0_lowered:
.L_overlay_start_1:
0x0: {  	(tag) =	ssettag $0x1  }
0x1: {  	s5 =	rddreg [dreg:$0x0]  }
0x2: {  	s2 =	rddreg [dreg:$0x1]  }
0x3: {  	s3 =	rddreg [dreg:$0x2]  }
0x4: {  	s0 =	stileid.u32;
	s6 =	srdreg.scid;
	s4 =	simm.s32 $0x0  }
0x5: {  	s17 =	simm.s32 $0x4F00;
	s18 =	simm.s32 $0x6F00;
	s19 =	simm.s32 $0x1  }
0x6: {  	s20 =	simm.s32 $0x2;
	s21 =	simm.s32 $0x4E00;
	s22 =	simm.s32 $0x8F00  }
0x7: {  	s23 =	simm.s32 $0x4E80;
	s24 =	simm.s32 $0x0;
	s7 =	smul.u32 $0xA000, s0  }
0x8: {  	s6 =	sand.u32 $0x1, s6;
	[smem:$0x7FF] =	sst s4;
	s29 =	smul.u32 $0x4F00, s0  }
0x9: {  	s10 =	sadd.s32 $0xCA00, s5;
	s11 =	sadd.s32 $0x2C00, s5;
	s30 =	smul.u32 $0x9E0, s0  }
0xa: {  	s28 =	sshll.u32 s0, $0x6;
	s8 =	smul.u32 $0xA0000, s6;
	s6 =	ssub.s32 $0x2, s6  }
0xb: {  	_ =	strace $0x8000004D;
	s9 =	sshrl.u32 s7, $0x3;
	s12 =	sshrl.u32 s6, $0x1  }
0xc: {  	s15 =	sadd.s32 s7, s2;
	s16 =	sadd.s32 s7, s3;
	s31 =	sshrl.u32 s29, $0x3  }
0xd: {  	s8 =	sadd.s32 s7, s8;
	s9 =	sadd.s32 s9, s5;
	s14 =	ssub.s32 s6, s12  }
0xe: {  	s6 =	sor.u32 $0x1C02, s28;
	s12 =	sadd.s32 $0x4F0, s31;
	s8 =	sshrl.u32 s8, $0x3  }
0xf: {  	s13 =	sadd.s32 s8, s5;
	s5 =	sadd.s32 $0x8E800, s9;
	s8 =	sadd.s32 s10, s30  }
0x10: {  	s9 =	sadd.s32 s11, s30;
	s10 =	sadd.s32 s10, s12;
	s11 =	sadd.s32 s11, s12  }
0x11: {  	s7 =	sadd.s32 $0x66800, s13;
	s12 =	sadd.s32 $0xA2800, s13;
	s13 =	smax.u32 s14, $0x1  }
0x12: {  	s14 =	sshrl.u32 s15, $0x3;
	s15 =	sshrl.u32 s16, $0x3;
	s16 =	simm.s32 $0x80  }
.LBB2_1:
0x13: {  	[spmem:s14], [sflag:s6] =	dma.local [hbm:s5], $0x1400  }
0x14: {  	_ =	swait.ge [sflag:s20], $0x1400  }
0x15: {  	[sflag:s20] =	ssyncset.done $0x0  }
0x16: {  	[sflag:s20] =	ssyncadd.s32 $0xFFFFEC00  }
0x17: {  	[spmem:s15], [sflag:s6] =	dma.local [hbm:s7], $0x1400  }
0x18: {  	_ =	swait.ge [sflag:s20], $0x1400  }
0x19: {  	[sflag:s20] =	ssyncset.done $0x0  }
0x1a: {  	[sflag:s20] =	ssyncadd.s32 $0xFFFFEC00  }
0x1b: {  	s25 =	simm.s32 $0x2780;
	s26 =	smul.u32 $0xAB, s20;
	[bflag:$0x0] =	sbarrier.arrive $0xFFFF  }
0x1c: {  	[tilespmem:s4], [sflag:$0x2] =	stream.linear.gather [hbm4b:s8+s4], $0x2780, $0x38;
	[tilespmem:$0x1EF00] =	vst v63  }
0x1d: {  	s28 =	sadd.s32 $0xFFFFFEAA, s26;
	s26 =	sshrl.u32 s26, $0x9;
	_ =	swait.ge [sflag:s20], $0x2780  }
0x1e: {  	s28 =	sshrl.u32 s28, $0x9;
	s26 =	sand.u32 $0x7F, s26;
	[sflag:s20] =	ssyncset.done $0x0  }
0x1f: {  	s28 =	sand.u32 $0x7F, s28;
	s26 =	smul.u32 $0x3, s26;
	[sflag:s20] =	ssyncadd.s32 $0xFFFFD880  }
0x20: {  	[tilespmem:s25], [sflag:$0x2] =	stream.linear.gather [hbm4b:s9+s4], $0x2780, $0x38;
	[tilespmem:$0x1EF00] =	vst v63  }
0x21: {  	s28 =	smul.u32 $0x3, s28;
	_ =	swait.ge [sflag:s20], $0x2780  }
0x22: {  	[sflag:s20] =	ssyncset.done $0x0  }
0x23: {  	s26 =	ssub.s32 $0x2, s26;
	s28 =	ssub.s32 $0x2, s28;
	[sflag:s20] =	ssyncadd.s32 $0xFFFFD880  }
0x24: {  	[tilespmem:s17], [sflag:$0x1] =	stream.indirect.gather [spmem:s3], $0x40, s4, s16, $0xb8;
	[tilespmem:$0x1EF00] =	vst v63  }
0x25: {  	s29 =	simm.s32 $0x100;
	s26 =	sand.u32 $0xFF, s26;
	s28 =	sadd.s32 $0xFFFFFFFE, s28  }
0x26: {  	[tilespmem:s18], [sflag:$0x1] =	stream.indirect.gather [spmem:s3], $0x40, s16, s16, $0xb8;
	[tilespmem:$0x1EF00] =	vst v63  }
0x27: {  	s26 =	sshll.u32 s26, $0xD;
	s28 =	sand.u32 $0xFF, s28;
	_ =	swait.ge [sflag:s19], $0x2000  }
0x28: {  	s26 =	sadd.s32 $0x4F00, s26;
	s28 =	sshll.u32 s28, $0xD;
	[sflag:s19] =	ssyncset.done $0x0  }
0x29: {  	s31 =	sadd.s32 $0x4F00, s28;
	s28 =	simm.s32 $0x3;
	[sflag:s19] =	ssyncadd.s32 $0xFFFFE000  }
0x2a: {  	[tilespmem:s26], [sflag:$0x1] =	stream.indirect.gather [spmem:s3], $0x40, s29, s16, $0xb8;
	[tilespmem:$0x1EF00] =	vst v63  }
0x2b: {  	s30 =	smul.u32 $0xAB, s28  }
0x2c: {  	[spmem:s2] =	stream.indirect.scatter.add.f32 [tilespmem:s31], [sflag:$0x2], $0x40, s25, s16, $0xb8;
	[tilespmem:$0x1EF00] =	vst v63  }
0x2d: {  	s29 =	simm.s32 $0x4;
	s26 =	simm.s32 $0x180;
	s25 =	simm.s32 $0x2800  }
.LBB2_2:
0x2e: {  	s31 =	sadd.s32 $0xFFFFFEAA, s30;
	s30 =	sshrl.u32 s30, $0x9  }
0x2f: {  	_ =	swait.ge [sflag:s20], $0x2000;
	s0 =	smov.u32 s29;
	s1 =	smov.u32 s25  }
0x30: {  	s31 =	sshrl.u32 s31, $0x9;
	s30 =	sand.u32 $0x7F, s30;
	[sflag:s20] =	ssyncset.done $0x0  }
0x31: {  	s31 =	sand.u32 $0x7F, s31;
	s30 =	smul.u32 $0x3, s30;
	[sflag:s20] =	ssyncadd.s32 $0xFFFFE000  }
0x32: {  	p0 =	sne.s32 s29, $0x4E;
	s29 =	sadd.s32 $0x1, s29;
	s31 =	smul.u32 $0x3, s31  }
0x33: {  	s30 =	ssub.s32 s28, s30  }
0x34: {  	s31 =	ssub.s32 s28, s31;
	s30 =	sand.u32 $0xFF, s30;
	s28 =	smov.u32 s0  }
0x35: {  	s0 =	sadd.s32 $0xFFFFFFFE, s31;
	_ =	swait.ge [sflag:s19], $0x2000;
	s30 =	sshll.u32 s30, $0xD  }
0x36: {  	s0 =	sand.u32 $0xFF, s0;
	[sflag:s19] =	ssyncset.done $0x0;
	s30 =	sadd.s32 $0x4F00, s30  }
.Ltmp0:
0x37: {  	s0 =	sshll.u32 s0, $0xD;
	[sflag:s19] =	ssyncadd.s32 $0xFFFFE000;
	(pc) =	sbr.rel @p0 .LBB2_2-.Ltmp0, $4  }
0x38: {  	s0 =	sadd.s32 $0x4F00, s0  }
0x39: {  	[tilespmem:s30], [sflag:$0x1] =	stream.indirect.gather [spmem:s3], $0x40, s26, s16, $0xb8;
	[tilespmem:$0x1EF00] =	vst v63  }
0x3a: {  	s25 =	sadd.s32 $0x80, s25;
	s30 =	smul.u32 $0xAB, s28;
	s26 =	sadd.s32 $0x80, s26  }
0x3b: {  	[spmem:s2] =	stream.indirect.scatter.add.f32 [tilespmem:s0], [sflag:$0x2], $0x40, s1, s16, $0xb8;
	[tilespmem:$0x1EF00] =	vst v63  }
0x3c: {  	s0 =	sadd.s32 $0xFFFFFEAA, s30;
	s1 =	sshrl.u32 s30, $0x9  }
0x3d: {  	s0 =	sshrl.u32 s0, $0x9;
	s1 =	sand.u32 $0x7F, s1  }
0x3e: {  	s0 =	sand.u32 $0x7F, s0;
	s1 =	smul.u32 $0x3, s1  }
0x3f: {  	_ =	swait.ge [sflag:s20], $0x2000;
	s0 =	smul.u32 $0x3, s0  }
0x40: {  	[sflag:s20] =	ssyncset.done $0x0  }
0x41: {  	[sflag:s20] =	ssyncadd.s32 $0xFFFFE000;
	s1 =	ssub.s32 s28, s1;
	s0 =	ssub.s32 s28, s0  }
0x42: {  	_ =	swait.ge [sflag:s19], $0x2000;
	s1 =	sand.u32 $0xFF, s1;
	s0 =	sadd.s32 $0xFFFFFFFE, s0  }
0x43: {  	[sflag:s19] =	ssyncset.done $0x0;
	s1 =	sshll.u32 s1, $0xD;
	s0 =	sand.u32 $0xFF, s0  }
0x44: {  	[sflag:s19] =	ssyncadd.s32 $0xFFFFE000;
	s1 =	sadd.s32 $0x4F00, s1;
	s0 =	sshll.u32 s0, $0xD  }
0x45: {  	[tilespmem:s1], [sflag:$0x1] =	stream.indirect.gather [spmem:s3], $0x40, s26, s16, $0xb8;
	[tilespmem:$0x1EF00] =	vst v63  }
0x46: {  	s0 =	sadd.s32 $0x4F00, s0  }
0x47: {  	[spmem:s2] =	stream.indirect.scatter.add.f32 [tilespmem:s0], [sflag:$0x2], $0x40, s25, s16, $0xb8;
	[tilespmem:$0x1EF00] =	vst v63  }
0x48: {  	_ =	swait.ge [sflag:s20], $0x2000  }
0x49: {  	[sflag:s20] =	ssyncset.done $0x0  }
0x4a: {  	[sflag:s20] =	ssyncadd.s32 $0xFFFFE000  }
0x4b: {  	_ =	swait.ge [sflag:s19], $0x2000  }
0x4c: {  	[sflag:s19] =	ssyncset.done $0x0  }
0x4d: {  	s25 =	simm.s32 $0x2;
	[sflag:s19] =	ssyncadd.s32 $0xFFFFE000  }
0x4e: {  	[spmem:s2] =	stream.indirect.scatter.add.f32 [tilespmem:s22], [sflag:$0x2], $0x40, s21, s16, $0xb8;
	[tilespmem:$0x1EF00] =	vst v63  }
0x4f: {  	_ =	swait.ge [sflag:s25], $0x2000  }
0x50: {  	[sflag:s25] =	ssyncset.done $0x0  }
0x51: {  	[sflag:s25] =	ssyncadd.s32 $0xFFFFE000  }
0x52: {  	_ =	swait.ge [sflag:s19], $0x2000  }
0x53: {  	[sflag:s19] =	ssyncset.done $0x0  }
0x54: {  	[sflag:s19] =	ssyncadd.s32 $0xFFFFE000  }
0x55: {  	[spmem:s2] =	stream.indirect.scatter.add.f32 [tilespmem:s17], [sflag:$0x2], $0x40, s23, s16, $0xb8;
	[tilespmem:$0x1EF00] =	vst v63  }
0x56: {  	_ =	swait.ge [sflag:s25], $0x2000  }
0x57: {  	[sflag:s25] =	ssyncset.done $0x0  }
0x58: {  	[sflag:s25] =	ssyncadd.s32 $0xFFFFE000  }
0x59: {  	[tilespmem:s4], [sflag:$0x2] =	stream.linear.gather [hbm4b:s10+s4], $0x2780, $0x38;
	[tilespmem:$0x1EF00] =	vst v63  }
0x5a: {  	_ =	swait.ge [sflag:s25], $0x2780  }
0x5b: {  	[sflag:s25] =	ssyncset.done $0x0  }
0x5c: {  	s1 =	simm.s32 $0x2780;
	s0 =	smul.u32 $0xAB, s25;
	[sflag:s25] =	ssyncadd.s32 $0xFFFFD880  }
0x5d: {  	[tilespmem:s1], [sflag:$0x2] =	stream.linear.gather [hbm4b:s11+s4], $0x2780, $0x38;
	[tilespmem:$0x1EF00] =	vst v63  }
0x5e: {  	_ =	swait.ge [sflag:s25], $0x2780  }
0x5f: {  	s26 =	sadd.s32 $0xFFFFFEAA, s0;
	s0 =	sshrl.u32 s0, $0x9;
	[sflag:s25] =	ssyncset.done $0x0  }
0x60: {  	s0 =	sand.u32 $0x7F, s0;
	[sflag:s25] =	ssyncadd.s32 $0xFFFFD880;
	s25 =	sshrl.u32 s26, $0x9  }
0x61: {  	[tilespmem:s17], [sflag:$0x1] =	stream.indirect.gather [spmem:s3], $0x40, s4, s16, $0xb8;
	[tilespmem:$0x1EF00] =	vst v63  }
0x62: {  	s31 =	simm.s32 $0x100;
	s0 =	smul.u32 $0x3, s0;
	s25 =	sand.u32 $0x7F, s25  }
0x63: {  	s29 =	simm.s32 $0x4;
	s28 =	simm.s32 $0x3;
	s25 =	smul.u32 $0x3, s25  }
0x64: {  	[tilespmem:s18], [sflag:$0x1] =	stream.indirect.gather [spmem:s3], $0x40, s16, s16, $0xb8;
	[tilespmem:$0x1EF00] =	vst v63  }
0x65: {  	s30 =	smul.u32 $0xAB, s28;
	s0 =	ssub.s32 $0x2, s0;
	s25 =	ssub.s32 $0x2, s25  }
0x66: {  	s0 =	sand.u32 $0xFF, s0;
	_ =	swait.ge [sflag:s19], $0x2000;
	s25 =	sadd.s32 $0xFFFFFFFE, s25  }
0x67: {  	s0 =	sshll.u32 s0, $0xD;
	[sflag:s19] =	ssyncset.done $0x0;
	s25 =	sand.u32 $0xFF, s25  }
0x68: {  	s0 =	sadd.s32 $0x4F00, s0;
	[sflag:s19] =	ssyncadd.s32 $0xFFFFE000;
	s25 =	sshll.u32 s25, $0xD  }
0x69: {  	[tilespmem:s0], [sflag:$0x1] =	stream.indirect.gather [spmem:s3], $0x40, s31, s16, $0xb8;
	[tilespmem:$0x1EF00] =	vst v63  }
0x6a: {  	s26 =	simm.s32 $0x180;
	s31 =	sadd.s32 $0x4F00, s25;
	s25 =	simm.s32 $0x2800  }
0x6b: {  	[spmem:s2] =	stream.indirect.scatter.add.f32 [tilespmem:s31], [sflag:$0x2], $0x40, s1, s16, $0xb8;
	[tilespmem:$0x1EF00] =	vst v63  }
.LBB2_4:
0x6c: {  	s0 =	sadd.s32 $0xFFFFFEAA, s30;
	s1 =	sshrl.u32 s30, $0x9  }
0x6d: {  	_ =	swait.ge [sflag:s20], $0x2000;
	s30 =	smov.u32 s29;
	s31 =	smov.u32 s25  }
0x6e: {  	s0 =	sshrl.u32 s0, $0x9;
	s1 =	sand.u32 $0x7F, s1;
	[sflag:s20] =	ssyncset.done $0x0  }
0x6f: {  	s0 =	sand.u32 $0x7F, s0;
	s1 =	smul.u32 $0x3, s1;
	[sflag:s20] =	ssyncadd.s32 $0xFFFFE000  }
0x70: {  	p0 =	sne.s32 s29, $0x4E;
	s29 =	sadd.s32 $0x1, s29;
	s0 =	smul.u32 $0x3, s0  }
0x71: {  	s1 =	ssub.s32 s28, s1  }
0x72: {  	s0 =	ssub.s32 s28, s0;
	s1 =	sand.u32 $0xFF, s1;
	s28 =	smov.u32 s30  }
0x73: {  	s0 =	sadd.s32 $0xFFFFFFFE, s0;
	_ =	swait.ge [sflag:s19], $0x2000;
	s1 =	sshll.u32 s1, $0xD  }
0x74: {  	s0 =	sand.u32 $0xFF, s0;
	[sflag:s19] =	ssyncset.done $0x0;
	s1 =	sadd.s32 $0x4F00, s1  }
.Ltmp1:
0x75: {  	s0 =	sshll.u32 s0, $0xD;
	[sflag:s19] =	ssyncadd.s32 $0xFFFFE000;
	(pc) =	sbr.rel @p0 .LBB2_4-.Ltmp1, $4  }
0x76: {  	s0 =	sadd.s32 $0x4F00, s0  }
0x77: {  	[tilespmem:s1], [sflag:$0x1] =	stream.indirect.gather [spmem:s3], $0x40, s26, s16, $0xb8;
	[tilespmem:$0x1EF00] =	vst v63  }
0x78: {  	s25 =	sadd.s32 $0x80, s25;
	s30 =	smul.u32 $0xAB, s28;
	s26 =	sadd.s32 $0x80, s26  }
0x79: {  	[spmem:s2] =	stream.indirect.scatter.add.f32 [tilespmem:s0], [sflag:$0x2], $0x40, s31, s16, $0xb8;
	[tilespmem:$0x1EF00] =	vst v63  }
0x7a: {  	s0 =	sadd.s32 $0xFFFFFEAA, s30;
	s1 =	sshrl.u32 s30, $0x9  }
0x7b: {  	s0 =	sshrl.u32 s0, $0x9;
	s1 =	sand.u32 $0x7F, s1  }
0x7c: {  	s0 =	sand.u32 $0x7F, s0;
	s1 =	smul.u32 $0x3, s1  }
0x7d: {  	_ =	swait.ge [sflag:s20], $0x2000;
	s0 =	smul.u32 $0x3, s0  }
0x7e: {  	[sflag:s20] =	ssyncset.done $0x0  }
0x7f: {  	[sflag:s20] =	ssyncadd.s32 $0xFFFFE000;
	s1 =	ssub.s32 s28, s1;
	s0 =	ssub.s32 s28, s0  }
0x80: {  	_ =	swait.ge [sflag:s19], $0x2000;
	s1 =	sand.u32 $0xFF, s1;
	s0 =	sadd.s32 $0xFFFFFFFE, s0  }
0x81: {  	[sflag:s19] =	ssyncset.done $0x0;
	s1 =	sshll.u32 s1, $0xD;
	s0 =	sand.u32 $0xFF, s0  }
0x82: {  	[sflag:s19] =	ssyncadd.s32 $0xFFFFE000;
	s1 =	sadd.s32 $0x4F00, s1;
	s0 =	sshll.u32 s0, $0xD  }
0x83: {  	[tilespmem:s1], [sflag:$0x1] =	stream.indirect.gather [spmem:s3], $0x40, s26, s16, $0xb8;
	[tilespmem:$0x1EF00] =	vst v63  }
0x84: {  	s0 =	sadd.s32 $0x4F00, s0  }
0x85: {  	[spmem:s2] =	stream.indirect.scatter.add.f32 [tilespmem:s0], [sflag:$0x2], $0x40, s25, s16, $0xb8;
	[tilespmem:$0x1EF00] =	vst v63  }
0x86: {  	_ =	swait.ge [sflag:s20], $0x2000  }
0x87: {  	[sflag:s20] =	ssyncset.done $0x0  }
0x88: {  	[sflag:s20] =	ssyncadd.s32 $0xFFFFE000  }
0x89: {  	_ =	swait.ge [sflag:s19], $0x2000  }
0x8a: {  	[sflag:s19] =	ssyncset.done $0x0  }
0x8b: {  	[sflag:s19] =	ssyncadd.s32 $0xFFFFE000  }
0x8c: {  	[spmem:s2] =	stream.indirect.scatter.add.f32 [tilespmem:s22], [sflag:$0x2], $0x40, s21, s16, $0xb8;
	[tilespmem:$0x1EF00] =	vst v63  }
0x8d: {  	_ =	swait.ge [sflag:s20], $0x2000  }
0x8e: {  	[sflag:s20] =	ssyncset.done $0x0  }
0x8f: {  	[sflag:s20] =	ssyncadd.s32 $0xFFFFE000  }
0x90: {  	_ =	swait.ge [sflag:s19], $0x2000  }
0x91: {  	[sflag:s19] =	ssyncset.done $0x0  }
0x92: {  	[sflag:s19] =	ssyncadd.s32 $0xFFFFE000  }
0x93: {  	[spmem:s2] =	stream.indirect.scatter.add.f32 [tilespmem:s17], [sflag:$0x2], $0x40, s23, s16, $0xb8;
	[tilespmem:$0x1EF00] =	vst v63  }
0x94: {  	_ =	swait.ge [sflag:s20], $0x2000  }
0x95: {  	s24 =	sadd.s32 $0x1, s24;
	[sflag:s20] =	ssyncset.done $0x0  }
0x96: {  	p0 =	sne.s32 s24, s13;
	[sflag:s20] =	ssyncadd.s32 $0xFFFFE000  }
.Ltmp2:
0x97: {  	[bflag:$0x0] =	sbarrier.arrive $0xFFFF;
	(pc) =	sbr.rel @p0 .LBB2_1-.Ltmp2, $4  }
0x98: {  	[hbm:s12], [sflag:s6] =	dma.local [spmem:s14], $0x1400  }
0x99: {  	_ =	swait.ge [sflag:s20], $0x1400  }
0x9a: {  	[sflag:s20] =	ssyncset.done $0x0  }
0x9b: {  	[sflag:s20] =	ssyncadd.s32 $0xFFFFEC00  }
0x9c: {  	_ =	sfence.sel $0x180000  }
0x9d: {  	[bflag:$0x0] =	sbarrier.arrive $0xFFFF  }
0x9e: {  	_ =	strace $0x9000004D  }
0x9f: {  	s0 =	stileid.u32;
	[bflag:$0x2] =	sbarrier.arrive $0xFFFF  }
0xa0: {  	p0 =	sne.s32 s0, $0x0;
	s0 =	rddreg [dreg:$0x3]  }
0xa1: {  	s0 =	sadd.s32 @!p0 $0x100000, s0  }
0xa2: {  	[sflag:s0] =	ssyncadd.tile.s32 @!p0 $0x1;
	_ =	shalt  }
.Lfunc_end2:
_tile_overlayer_lowered:
.L_overlay_start_2:
0xa3: {  	(tag) =	ssettag $0x2  }
0xa4: {  	s0 =	rddreg [dreg:$0x0];
	s2 =	stileid.u32  }
0xa5: {  	s1 =	rddreg [dreg:$0x1];
	p0 =	sne.s32 s2, $0x0  }
0xa6: {  	s3 =	rddreg [dreg:$0x2];
	[bflag:$0x3] =	sbarrier.arrive $0xFFFF;
	s2 =	simm.s32 @!p0 $0x1C02  }
0xa7: {  	[timem:s3], [sflag:s2] =	dma.local @!p0 [hbm:s0], s1  }
0xa8: {  	s0 =	simm.s32 @!p0 $0x2  }
0xa9: {  	_ =	swait.ge @!p0 [sflag:s0], s1  }
0xaa: {  	s1 =	ssub.s32 @!p0 $0x0, s1;
	[sflag:s0] =	ssyncset.done @!p0 $0x0  }
0xab: {  	[sflag:s0] =	ssyncadd.s32 @!p0 s1  }
0xac: {  	[bflag:$0x3] =	sbarrier.arrive $0xFFFF  }
0xad: {  	_ =	shalt  }

// kernel: kernel.9.cloned.1.call-start
scs
__scs_entry_jumppad:
0x0: {  	(pc) =	sbr.rel $0x88, $3  }
0x1: {  	(tag) =	ssettag $0x0;
	lr =	simm.s32 $0x1  }
0x2: {  	[smem:$0x3F93] =	sst lr;
	_ =	strace $0xD0000000  }
0x3: {  	_ = 	snop  }
0x4: {  	_ = 	snop  }
0x5: {  	_ = 	snop  }
0x6: {  	_ = 	snop  }
0x7: {  	_ = 	snop  }
__scs_overlays_trampoline_lowered:
0x8: {  	[smem:$0x3FA2] =	sst s0  }
0x9: {  	[smem:$0x3FA3] =	sst s1  }
0xa: {  	[smem:$0x3FA4] =	sst s2  }
0xb: {  	[smem:$0x3FA5] =	sst s3  }
0xc: {  	[smem:$0x3FA6] =	sst s4  }
0xd: {  	[smem:$0x3FA7] =	sst s5  }
0xe: {  	[smem:$0x3FA8] =	sst s6  }
0xf: {  	[smem:$0x3FA9] =	sst s7  }
0x10: {  	[smem:$0x3FAA] =	sst s8  }
0x11: {  	[smem:$0x3FAB] =	sst s9;
	s0 =	simm.s32 @!p0 $0x0  }
0x12: {  	s1 =	sld [smem:$0x3F91];
	s0 =	simm.s32 @p0 $0x1  }
0x13: {  	[smem:$0x3FAC] =	sst s0;
	s0 =	simm.s32 @!p1 $0x0  }
0x14: {  	s2 =	sld [smem:$0x3F90];
	s0 =	simm.s32 @p1 $0x1  }
0x15: {  	[smem:$0x3FAD] =	sst s0;
	s0 =	simm.s32 @!p2 $0x0  }
0x16: {  	s3 =	sld [smem:$0x3FDB];
	s0 =	simm.s32 @p2 $0x1  }
0x17: {  	s4 =	simm.s32 $0x1BF5;
	[smem:$0x3FAF] =	sst s0  }
0x18: {  	s0 =	sld [smem:$0x3F92];
	_ =	swait.ge [sflag:s4], $0x0  }
0x19: {  	s7 =	sld [smem:$0x3F93]  }
0x1a: {  	s8 =	sadd.s32 $0xFFFFE003, lr  }
0x1b: {  	s9 =	sadd.s32 $0xFFFFFEF7, lr;
	s5 =	simm.s32 $0xFFFFFFFF;
	p2 =	slt.u32 s8, $0xFFFFF086  }
0x1c: {  	p1 =	slt.u32 s9, $0xF7A;
	s5 =	simm.s32 @!p2 $0x0  }
0x1d: {  	s5 =	simm.s32 @p1 $0x1;
	p0 =	seq.s32 s7, s2  }
0x1e: {  	s7 =	smul.u32 @!p0 $0xF7A, s2;
	p2 =	seq.s32 @!p0 s5, $0x0  }
0x1f: {  	s9 =	smul.u32 $0xF7A, s1;
	s8 =	simm.s32 @!p0 $0x1BF5;
	p2 =	por !p2, p0  }
0x20: {  	[sflag:s8] =	ssyncset.s32 @!p0 $0xFFFFF086;
	s6 =	sadd.s32 @!p0 s3, s7;
	s7 =	simm.s32 @!p0 $0x108  }
0x21: {  	s3 =	sadd.s32 s3, s9;
	s6 =	sadd.s32 @!p0 $0x88, s6;
	s7 =	simm.s32 @p2 $0x1082  }
0x22: {  	[simem:s7], [sflag:s8] =	dma.local @!p0 [hbm:s6], $0xF7A  }
0x23: {  	s9 =	sor.u32 $0xD0000000, s2;
	s6 =	simm.s32 $0x108;
	_ =	swait.ge @!p0 [sflag:s8], $0x0  }
0x24: {  	s3 =	sadd.s32 $0x88, s3;
	s6 =	simm.s32 @!p1 $0x1082;
	[sflag:s4] =	ssyncset.s32 $0xFFFFF086  }
0x25: {  	[simem:s6], [sflag:s4] =	dma.local [hbm:s3], $0xF7A  }
0x26: {  	[smem:$0x3F93] =	sst s1;
	(tag) =	ssettag s2;
	_ =	strace s9  }
0x27: {  	s1 =	sld [smem:$0x3FA3]  }
0x28: {  	s2 =	sld [smem:$0x3FA4]  }
0x29: {  	s4 =	sld [smem:$0x3FA6]  }
0x2a: {  	p0 =	seq.s32 s5, $0x0;
	s5 =	sld [smem:$0x3FA7]  }
0x2b: {  	s6 =	sld [smem:$0x3FA8]  }
0x2c: {  	s7 =	sld [smem:$0x3FA9]  }
0x2d: {  	s3 =	simm.s32 $0x108;
	s8 =	sld [smem:$0x3FAA]  }
0x2e: {  	s3 =	simm.s32 @!p0 $0x1082;
	s9 =	sld [smem:$0x3FAB]  }
0x2f: {  	lr =	sadd.s32 s0, s3;
	s0 =	sld [smem:$0x3FA2]  }
0x30: {  	s3 =	sld [smem:$0x3FA5]  }
0x31: {  	[smem:$0x3FAE] =	sst s10  }
0x32: {  	s10 =	sld [smem:$0x3FAC];
	_ =	sdelay $0x3  }
0x33: {  	p0 =	seq.s32 s10, $0x1;
	s10 =	sld [smem:$0x3FAE];
	_ =	sdelay $0x3  }
0x34: {  	[smem:$0x3FAE] =	sst s10  }
0x35: {  	s10 =	sld [smem:$0x3FAD];
	_ =	sdelay $0x3  }
0x36: {  	p1 =	seq.s32 s10, $0x1;
	s10 =	sld [smem:$0x3FAE];
	_ =	sdelay $0x3  }
0x37: {  	[smem:$0x3FAE] =	sst s10  }
0x38: {  	s10 =	sld [smem:$0x3FAF]  }
0x39: {  	_ = 	snop;
	(pc) =	sbr.ind lr, $3  }
0x3a: {  	_ = 	snop  }
0x3b: {  	_ = 	snop  }
0x3c: {  	p2 =	seq.s32 s10, $0x1;
	s10 =	sld [smem:$0x3FAE]  }
0x3d: {  	_ =	shalt  }
0x3e: {  	_ =	shalt  }
0x3f: {  	_ =	shalt  }
0x40: {  	_ =	shalt  }
0x41: {  	_ =	shalt  }
0x42: {  	_ =	shalt  }
0x43: {  	_ =	shalt  }
0x44: {  	_ =	shalt  }
0x45: {  	_ =	shalt  }
0x46: {  	_ =	shalt  }
0x47: {  	_ =	shalt  }
0x48: {  	_ =	shalt  }
0x49: {  	_ =	shalt  }
0x4a: {  	_ =	shalt  }
0x4b: {  	_ =	shalt  }
0x4c: {  	_ =	shalt  }
0x4d: {  	_ =	shalt  }
0x4e: {  	_ =	shalt  }
0x4f: {  	_ =	shalt  }
0x50: {  	_ =	shalt  }
0x51: {  	_ =	shalt  }
0x52: {  	_ =	shalt  }
0x53: {  	_ =	shalt  }
0x54: {  	_ =	shalt  }
0x55: {  	_ =	shalt  }
0x56: {  	_ =	shalt  }
0x57: {  	_ =	shalt  }
0x58: {  	_ =	shalt  }
0x59: {  	_ =	shalt  }
0x5a: {  	_ =	shalt  }
0x5b: {  	_ =	shalt  }
0x5c: {  	_ =	shalt  }
0x5d: {  	_ =	shalt  }
0x5e: {  	_ =	shalt  }
0x5f: {  	_ =	shalt  }
0x60: {  	_ =	shalt  }
0x61: {  	_ =	shalt  }
0x62: {  	_ =	shalt  }
0x63: {  	_ =	shalt  }
0x64: {  	_ =	shalt  }
0x65: {  	_ =	shalt  }
0x66: {  	_ =	shalt  }
0x67: {  	_ =	shalt  }
0x68: {  	_ =	shalt  }
0x69: {  	_ =	shalt  }
0x6a: {  	_ =	shalt  }
0x6b: {  	_ =	shalt  }
0x6c: {  	_ =	shalt  }
0x6d: {  	_ =	shalt  }
0x6e: {  	_ =	shalt  }
0x6f: {  	_ =	shalt  }
0x70: {  	_ =	shalt  }
0x71: {  	_ =	shalt  }
0x72: {  	_ =	shalt  }
0x73: {  	_ =	shalt  }
0x74: {  	_ =	shalt  }
0x75: {  	_ =	shalt  }
0x76: {  	_ =	shalt  }
0x77: {  	_ =	shalt  }
0x78: {  	_ =	shalt  }
0x79: {  	_ =	shalt  }
0x7a: {  	_ =	shalt  }
0x7b: {  	_ =	shalt  }
0x7c: {  	_ =	shalt  }
0x7d: {  	_ =	shalt  }
0x7e: {  	_ =	shalt  }
0x7f: {  	_ =	shalt  }
0x80: {  	_ =	shalt  }
0x81: {  	_ =	shalt  }
0x82: {  	_ =	shalt  }
0x83: {  	_ =	shalt  }
0x84: {  	_ =	shalt  }
0x85: {  	_ =	shalt  }
0x86: {  	_ =	shalt  }
0x87: {  	_ =	shalt  }
.Lfunc_end0:
.L_simem_size_0:
called_computation_lowered:
.L_overlay_start_0:
0x88: {  	s2 =	sld [smem:$0x3FD9]  }
0x89: {  	s3 =	sld [smem:$0x3FFE];
	_ =	sdelay $0x1  }
0x8a: {  	s1 =	srdreg.scid  }
0x8b: {  	s0 =	sand.u32 $0x1, s1  }
0x8c: {  	s14 =	sshll.u32 s0, $0xA;
	s2 =	sadd.s32 s3, s2  }
0x8d: {  	s2 =	sadd.s32 s2, s14  }
0x8e: {  	[smem:$0x3FBA] =	sst s2  }
0x8f: {  	_ = 	snop  }
0x90: {  	s2 =	sld [smem:$0x3FD0];
	_ =	sdelay $0x2  }
0x91: {  	s15 =	simm.s32 $0xA;
	s4 =	simm.s32 $0x10  }
0x92: {  	[smem:s4], [sflag:s15] =	dma.local [hbm:s2], $0x1  }
0x93: {  	_ =	swait.eq [sflag:s15], $0x1  }
0x94: {  	[sflag:s15] =	ssyncset.done $0x0  }
0x95: {  	[sflag:s15] =	ssyncadd.s32 $0xFFFFFFFF  }
0x96: {  	s16 =	sld [smem:$0x10];
	(tm) =	ssettm $0x1  }
0x97: {  	s17 =	sld [smem:$0x3FFB];
	_ =	sdelay $0x3  }
0x98: {  	_ =	strace s17  }
0x99: {  	s3 =	sld [smem:$0x3FFC];
	_ =	sdelay $0x3  }
0x9a: {  	_ =	strace s3  }
0x9b: {  	s3 =	sld [smem:$0x3FFD];
	_ =	sdelay $0x3  }
0x9c: {  	_ =	strace s3  }
0x9d: {  	_ =	strace $0x8FFFFFFF  }
0x9e: {  	s18 =	sld [smem:$0x3FDB];
	_ =	sdelay $0x1  }
0x9f: {  	s19 =	simm.s32 $_scs_section_size  }
0xa0: {  	s5 =	simm.s32 $_size__tile_overlayer_lowered;
	s6 =	simm.s32 $_tile_overlayer_lowered  }
0xa1: {  	s22 =	simm.s32 $0x1BFF;
	s21 =	sshll.u32 s6, $0x1;
	s3 =	sadd.s32 s19, s18  }
0xa2: {  	s7 =	simm.s32 $0x0;
	s20 =	sshll.u32 s5, $0x1;
	s5 =	sadd.s32 s21, s3  }
0xa3: {  	[timem:s7], [sflag:s22] =	dma.local [hbm:s5], s20  }
0xa4: {  	_ =	swait.ge [sflag:s22], s20  }
0xa5: {  	s4 =	ssub.s32 $0x0, s20;
	[sflag:s22] =	ssyncset.done $0x0  }
0xa6: {  	[sflag:s22] =	ssyncadd.s32 s4;
	_ =	sdelay $0x1  }
0xa7: {  	s23 =	simm.s32 $0x1B8B  }
0xa8: {  	_ =	swait.ge [sflag:s23], $0x1  }
0xa9: {  	[sflag:s23] =	ssyncset.done $0x0  }
0xaa: {  	s25 =	simm.s32 $0x1B8E;
	s24 =	sld [smem:$0x3FFE];
	[sflag:s23] =	ssyncadd.s32 $0xFFFFFFFF  }
0xab: {  	s26 =	simm.s32 $execute0_lowered;
	[smem:$0x3FD2] =	sst s25  }
0xac: {  	s5 =	sshll.u32 s26, $0x1;
	_ =	strace $0x80000046;
	[dreg:$0x1] =	wrdreg $0xFFFFFFFF  }
0xad: {  	s28 =	simm.s32 $_size_execute0_lowered;
	s3 =	sadd.s32 s3, s5;
	[dreg:$0x0] =	wrdreg $0x0  }
0xae: {  	s5 =	sshll.u32 s28, $0x1;
	[dreg:$0x2] =	wrdreg s3  }
0xaf: {  	[dreg:$0x3] =	wrdreg s5  }
0xb0: {  	[dreg:$0x4] =	wrdreg $0xC0  }
0xb1: {  	_ =	task [dreg:s7], $0x5FFFF  }
0xb2: {  	[dreg:$0x1] =	wrdreg $0xFFFFFFFF  }
0xb3: {  	[dreg:$0x0] =	wrdreg $0x60  }
0xb4: {  	[dreg:$0x2] =	wrdreg s16  }
0xb5: {  	[dreg:$0x3] =	wrdreg s24  }
0xb6: {  	[dreg:$0x4] =	wrdreg $0x67000  }
0xb7: {  	[dreg:$0x5] =	wrdreg $0x9  }
0xb8: {  	_ =	task.clear_ibuf [dreg:s7], $0x6FFFF;
	_ =	strace $0x90000046  }
0xb9: {  	s29 =	simm.s32 $0x9;
	_ =	strace $0x80000048  }
0xba: {  	_ =	swait.ge [sflag:s29], $0x1  }
0xbb: {  	[sflag:s29] =	ssyncadd.s32 $0xFFFFFFFF  }
0xbc: {  	_ =	strace $0x90000048  }
0xbd: {  	_ =	sfence  }
0xbe: {  	s30 =	sld [smem:$0x0];
	_ =	sdelay $0x2  }
0xbf: {  	s31 =	sshll.u32 s1, $0xD;
	s1 =	sshrl.u32 s1, $0x2  }
0xc0: {  	s3 =	sand.u32 $0x4000, s31;
	s1 =	sadd.s32 s1, s30  }
0xc1: {  	s0 =	sor.u32 s3, s0;
	s1 =	sshll.u32 s1, $0x11  }
0xc2: {  	s0 =	sor.u32 s1, s0  }
0xc3: {  	s0 =	sadd.s32 $0x8F2B, s0  }
0xc4: {  	[sflag:s0] =	ssyncadd.remote.s32 $0x1  }
0xc5: {  	_ =	sfence.sel $0xFFFF  }
0xc6: {  	[dreg:$0x0] =	wrdreg $0xFFFFFFFF;
	(pc) =	sbr.abs _section_cstart, $3  }
0xc7: {  	[dreg:$0x1] =	wrdreg $0xFFFFFFFF  }
0xc8: {  	_ =	task.clear_ibuf [dreg:s7], $0x2FFFF;
	_ =	strace $0x9FFFFFFF  }
0xc9: {  	(tm) =	ssettm $0x7FFFFFFF  }
tec
execute0_lowered:
.L_overlay_start_1:
0x0: {  	(tag) =	ssettag $0x1  }
0x1: {  	s1 =	rddreg [dreg:$0x0]  }
0x2: {  	s2 =	srdreg.scid;
	s6 =	rddreg [dreg:$0x1]  }
0x3: {  	s0 =	stileid.u32;
	s3 =	rddreg [dreg:$0x2];
	s4 =	simm.s32 $0x0  }
0x4: {  	s13 =	simm.s32 $0x4F00;
	s14 =	simm.s32 $0x5700;
	s15 =	simm.s32 $0x1  }
0x5: {  	s16 =	simm.s32 $0x2;
	s17 =	simm.s32 $0x4E00;
	s18 =	simm.s32 $0x5F00  }
0x6: {  	s19 =	simm.s32 $0x4E80;
	s20 =	simm.s32 $0x0;
	s5 =	sand.u32 $0x1, s2  }
0x7: {  	s30 =	sshll.u32 s0, $0x1;
	s8 =	smul.u32 $0x2800, s0;
	[smem:$0x7FF] =	sst s4  }
0x8: {  	s31 =	sshll.u32 s0, $0x6;
	s2 =	sor.u32 s5, s30;
	s9 =	smul.u32 $0x28000, s5  }
0x9: {  	s5 =	ssub.s32 $0x2, s5;
	s7 =	smul.u32 $0x4F0, s2;
	s2 =	rddreg [dreg:$0x3]  }
0xa: {  	_ =	strace $0x80000047;
	s10 =	sshrl.u32 s8, $0x3;
	s11 =	sshrl.u32 s5, $0x1  }
0xb: {  	s12 =	sadd.s32 s8, s3;
	s9 =	sadd.s32 s8, s9;
	s10 =	sadd.s32 s10, s6  }
0xc: {  	s11 =	ssub.s32 s5, s11;
	s7 =	sadd.s32 s7, s6;
	s9 =	sshrl.u32 s9, $0x3  }
0xd: {  	s9 =	sadd.s32 s9, s6;
	s5 =	sadd.s32 $0xCA00, s7;
	s6 =	sadd.s32 $0x2C00, s7  }
0xe: {  	s7 =	sadd.s32 $0x16800, s10;
	s10 =	sor.u32 $0x1C02, s31;
	s8 =	sadd.s32 $0x1B800, s9  }
0xf: {  	s9 =	smax.u32 s11, $0x1;
	s11 =	sshrl.u32 s12, $0x3;
	s12 =	simm.s32 $0x80  }
.LBB2_1:
0x10: {  	[tilespmem:s4], [sflag:$0x2] =	stream.linear.gather [hbm4b:s5+s4], $0x2780, $0x38;
	[tilespmem:$0x8F00] =	vst v63  }
0x11: {  	_ =	swait.ge [sflag:s16], $0x2780  }
0x12: {  	[sflag:s16] =	ssyncset.done $0x0  }
0x13: {  	s21 =	simm.s32 $0x2780;
	s22 =	smul.u32 $0xAB, s16;
	[sflag:s16] =	ssyncadd.s32 $0xFFFFD880  }
0x14: {  	[tilespmem:s21], [sflag:$0x2] =	stream.linear.gather [hbm4b:s6+s4], $0x2780, $0x38;
	[tilespmem:$0x8F00] =	vst v63  }
0x15: {  	_ =	swait.ge [sflag:s16], $0x2780  }
0x16: {  	s23 =	sadd.s32 $0xFFFFFEAA, s22;
	s22 =	sshrl.u32 s22, $0x9;
	[sflag:s16] =	ssyncset.done $0x0  }
0x17: {  	s23 =	sshrl.u32 s23, $0x9;
	s22 =	sand.u32 $0x7F, s22;
	[sflag:s16] =	ssyncadd.s32 $0xFFFFD880  }
0x18: {  	[spmem:s11], [sflag:s10] =	dma.local [hbm:s7], $0x500  }
0x19: {  	s23 =	sand.u32 $0x7F, s23;
	s22 =	smul.u32 $0x3, s22;
	_ =	swait.ge [sflag:s16], $0x500  }
0x1a: {  	s23 =	smul.u32 $0x3, s23;
	[sflag:s16] =	ssyncset.done $0x0  }
0x1b: {  	[sflag:s16] =	ssyncadd.s32 $0xFFFFFB00  }
0x1c: {  	s22 =	ssub.s32 $0x2, s22;
	s23 =	ssub.s32 $0x2, s23;
	[bflag:$0x0] =	sbarrier.arrive $0xFFFF  }
0x1d: {  	[tilespmem:s13], [sflag:$0x1] =	stream.indirect.gather [hbm4b:s1+s12], $0x10, s4, s12, $0xb8;
	[tilespmem:$0x8F00] =	vst v63  }
0x1e: {  	s24 =	simm.s32 $0x100;
	s22 =	sand.u32 $0xFF, s22;
	s23 =	sadd.s32 $0xFFFFFFFE, s23  }
0x1f: {  	[tilespmem:s14], [sflag:$0x1] =	stream.indirect.gather [hbm4b:s1+s12], $0x10, s12, s12, $0xb8;
	[tilespmem:$0x8F00] =	vst v63  }
0x20: {  	s22 =	sshll.u32 s22, $0xB;
	s23 =	sand.u32 $0xFF, s23;
	_ =	swait.ge [sflag:s15], $0x800  }
0x21: {  	s22 =	sadd.s32 $0x4F00, s22;
	s23 =	sshll.u32 s23, $0xB;
	[sflag:s15] =	ssyncset.done $0x0  }
0x22: {  	s31 =	sadd.s32 $0x4F00, s23;
	s23 =	simm.s32 $0x3;
	[sflag:s15] =	ssyncadd.s32 $0xFFFFF800  }
0x23: {  	[tilespmem:s22], [sflag:$0x1] =	stream.indirect.gather [hbm4b:s1+s12], $0x10, s24, s12, $0xb8;
	[tilespmem:$0x8F00] =	vst v63  }
0x24: {  	s25 =	smul.u32 $0xAB, s23  }
0x25: {  	[spmem:s3] =	stream.indirect.scatter.add.f32 [tilespmem:s31], [sflag:$0x2], $0x10, s21, s12, $0xb8;
	[tilespmem:$0x8F00] =	vst v63  }
0x26: {  	s24 =	simm.s32 $0x4;
	s22 =	simm.s32 $0x180;
	s21 =	simm.s32 $0x2800  }
.LBB2_2:
0x27: {  	s26 =	sadd.s32 $0xFFFFFEAA, s25;
	s25 =	sshrl.u32 s25, $0x9  }
0x28: {  	_ =	swait.ge [sflag:s16], $0x800;
	s28 =	smov.u32 s24;
	s29 =	smov.u32 s21  }
0x29: {  	s26 =	sshrl.u32 s26, $0x9;
	s25 =	sand.u32 $0x7F, s25;
	[sflag:s16] =	ssyncset.done $0x0  }
0x2a: {  	s26 =	sand.u32 $0x7F, s26;
	s25 =	smul.u32 $0x3, s25;
	[sflag:s16] =	ssyncadd.s32 $0xFFFFF800  }
0x2b: {  	p0 =	sne.s32 s24, $0x4E;
	s24 =	sadd.s32 $0x1, s24;
	s26 =	smul.u32 $0x3, s26  }
0x2c: {  	s25 =	ssub.s32 s23, s25  }
0x2d: {  	s26 =	ssub.s32 s23, s26;
	s25 =	sand.u32 $0xFF, s25;
	s23 =	smov.u32 s28  }
0x2e: {  	s26 =	sadd.s32 $0xFFFFFFFE, s26;
	_ =	swait.ge [sflag:s15], $0x800;
	s25 =	sshll.u32 s25, $0xB  }
0x2f: {  	s26 =	sand.u32 $0xFF, s26;
	[sflag:s15] =	ssyncset.done $0x0;
	s25 =	sadd.s32 $0x4F00, s25  }
.Ltmp0:
0x30: {  	s26 =	sshll.u32 s26, $0xB;
	[sflag:s15] =	ssyncadd.s32 $0xFFFFF800;
	(pc) =	sbr.rel @p0 .LBB2_2-.Ltmp0, $4  }
0x31: {  	s26 =	sadd.s32 $0x4F00, s26  }
0x32: {  	[tilespmem:s25], [sflag:$0x1] =	stream.indirect.gather [hbm4b:s1+s12], $0x10, s22, s12, $0xb8;
	[tilespmem:$0x8F00] =	vst v63  }
0x33: {  	s21 =	sadd.s32 $0x80, s21;
	s25 =	smul.u32 $0xAB, s23;
	s22 =	sadd.s32 $0x80, s22  }
0x34: {  	[spmem:s3] =	stream.indirect.scatter.add.f32 [tilespmem:s26], [sflag:$0x2], $0x10, s29, s12, $0xb8;
	[tilespmem:$0x8F00] =	vst v63  }
0x35: {  	s24 =	sadd.s32 $0xFFFFFEAA, s25;
	s28 =	sshrl.u32 s25, $0x9  }
0x36: {  	s24 =	sshrl.u32 s24, $0x9;
	s25 =	sand.u32 $0x7F, s28  }
0x37: {  	s24 =	sand.u32 $0x7F, s24;
	s25 =	smul.u32 $0x3, s25  }
0x38: {  	_ =	swait.ge [sflag:s16], $0x800;
	s24 =	smul.u32 $0x3, s24  }
0x39: {  	[sflag:s16] =	ssyncset.done $0x0  }
0x3a: {  	[sflag:s16] =	ssyncadd.s32 $0xFFFFF800;
	s25 =	ssub.s32 s23, s25;
	s29 =	ssub.s32 s23, s24  }
0x3b: {  	_ =	swait.ge [sflag:s15], $0x800;
	s30 =	sand.u32 $0xFF, s25;
	s23 =	sadd.s32 $0xFFFFFFFE, s29  }
0x3c: {  	[sflag:s15] =	ssyncset.done $0x0;
	s24 =	sshll.u32 s30, $0xB;
	s23 =	sand.u32 $0xFF, s23  }
0x3d: {  	[sflag:s15] =	ssyncadd.s32 $0xFFFFF800;
	s24 =	sadd.s32 $0x4F00, s24;
	s23 =	sshll.u32 s23, $0xB  }
0x3e: {  	[tilespmem:s24], [sflag:$0x1] =	stream.indirect.gather [hbm4b:s1+s12], $0x10, s22, s12, $0xb8;
	[tilespmem:$0x8F00] =	vst v63  }
0x3f: {  	s31 =	sadd.s32 $0x4F00, s23  }
0x40: {  	[spmem:s3] =	stream.indirect.scatter.add.f32 [tilespmem:s31], [sflag:$0x2], $0x10, s21, s12, $0xb8;
	[tilespmem:$0x8F00] =	vst v63  }
0x41: {  	_ =	swait.ge [sflag:s16], $0x800  }
0x42: {  	[sflag:s16] =	ssyncset.done $0x0  }
0x43: {  	[sflag:s16] =	ssyncadd.s32 $0xFFFFF800  }
0x44: {  	_ =	swait.ge [sflag:s15], $0x800  }
0x45: {  	[sflag:s15] =	ssyncset.done $0x0  }
0x46: {  	[sflag:s15] =	ssyncadd.s32 $0xFFFFF800  }
0x47: {  	[spmem:s3] =	stream.indirect.scatter.add.f32 [tilespmem:s18], [sflag:$0x2], $0x10, s17, s12, $0xb8;
	[tilespmem:$0x8F00] =	vst v63  }
0x48: {  	_ =	swait.ge [sflag:s16], $0x800  }
0x49: {  	[sflag:s16] =	ssyncset.done $0x0  }
0x4a: {  	[sflag:s16] =	ssyncadd.s32 $0xFFFFF800  }
0x4b: {  	_ =	swait.ge [sflag:s15], $0x800  }
0x4c: {  	[sflag:s15] =	ssyncset.done $0x0  }
0x4d: {  	[sflag:s15] =	ssyncadd.s32 $0xFFFFF800  }
0x4e: {  	[spmem:s3] =	stream.indirect.scatter.add.f32 [tilespmem:s13], [sflag:$0x2], $0x10, s19, s12, $0xb8;
	[tilespmem:$0x8F00] =	vst v63  }
0x4f: {  	_ =	swait.ge [sflag:s16], $0x800  }
0x50: {  	s20 =	sadd.s32 $0x1, s20;
	[sflag:s16] =	ssyncset.done $0x0  }
0x51: {  	p0 =	sne.s32 s20, s9;
	[sflag:s16] =	ssyncadd.s32 $0xFFFFF800  }
.Ltmp1:
0x52: {  	[bflag:$0x0] =	sbarrier.arrive $0xFFFF;
	(pc) =	sbr.rel @p0 .LBB2_1-.Ltmp1, $4  }
0x53: {  	[hbm:s8], [sflag:s10] =	dma.local [spmem:s11], $0x500  }
0x54: {  	_ =	swait.ge [sflag:s16], $0x500  }
0x55: {  	[sflag:s16] =	ssyncset.done $0x0  }
0x56: {  	[sflag:s16] =	ssyncadd.s32 $0xFFFFFB00  }
0x57: {  	_ =	sfence.sel $0x180000  }
0x58: {  	[bflag:$0x0] =	sbarrier.arrive $0xFFFF  }
0x59: {  	p0 =	sne.s32 s0, $0x0;
	_ =	strace $0x90000047  }
0x5a: {  	s0 =	sadd.s32 @!p0 $0x100000, s2;
	[bflag:$0x2] =	sbarrier.arrive $0xFFFF  }
0x5b: {  	[sflag:s0] =	ssyncadd.tile.s32 @!p0 $0x1;
	_ =	shalt  }
.Lfunc_end2:
_tile_overlayer_lowered:
.L_overlay_start_2:
0x5c: {  	(tag) =	ssettag $0x2  }
0x5d: {  	s0 =	rddreg [dreg:$0x0];
	s2 =	stileid.u32  }
0x5e: {  	s1 =	rddreg [dreg:$0x1];
	p0 =	sne.s32 s2, $0x0  }
0x5f: {  	s3 =	rddreg [dreg:$0x2];
	[bflag:$0x3] =	sbarrier.arrive $0xFFFF;
	s2 =	simm.s32 @!p0 $0x1C02  }
0x60: {  	[timem:s3], [sflag:s2] =	dma.local @!p0 [hbm:s0], s1  }
0x61: {  	s0 =	simm.s32 @!p0 $0x2  }
0x62: {  	_ =	swait.ge @!p0 [sflag:s0], s1  }
0x63: {  	s1 =	ssub.s32 @!p0 $0x0, s1;
	[sflag:s0] =	ssyncset.done @!p0 $0x0  }
0x64: {  	[sflag:s0] =	ssyncadd.s32 @!p0 s1  }
0x65: {  	[bflag:$0x3] =	sbarrier.arrive $0xFFFF  }
0x66: {  	_ =	shalt  }

</sc_bundles>
